<compile_context>
chip_gen: v7x
topology: tpu7x:2x2x1
jax: 0.10.2.dev20260603
libtpu: 0.0.44.dev20260713+nightly
codegen_flags: <defaults>
</compile_context>

<pallas_src>
import functools

import jax
import jax.numpy as jnp
from jax import lax
from jax.experimental import pallas as pl
from jax.experimental.pallas import tpu as pltpu, tpu_sc as plsc

_NC = 2
_NS = 16
_LANE = 16
_TR = 8
_BW = 2048


def _sc_body(B, L, D, Vp, tokT_hbm, tabT_hbm, out_t,
             tabT_v, trow_v, obuf_a, obuf_b, sem_a, sem_b):
    c = lax.axis_index("c")
    s = lax.axis_index("s")
    wid = s * _NC + c
    nhalf = B // _BW
    units_total = L * D // _TR * nhalf
    n_units = units_total // (_NC * _NS)
    u0 = wid * n_units

    pltpu.sync_copy(tabT_hbm.at[:, :], tabT_v)

    ng = _BW // _LANE

    def splat(x):
        return jnp.full((_LANE,), x, jnp.int32)

    def compute(tr, hoff, obuf):
        d0 = tr * _TR
        dvecs = [splat(d0 + d) for d in range(_TR)]

        @plsc.parallel_loop(0, ng, 1, unroll=2)
        def gloop(g):
            tokv = trow_v[pl.ds(hoff + g * _LANE, _LANE)]
            for d in range(_TR):
                v = plsc.load_gather(tabT_v, [dvecs[d], tokv])
                obuf[d, pl.ds(g * _LANE, _LANE)] = v

    def drain(obuf, sem):
        pltpu.make_async_copy(
            obuf, out_t.at[0, pl.ds(0, _TR), pl.ds(0, _BW)], sem).wait()

    bufs = [(obuf_a, sem_a), (obuf_b, sem_b)]

    def ubody(j, carry):
        u = u0 + j
        l = u // (nhalf * (D // _TR))
        rem = u % (nhalf * (D // _TR))
        half = rem // (D // _TR)
        tr = rem % (D // _TR)

        pl.when(jnp.logical_or(j == 0, rem == 0))(
            lambda: pltpu.sync_copy(tokT_hbm.at[l, :], trow_v))
        hoff = half * _BW

        for i, (ob, sm) in enumerate(bufs):
            @pl.when(j % 2 == i)
            def _(ob=ob, sm=sm):
                pl.when(j >= 2)(lambda: drain(ob, sm))
                compute(tr, hoff, ob)
                pltpu.async_copy(
                    ob, out_t.at[l, pl.ds(tr * _TR, _TR), pl.ds(half * _BW, _BW)],
                    sm)
        return carry

    lax.fori_loop(0, n_units, ubody, 0)
    for ob, sm in bufs:
        drain(ob, sm)


def kernel(tokens, embedding, embedding2):
    B, L = tokens.shape
    V, D = embedding.shape
    assert B % _BW == 0 and D % _TR == 0
    assert (L * (D // _TR) * (B // _BW)) % (_NC * _NS) == 0

    tokT = tokens.astype(jnp.int32).T
    Vp = 1024
    pad = ((0, 0), (0, Vp - V))

    mesh = plsc.VectorSubcoreMesh(core_axis_name="c", subcore_axis_name="s")
    run = pl.kernel(
        functools.partial(_sc_body, B, L, D, Vp),
        mesh=mesh,
        out_type=[jax.ShapeDtypeStruct((L, D, B), jnp.float32)],
        scratch_types=[
            pltpu.VMEM((D, Vp), jnp.float32),
            pltpu.VMEM((B,), jnp.int32),
            pltpu.VMEM((_TR, _BW), jnp.float32),
            pltpu.VMEM((_TR, _BW), jnp.float32),
            pltpu.SemaphoreType.DMA,
            pltpu.SemaphoreType.DMA,
        ],
        compiler_params=pltpu.CompilerParams(
            needs_layout_passes=False, disable_bounds_checks=True),
    )
    (o1,) = run(tokT, jnp.pad(embedding.T, pad))
    (o2,) = run(tokT, jnp.pad(embedding2.T, pad))
    return (o1.transpose(2, 0, 1), o2.transpose(2, 0, 1))

# --- scband reference (transcript-rebuilt; emitter-appended) ---
"""Pipeline reference for scband-idsencoder-71846212927804 (READ-ONLY COPY).

The authoritative reference and input builder live on the scoring server;
editing this copy changes nothing except your own understanding.
"""

import jax, jax.numpy as jnp
import numpy as np

NUM_TOKENS = 1000
N_EMBD = 64
BATCH = 4096
MAX_LEN = 200


def setup_inputs(seed: int = 0) -> dict:
    key = jax.random.key(seed)
    k_tok, k_e1, k_e2 = jax.random.split(key, 3)
    # In 'ids' input mode the module maps each IDS symbol sequence to token ids
    # padded to max_len; we model the already-tokenized batch directly.
    tokens = jax.random.randint(k_tok, (BATCH, MAX_LEN), 0, NUM_TOKENS, dtype=jnp.int64)
    # nn.Embedding default init ~ N(0, 1)
    embedding = jax.random.normal(k_e1, (NUM_TOKENS, N_EMBD), dtype=jnp.float32)
    embedding2 = jax.random.normal(k_e2, (NUM_TOKENS, N_EMBD), dtype=jnp.float32)
    return {"tokens": tokens, "embedding": embedding, "embedding2": embedding2}


def reference(tokens, embedding, embedding2):
    # forward(): for each element in the sequence, embed() produces
    # (embedding(tokens), embedding2(tokens)); results are stacked over batch.
    # Batched, this is two gathers from the two embedding tables.
    embed = jnp.take(embedding, tokens, axis=0)    # [B, max_len, n_embd]
    embed2 = jnp.take(embedding2, tokens, axis=0)  # [B, max_len, n_embd]
    return (embed, embed2)

if __name__ == "__main__":
    import jax
    _d = setup_inputs()
    print(jax.jit(kernel)(*tuple(_d.values())))

</pallas_src>

<mosaic_0001>
#map = affine_map<(d0, d1) -> (0, 0)>
#map1 = affine_map<(d0, d1) -> (0, 0, 0)>
module attributes {stable_mosaic.version = 14 : i64} {
  func.func @_sc_body(%arg0: i32, %arg1: i32, %arg2: memref<200x4096xi32, #tpu.memory_space<hbm>>, %arg3: memref<64x1024xf32, #tpu.memory_space<hbm>>, %arg4: memref<200x64x4096xf32, #tpu.memory_space<hbm>>, %arg5: memref<64x1024xf32, #tpu.memory_space<vmem>>, %arg6: memref<4096xi32, #tpu.memory_space<vmem>>, %arg7: memref<8x2048xf32, #tpu.memory_space<vmem>>, %arg8: memref<8x2048xf32, #tpu.memory_space<vmem>>, %arg9: memref<!tpu.dma_semaphore, #tpu.memory_space<semaphore_mem>>, %arg10: memref<!tpu.dma_semaphore, #tpu.memory_space<semaphore_mem>>) attributes {dimension_semantics = [#tpu.dimension_semantics<core_parallel>, #tpu.dimension_semantics<subcore_parallel>], iteration_bounds = array<i64: 2, 16>, scalar_prefetch = 0 : i64, scratch_operands = 6 : i64, tpu.core_type = #tpu.core_type<sc_vector_subcore>, window_params = [{transform_indices = #map}, {transform_indices = #map}, {transform_indices = #map1}]} {
    %mul3A = arith.constant 2 : i32
    %mul3A_0 = arith.muli %arg1, %mul3A : i32
    %add3A = arith.addi %mul3A_0, %arg0 : i32
    %mul3A_1 = arith.constant 100 : i32
    %mul3A_2 = arith.muli %add3A, %mul3A_1 : i32
    "tpu.region"() ({
      %run_scoped3A = tpu.sem_alloc : memref<!tpu.dma_semaphore, #tpu.memory_space<semaphore_mem>>
      %dma_start3A = arith.constant 0 : i32
      %dma_start3A_25 = arith.constant 0 : i32
      %dma_start3A_26 = tpu.memref_slice %arg3[%dma_start3A, %dma_start3A_25] : memref<64x1024xf32, #tpu.memory_space<hbm>> -> memref<64x1024xf32, #tpu.memory_space<hbm>>
      %dma_start3A_27 = arith.constant 0 : i32
      %dma_start3A_28 = arith.constant 0 : i32
      %dma_start3A_29 = tpu.memref_slice %arg3[%dma_start3A_27, %dma_start3A_28] : memref<64x1024xf32, #tpu.memory_space<hbm>> -> memref<64x1024xf32, #tpu.memory_space<hbm>>
      tpu.enqueue_dma source(%dma_start3A_29 : memref<64x1024xf32, #tpu.memory_space<hbm>>) target(%arg5 : memref<64x1024xf32, #tpu.memory_space<vmem>>) target_semaphore(%run_scoped3A : memref<!tpu.dma_semaphore, #tpu.memory_space<semaphore_mem>>)
      %dma_wait3A_30 = arith.constant 0 : i32
      %dma_wait3A_31 = arith.constant 0 : i32
      %dma_wait3A_32 = tpu.memref_slice %arg3[%dma_wait3A_30, %dma_wait3A_31] : memref<64x1024xf32, #tpu.memory_space<hbm>> -> memref<64x1024xf32, #tpu.memory_space<hbm>>
      %dma_wait3A_33 = arith.constant 0 : i32
      %dma_wait3A_34 = arith.constant 0 : i32
      %dma_wait3A_35 = tpu.memref_slice %arg3[%dma_wait3A_33, %dma_wait3A_34] : memref<64x1024xf32, #tpu.memory_space<hbm>> -> memref<64x1024xf32, #tpu.memory_space<hbm>>
      tpu.wait_dma2 semaphore(%run_scoped3A : memref<!tpu.dma_semaphore, #tpu.memory_space<semaphore_mem>>) src(%dma_wait3A_35 : memref<64x1024xf32, #tpu.memory_space<hbm>>) dst(%arg5 : memref<64x1024xf32, #tpu.memory_space<vmem>>)
      tpu.yield
    }) : () -> ()
    %scan3A = arith.constant 0 : i32
    %scan3A_3 = arith.constant 0 : i32
    %scan3A_4 = arith.constant 100 : i32
    %scan3A_5 = arith.addi %scan3A_3, %scan3A_4 : i32
    %scan3A_6 = arith.constant 1 : i32
    scf.for %scan3A_25 = %scan3A_3 to %scan3A_5 step %scan3A_6  : i32 {
      %add3A_26 = arith.addi %mul3A_2, %scan3A_25 : i32
      %jit3A = arith.constant 16 : i32
      %div3A = arith.divsi %add3A_26, %jit3A : i32
      %sign3A = arith.constant 0 : i32
      %sign3A_27 = arith.cmpi sgt, %add3A_26, %sign3A : i32
      %sign3A_28 = arith.extui %sign3A_27 : i1 to i32
      %sign3A_29 = arith.constant 0 : i32
      %sign3A_30 = arith.cmpi slt, %add3A_26, %sign3A_29 : i32
      %sign3A_31 = arith.extui %sign3A_30 : i1 to i32
      %sign3A_32 = arith.subi %sign3A_28, %sign3A_31 : i32
      %sign3A_33 = arith.constant 0 : i32
      %sign3A_34 = arith.cmpi sgt, %jit3A, %sign3A_33 : i32
      %sign3A_35 = arith.extui %sign3A_34 : i1 to i32
      %sign3A_36 = arith.constant 0 : i32
      %sign3A_37 = arith.cmpi slt, %jit3A, %sign3A_36 : i32
      %sign3A_38 = arith.extui %sign3A_37 : i1 to i32
      %sign3A_39 = arith.subi %sign3A_35, %sign3A_38 : i32
      %ne3A = arith.cmpi ne, %sign3A_32, %sign3A_39 : i32
      %rem3A = arith.remsi %add3A_26, %jit3A : i32
      %ne3A_40 = arith.constant 0 : i32
      %ne3A_41 = arith.cmpi ne, %rem3A, %ne3A_40 : i32
      %and3A = arith.andi %ne3A, %ne3A_41 : i1
      %sub3A = arith.constant 1 : i32
      %sub3A_42 = arith.subi %div3A, %sub3A : i32
      %select_n3A = arith.select %and3A, %sub3A_42, %div3A : i32
      %jit3A_43 = arith.constant 16 : i32
      %eq3A = arith.constant 0 : i32
      %eq3A_44 = arith.cmpi eq, %jit3A_43, %eq3A : i32
      %jit3A_45 = arith.constant 1 : i32
      %select_n3A_46 = arith.select %eq3A_44, %jit3A_45, %jit3A_43 : i32
      %rem3A_47 = arith.remsi %add3A_26, %select_n3A_46 : i32
      %ne3A_48 = arith.constant 0 : i32
      %ne3A_49 = arith.cmpi ne, %rem3A_47, %ne3A_48 : i32
      %lt3A = arith.constant 0 : i32
      %lt3A_50 = arith.cmpi slt, %rem3A_47, %lt3A : i32
      %lt3A_51 = arith.constant 0 : i32
      %lt3A_52 = arith.cmpi slt, %select_n3A_46, %lt3A_51 : i32
      %ne3A_53 = arith.xori %lt3A_50, %lt3A_52 : i1
      %and3A_54 = arith.andi %ne3A_53, %ne3A_49 : i1
      %add3A_55 = arith.addi %rem3A_47, %select_n3A_46 : i32
      %select_n3A_56 = arith.select %and3A_54, %add3A_55, %rem3A_47 : i32
      %jit3A_57 = arith.constant 8 : i32
      %div3A_58 = arith.divsi %select_n3A_56, %jit3A_57 : i32
      %sign3A_59 = arith.constant 0 : i32
      %sign3A_60 = arith.cmpi sgt, %select_n3A_56, %sign3A_59 : i32
      %sign3A_61 = arith.extui %sign3A_60 : i1 to i32
      %sign3A_62 = arith.constant 0 : i32
      %sign3A_63 = arith.cmpi slt, %select_n3A_56, %sign3A_62 : i32
      %sign3A_64 = arith.extui %sign3A_63 : i1 to i32
      %sign3A_65 = arith.subi %sign3A_61, %sign3A_64 : i32
      %sign3A_66 = arith.constant 0 : i32
      %sign3A_67 = arith.cmpi sgt, %jit3A_57, %sign3A_66 : i32
      %sign3A_68 = arith.extui %sign3A_67 : i1 to i32
      %sign3A_69 = arith.constant 0 : i32
      %sign3A_70 = arith.cmpi slt, %jit3A_57, %sign3A_69 : i32
      %sign3A_71 = arith.extui %sign3A_70 : i1 to i32
      %sign3A_72 = arith.subi %sign3A_68, %sign3A_71 : i32
      %ne3A_73 = arith.cmpi ne, %sign3A_65, %sign3A_72 : i32
      %rem3A_74 = arith.remsi %select_n3A_56, %jit3A_57 : i32
      %ne3A_75 = arith.constant 0 : i32
      %ne3A_76 = arith.cmpi ne, %rem3A_74, %ne3A_75 : i32
      %and3A_77 = arith.andi %ne3A_73, %ne3A_76 : i1
      %sub3A_78 = arith.constant 1 : i32
      %sub3A_79 = arith.subi %div3A_58, %sub3A_78 : i32
      %select_n3A_80 = arith.select %and3A_77, %sub3A_79, %div3A_58 : i32
      %jit3A_81 = arith.constant 8 : i32
      %eq3A_82 = arith.constant 0 : i32
      %eq3A_83 = arith.cmpi eq, %jit3A_81, %eq3A_82 : i32
      %jit3A_84 = arith.constant 1 : i32
      %select_n3A_85 = arith.select %eq3A_83, %jit3A_84, %jit3A_81 : i32
      %rem3A_86 = arith.remsi %select_n3A_56, %select_n3A_85 : i32
      %ne3A_87 = arith.constant 0 : i32
      %ne3A_88 = arith.cmpi ne, %rem3A_86, %ne3A_87 : i32
      %lt3A_89 = arith.constant 0 : i32
      %lt3A_90 = arith.cmpi slt, %rem3A_86, %lt3A_89 : i32
      %lt3A_91 = arith.constant 0 : i32
      %lt3A_92 = arith.cmpi slt, %select_n3A_85, %lt3A_91 : i32
      %ne3A_93 = arith.xori %lt3A_90, %lt3A_92 : i1
      %and3A_94 = arith.andi %ne3A_93, %ne3A_88 : i1
      %add3A_95 = arith.addi %rem3A_86, %select_n3A_85 : i32
      %select_n3A_96 = arith.select %and3A_94, %add3A_95, %rem3A_86 : i32
      %eq3A_97 = arith.constant 0 : i32
      %eq3A_98 = arith.cmpi eq, %scan3A_25, %eq3A_97 : i32
      %eq3A_99 = arith.constant 0 : i32
      %eq3A_100 = arith.cmpi eq, %select_n3A_56, %eq3A_99 : i32
      %or3A = arith.ori %eq3A_98, %eq3A_100 : i1
      %convert_element_type3A = arith.extui %or3A : i1 to i32
      %cond3A = arith.constant 0 : i32
      %cond3A_101 = arith.cmpi ne, %convert_element_type3A, %cond3A : i32
      scf.if %cond3A_101 {
        "tpu.region"() ({
          %run_scoped3A = tpu.sem_alloc : memref<!tpu.dma_semaphore, #tpu.memory_space<semaphore_mem>>
          %dma_start3A = arith.constant 0 : i32
          %dma_start3A_146 = tpu.memref_slice %arg2[%select_n3A, %dma_start3A] : memref<200x4096xi32, #tpu.memory_space<hbm>> -> memref<1x4096xi32, #tpu.memory_space<hbm>>
          %dma_start3A_147 = tpu.memref_squeeze %dma_start3A_146 : memref<1x4096xi32, #tpu.memory_space<hbm>> -> memref<4096xi32, #tpu.memory_space<hbm>>
          %dma_start3A_148 = arith.constant 0 : i32
          %dma_start3A_149 = tpu.memref_slice %arg2[%select_n3A, %dma_start3A_148] : memref<200x4096xi32, #tpu.memory_space<hbm>> -> memref<1x4096xi32, #tpu.memory_space<hbm>>
          %dma_start3A_150 = tpu.memref_squeeze %dma_start3A_149 : memref<1x4096xi32, #tpu.memory_space<hbm>> -> memref<4096xi32, #tpu.memory_space<hbm>>
          tpu.enqueue_dma source(%dma_start3A_150 : memref<4096xi32, #tpu.memory_space<hbm>>) target(%arg6 : memref<4096xi32, #tpu.memory_space<vmem>>) target_semaphore(%run_scoped3A : memref<!tpu.dma_semaphore, #tpu.memory_space<semaphore_mem>>)
          %dma_wait3A_151 = arith.constant 0 : i32
          %dma_wait3A_152 = tpu.memref_slice %arg2[%select_n3A, %dma_wait3A_151] : memref<200x4096xi32, #tpu.memory_space<hbm>> -> memref<1x4096xi32, #tpu.memory_space<hbm>>
          %dma_wait3A_153 = tpu.memref_squeeze %dma_wait3A_152 : memref<1x4096xi32, #tpu.memory_space<hbm>> -> memref<4096xi32, #tpu.memory_space<hbm>>
          %dma_wait3A_154 = arith.constant 0 : i32
          %dma_wait3A_155 = tpu.memref_slice %arg2[%select_n3A, %dma_wait3A_154] : memref<200x4096xi32, #tpu.memory_space<hbm>> -> memref<1x4096xi32, #tpu.memory_space<hbm>>
          %dma_wait3A_156 = tpu.memref_squeeze %dma_wait3A_155 : memref<1x4096xi32, #tpu.memory_space<hbm>> -> memref<4096xi32, #tpu.memory_space<hbm>>
          tpu.wait_dma2 semaphore(%run_scoped3A : memref<!tpu.dma_semaphore, #tpu.memory_space<semaphore_mem>>) src(%dma_wait3A_156 : memref<4096xi32, #tpu.memory_space<hbm>>) dst(%arg6 : memref<4096xi32, #tpu.memory_space<vmem>>)
          tpu.yield
        }) : () -> ()
      } else {
      }
      %mul3A_102 = arith.constant 2048 : i32
      %mul3A_103 = arith.muli %select_n3A_80, %mul3A_102 : i32
      %jit3A_104 = arith.constant 2 : i32
      %eq3A_105 = arith.constant 0 : i32
      %eq3A_106 = arith.cmpi eq, %jit3A_104, %eq3A_105 : i32
      %jit3A_107 = arith.constant 1 : i32
      %select_n3A_108 = arith.select %eq3A_106, %jit3A_107, %jit3A_104 : i32
      %rem3A_109 = arith.remsi %scan3A_25, %select_n3A_108 : i32
      %ne3A_110 = arith.constant 0 : i32
      %ne3A_111 = arith.cmpi ne, %rem3A_109, %ne3A_110 : i32
      %lt3A_112 = arith.constant 0 : i32
      %lt3A_113 = arith.cmpi slt, %rem3A_109, %lt3A_112 : i32
      %lt3A_114 = arith.constant 0 : i32
      %lt3A_115 = arith.cmpi slt, %select_n3A_108, %lt3A_114 : i32
      %ne3A_116 = arith.xori %lt3A_113, %lt3A_115 : i1
      %and3A_117 = arith.andi %ne3A_116, %ne3A_111 : i1
      %add3A_118 = arith.addi %rem3A_109, %select_n3A_108 : i32
      %select_n3A_119 = arith.select %and3A_117, %add3A_118, %rem3A_109 : i32
      %eq3A_120 = arith.constant 0 : i32
      %eq3A_121 = arith.cmpi eq, %select_n3A_119, %eq3A_120 : i32
      %convert_element_type3A_122 = arith.extui %eq3A_121 : i1 to i32
      %cond3A_123 = arith.constant 0 : i32
      %cond3A_124 = arith.cmpi ne, %convert_element_type3A_122, %cond3A_123 : i32
      scf.if %cond3A_124 {
        %ge3A = arith.constant 2 : i32
        %ge3A_146 = arith.cmpi sge, %scan3A_25, %ge3A : i32
        %convert_element_type3A_147 = arith.extui %ge3A_146 : i1 to i32
        %cond3A_148 = arith.constant 0 : i32
        %cond3A_149 = arith.cmpi ne, %convert_element_type3A_147, %cond3A_148 : i32
        scf.if %cond3A_149 {
          %dma_wait3A_184 = arith.constant 0 : i32
          %dma_wait3A_185 = arith.constant 0 : i32
          %dma_wait3A_186 = arith.constant 0 : i32
          %dma_wait3A_187 = tpu.memref_slice %arg4[%dma_wait3A_184, %dma_wait3A_185, %dma_wait3A_186] : memref<200x64x4096xf32, #tpu.memory_space<hbm>> -> memref<1x8x2048xf32, #tpu.memory_space<hbm>>
          %dma_wait3A_188 = tpu.memref_squeeze %dma_wait3A_187 : memref<1x8x2048xf32, #tpu.memory_space<hbm>> -> memref<8x2048xf32, #tpu.memory_space<hbm>>
          %dma_wait3A_189 = arith.constant 0 : i32
          %dma_wait3A_190 = arith.constant 0 : i32
          %dma_wait3A_191 = tpu.memref_slice %arg4[%dma_wait3A_184, %dma_wait3A_189, %dma_wait3A_190] : memref<200x64x4096xf32, #tpu.memory_space<hbm>> -> memref<1x8x2048xf32, #tpu.memory_space<hbm>>
          %dma_wait3A_192 = tpu.memref_squeeze %dma_wait3A_191 : memref<1x8x2048xf32, #tpu.memory_space<hbm>> -> memref<8x2048xf32, #tpu.memory_space<hbm>>
          tpu.wait_dma2 semaphore(%arg9 : memref<!tpu.dma_semaphore, #tpu.memory_space<semaphore_mem>>) src(%arg7 : memref<8x2048xf32, #tpu.memory_space<vmem>>) dst(%dma_wait3A_192 : memref<8x2048xf32, #tpu.memory_space<hbm>>)
        } else {
        }
        %mul3A_150 = arith.constant 8 : i32
        %mul3A_151 = arith.muli %select_n3A_96, %mul3A_150 : i32
        %add3A_152 = arith.constant 0 : i32
        %add3A_153 = arith.addi %mul3A_151, %add3A_152 : i32
        %broadcast_in_dim3A = vector.broadcast %add3A_153 : i32 to vector<16xi32>
        %add3A_154 = arith.constant 1 : i32
        %add3A_155 = arith.addi %mul3A_151, %add3A_154 : i32
        %broadcast_in_dim3A_156 = vector.broadcast %add3A_155 : i32 to vector<16xi32>
        %add3A_157 = arith.constant 2 : i32
        %add3A_158 = arith.addi %mul3A_151, %add3A_157 : i32
        %broadcast_in_dim3A_159 = vector.broadcast %add3A_158 : i32 to vector<16xi32>
        %add3A_160 = arith.constant 3 : i32
        %add3A_161 = arith.addi %mul3A_151, %add3A_160 : i32
        %broadcast_in_dim3A_162 = vector.broadcast %add3A_161 : i32 to vector<16xi32>
        %add3A_163 = arith.constant 4 : i32
        %add3A_164 = arith.addi %mul3A_151, %add3A_163 : i32
        %broadcast_in_dim3A_165 = vector.broadcast %add3A_164 : i32 to vector<16xi32>
        %add3A_166 = arith.constant 5 : i32
        %add3A_167 = arith.addi %mul3A_151, %add3A_166 : i32
        %broadcast_in_dim3A_168 = vector.broadcast %add3A_167 : i32 to vector<16xi32>
        %add3A_169 = arith.constant 6 : i32
        %add3A_170 = arith.addi %mul3A_151, %add3A_169 : i32
        %broadcast_in_dim3A_171 = vector.broadcast %add3A_170 : i32 to vector<16xi32>
        %add3A_172 = arith.constant 7 : i32
        %add3A_173 = arith.addi %mul3A_151, %add3A_172 : i32
        %broadcast_in_dim3A_174 = vector.broadcast %add3A_173 : i32 to vector<16xi32>
        %parallel_loop3A = arith.constant 0 : i32
        %parallel_loop3A_175 = arith.constant 128 : i32
        %parallel_loop3A_176 = arith.constant 1 : i32
        scf.for %parallel_loop3A_184 = %parallel_loop3A to %parallel_loop3A_175 step %parallel_loop3A_176  : i32 {
          %parallel_loop3A_185 = arith.constant 16 : i32
          %parallel_loop3A_186 = arith.muli %parallel_loop3A_184, %parallel_loop3A_185 : i32
          %parallel_loop3A_187 = arith.addi %mul3A_103, %parallel_loop3A_186 : i32
          %parallel_loop3A_188 = arith.index_cast %parallel_loop3A_187 : i32 to index
          %parallel_loop3A_189 = tpu.vector_load %arg6[%parallel_loop3A_188] {strides = array<i32>} : memref<4096xi32, #tpu.memory_space<vmem>>, vector<16xi32>,
          %parallel_loop3A_190 = tpu.vector_load_idx %arg5[%broadcast_in_dim3A, %parallel_loop3A_189] : memref<64x1024xf32, #tpu.memory_space<vmem>>[vector<16xi32>, vector<16xi32>], vector<16xf32>,
          %parallel_loop3A_191 = arith.constant 16 : i32
          %parallel_loop3A_192 = arith.muli %parallel_loop3A_184, %parallel_loop3A_191 : i32
          %parallel_loop3A_193 = arith.constant 0 : i32
          %parallel_loop3A_194 = arith.index_cast %parallel_loop3A_193 : i32 to index
          %parallel_loop3A_195 = arith.index_cast %parallel_loop3A_192 : i32 to index
          %parallel_loop3A_196 = tpu.vector_load %arg7[%parallel_loop3A_194, %parallel_loop3A_195] {strides = array<i32>} : memref<8x2048xf32, #tpu.memory_space<vmem>>, vector<16xf32>,
          tpu.vector_store %arg7[%parallel_loop3A_194, %parallel_loop3A_195], %parallel_loop3A_190 {strides = array<i32>} : memref<8x2048xf32, #tpu.memory_space<vmem>>, vector<16xf32>,
          %parallel_loop3A_197 = tpu.vector_load_idx %arg5[%broadcast_in_dim3A_156, %parallel_loop3A_189] : memref<64x1024xf32, #tpu.memory_space<vmem>>[vector<16xi32>, vector<16xi32>], vector<16xf32>,
          %parallel_loop3A_198 = arith.constant 16 : i32
          %parallel_loop3A_199 = arith.muli %parallel_loop3A_184, %parallel_loop3A_198 : i32
          %parallel_loop3A_200 = arith.constant 1 : i32
          %parallel_loop3A_201 = arith.index_cast %parallel_loop3A_200 : i32 to index
          %parallel_loop3A_202 = arith.index_cast %parallel_loop3A_199 : i32 to index
          %parallel_loop3A_203 = tpu.vector_load %arg7[%parallel_loop3A_201, %parallel_loop3A_202] {strides = array<i32>} : memref<8x2048xf32, #tpu.memory_space<vmem>>, vector<16xf32>,
          tpu.vector_store %arg7[%parallel_loop3A_201, %parallel_loop3A_202], %parallel_loop3A_197 {strides = array<i32>} : memref<8x2048xf32, #tpu.memory_space<vmem>>, vector<16xf32>,
          %parallel_loop3A_204 = tpu.vector_load_idx %arg5[%broadcast_in_dim3A_159, %parallel_loop3A_189] : memref<64x1024xf32, #tpu.memory_space<vmem>>[vector<16xi32>, vector<16xi32>], vector<16xf32>,
          %parallel_loop3A_205 = arith.constant 16 : i32
          %parallel_loop3A_206 = arith.muli %parallel_loop3A_184, %parallel_loop3A_205 : i32
          %parallel_loop3A_207 = arith.constant 2 : i32
          %parallel_loop3A_208 = arith.index_cast %parallel_loop3A_207 : i32 to index
          %parallel_loop3A_209 = arith.index_cast %parallel_loop3A_206 : i32 to index
          %parallel_loop3A_210 = tpu.vector_load %arg7[%parallel_loop3A_208, %parallel_loop3A_209] {strides = array<i32>} : memref<8x2048xf32, #tpu.memory_space<vmem>>, vector<16xf32>,
          tpu.vector_store %arg7[%parallel_loop3A_208, %parallel_loop3A_209], %parallel_loop3A_204 {strides = array<i32>} : memref<8x2048xf32, #tpu.memory_space<vmem>>, vector<16xf32>,
          %parallel_loop3A_211 = tpu.vector_load_idx %arg5[%broadcast_in_dim3A_162, %parallel_loop3A_189] : memref<64x1024xf32, #tpu.memory_space<vmem>>[vector<16xi32>, vector<16xi32>], vector<16xf32>,
          %parallel_loop3A_212 = arith.constant 16 : i32
          %parallel_loop3A_213 = arith.muli %parallel_loop3A_184, %parallel_loop3A_212 : i32
          %parallel_loop3A_214 = arith.constant 3 : i32
          %parallel_loop3A_215 = arith.index_cast %parallel_loop3A_214 : i32 to index
          %parallel_loop3A_216 = arith.index_cast %parallel_loop3A_213 : i32 to index
          %parallel_loop3A_217 = tpu.vector_load %arg7[%parallel_loop3A_215, %parallel_loop3A_216] {strides = array<i32>} : memref<8x2048xf32, #tpu.memory_space<vmem>>, vector<16xf32>,
          tpu.vector_store %arg7[%parallel_loop3A_215, %parallel_loop3A_216], %parallel_loop3A_211 {strides = array<i32>} : memref<8x2048xf32, #tpu.memory_space<vmem>>, vector<16xf32>,
          %parallel_loop3A_218 = tpu.vector_load_idx %arg5[%broadcast_in_dim3A_165, %parallel_loop3A_189] : memref<64x1024xf32, #tpu.memory_space<vmem>>[vector<16xi32>, vector<16xi32>], vector<16xf32>,
          %parallel_loop3A_219 = arith.constant 16 : i32
          %parallel_loop3A_220 = arith.muli %parallel_loop3A_184, %parallel_loop3A_219 : i32
          %parallel_loop3A_221 = arith.constant 4 : i32
          %parallel_loop3A_222 = arith.index_cast %parallel_loop3A_221 : i32 to index
          %parallel_loop3A_223 = arith.index_cast %parallel_loop3A_220 : i32 to index
          %parallel_loop3A_224 = tpu.vector_load %arg7[%parallel_loop3A_222, %parallel_loop3A_223] {strides = array<i32>} : memref<8x2048xf32, #tpu.memory_space<vmem>>, vector<16xf32>,
          tpu.vector_store %arg7[%parallel_loop3A_222, %parallel_loop3A_223], %parallel_loop3A_218 {strides = array<i32>} : memref<8x2048xf32, #tpu.memory_space<vmem>>, vector<16xf32>,
          %parallel_loop3A_225 = tpu.vector_load_idx %arg5[%broadcast_in_dim3A_168, %parallel_loop3A_189] : memref<64x1024xf32, #tpu.memory_space<vmem>>[vector<16xi32>, vector<16xi32>], vector<16xf32>,
          %parallel_loop3A_226 = arith.constant 16 : i32
          %parallel_loop3A_227 = arith.muli %parallel_loop3A_184, %parallel_loop3A_226 : i32
          %parallel_loop3A_228 = arith.constant 5 : i32
          %parallel_loop3A_229 = arith.index_cast %parallel_loop3A_228 : i32 to index
          %parallel_loop3A_230 = arith.index_cast %parallel_loop3A_227 : i32 to index
          %parallel_loop3A_231 = tpu.vector_load %arg7[%parallel_loop3A_229, %parallel_loop3A_230] {strides = array<i32>} : memref<8x2048xf32, #tpu.memory_space<vmem>>, vector<16xf32>,
          tpu.vector_store %arg7[%parallel_loop3A_229, %parallel_loop3A_230], %parallel_loop3A_225 {strides = array<i32>} : memref<8x2048xf32, #tpu.memory_space<vmem>>, vector<16xf32>,
          %parallel_loop3A_232 = tpu.vector_load_idx %arg5[%broadcast_in_dim3A_171, %parallel_loop3A_189] : memref<64x1024xf32, #tpu.memory_space<vmem>>[vector<16xi32>, vector<16xi32>], vector<16xf32>,
          %parallel_loop3A_233 = arith.constant 16 : i32
          %parallel_loop3A_234 = arith.muli %parallel_loop3A_184, %parallel_loop3A_233 : i32
          %parallel_loop3A_235 = arith.constant 6 : i32
          %parallel_loop3A_236 = arith.index_cast %parallel_loop3A_235 : i32 to index
          %parallel_loop3A_237 = arith.index_cast %parallel_loop3A_234 : i32 to index
          %parallel_loop3A_238 = tpu.vector_load %arg7[%parallel_loop3A_236, %parallel_loop3A_237] {strides = array<i32>} : memref<8x2048xf32, #tpu.memory_space<vmem>>, vector<16xf32>,
          tpu.vector_store %arg7[%parallel_loop3A_236, %parallel_loop3A_237], %parallel_loop3A_232 {strides = array<i32>} : memref<8x2048xf32, #tpu.memory_space<vmem>>, vector<16xf32>,
          %parallel_loop3A_239 = tpu.vector_load_idx %arg5[%broadcast_in_dim3A_174, %parallel_loop3A_189] : memref<64x1024xf32, #tpu.memory_space<vmem>>[vector<16xi32>, vector<16xi32>], vector<16xf32>,
          %parallel_loop3A_240 = arith.constant 16 : i32
          %parallel_loop3A_241 = arith.muli %parallel_loop3A_184, %parallel_loop3A_240 : i32
          %parallel_loop3A_242 = arith.constant 7 : i32
          %parallel_loop3A_243 = arith.index_cast %parallel_loop3A_242 : i32 to index
          %parallel_loop3A_244 = arith.index_cast %parallel_loop3A_241 : i32 to index
          %parallel_loop3A_245 = tpu.vector_load %arg7[%parallel_loop3A_243, %parallel_loop3A_244] {strides = array<i32>} : memref<8x2048xf32, #tpu.memory_space<vmem>>, vector<16xf32>,
          tpu.vector_store %arg7[%parallel_loop3A_243, %parallel_loop3A_244], %parallel_loop3A_239 {strides = array<i32>} : memref<8x2048xf32, #tpu.memory_space<vmem>>, vector<16xf32>,
        } {sc.loop_unroll_factor = 2 : i64, sc.parallel_access}
        %mul3A_177 = arith.constant 8 : i32
        %mul3A_178 = arith.muli %select_n3A_96, %mul3A_177 : i32
        %mul3A_179 = arith.constant 2048 : i32
        %mul3A_180 = arith.muli %select_n3A_80, %mul3A_179 : i32
        %dma_start3A = tpu.memref_slice %arg4[%select_n3A, %mul3A_178, %mul3A_180] : memref<200x64x4096xf32, #tpu.memory_space<hbm>> -> memref<1x8x2048xf32, #tpu.memory_space<hbm>>
        %dma_start3A_181 = tpu.memref_squeeze %dma_start3A : memref<1x8x2048xf32, #tpu.memory_space<hbm>> -> memref<8x2048xf32, #tpu.memory_space<hbm>>
        %dma_start3A_182 = tpu.memref_slice %arg4[%select_n3A, %mul3A_178, %mul3A_180] : memref<200x64x4096xf32, #tpu.memory_space<hbm>> -> memref<1x8x2048xf32, #tpu.memory_space<hbm>>
        %dma_start3A_183 = tpu.memref_squeeze %dma_start3A_182 : memref<1x8x2048xf32, #tpu.memory_space<hbm>> -> memref<8x2048xf32, #tpu.memory_space<hbm>>
        tpu.enqueue_dma source(%arg7 : memref<8x2048xf32, #tpu.memory_space<vmem>>) target(%dma_start3A_183 : memref<8x2048xf32, #tpu.memory_space<hbm>>) target_semaphore(%arg9 : memref<!tpu.dma_semaphore, #tpu.memory_space<semaphore_mem>>)
      } else {
      }
      %jit3A_125 = arith.constant 2 : i32
      %eq3A_126 = arith.constant 0 : i32
      %eq3A_127 = arith.cmpi eq, %jit3A_125, %eq3A_126 : i32
      %jit3A_128 = arith.constant 1 : i32
      %select_n3A_129 = arith.select %eq3A_127, %jit3A_128, %jit3A_125 : i32
      %rem3A_130 = arith.remsi %scan3A_25, %select_n3A_129 : i32
      %ne3A_131 = arith.constant 0 : i32
      %ne3A_132 = arith.cmpi ne, %rem3A_130, %ne3A_131 : i32
      %lt3A_133 = arith.constant 0 : i32
      %lt3A_134 = arith.cmpi slt, %rem3A_130, %lt3A_133 : i32
      %lt3A_135 = arith.constant 0 : i32
      %lt3A_136 = arith.cmpi slt, %select_n3A_129, %lt3A_135 : i32
      %ne3A_137 = arith.xori %lt3A_134, %lt3A_136 : i1
      %and3A_138 = arith.andi %ne3A_137, %ne3A_132 : i1
      %add3A_139 = arith.addi %rem3A_130, %select_n3A_129 : i32
      %select_n3A_140 = arith.select %and3A_138, %add3A_139, %rem3A_130 : i32
      %eq3A_141 = arith.constant 1 : i32
      %eq3A_142 = arith.cmpi eq, %select_n3A_140, %eq3A_141 : i32
      %convert_element_type3A_143 = arith.extui %eq3A_142 : i1 to i32
      %cond3A_144 = arith.constant 0 : i32
      %cond3A_145 = arith.cmpi ne, %convert_element_type3A_143, %cond3A_144 : i32
      scf.if %cond3A_145 {
        %ge3A = arith.constant 2 : i32
        %ge3A_146 = arith.cmpi sge, %scan3A_25, %ge3A : i32
        %convert_element_type3A_147 = arith.extui %ge3A_146 : i1 to i32
        %cond3A_148 = arith.constant 0 : i32
        %cond3A_149 = arith.cmpi ne, %convert_element_type3A_147, %cond3A_148 : i32
        scf.if %cond3A_149 {
          %dma_wait3A_184 = arith.constant 0 : i32
          %dma_wait3A_185 = arith.constant 0 : i32
          %dma_wait3A_186 = arith.constant 0 : i32
          %dma_wait3A_187 = tpu.memref_slice %arg4[%dma_wait3A_184, %dma_wait3A_185, %dma_wait3A_186] : memref<200x64x4096xf32, #tpu.memory_space<hbm>> -> memref<1x8x2048xf32, #tpu.memory_space<hbm>>
          %dma_wait3A_188 = tpu.memref_squeeze %dma_wait3A_187 : memref<1x8x2048xf32, #tpu.memory_space<hbm>> -> memref<8x2048xf32, #tpu.memory_space<hbm>>
          %dma_wait3A_189 = arith.constant 0 : i32
          %dma_wait3A_190 = arith.constant 0 : i32
          %dma_wait3A_191 = tpu.memref_slice %arg4[%dma_wait3A_184, %dma_wait3A_189, %dma_wait3A_190] : memref<200x64x4096xf32, #tpu.memory_space<hbm>> -> memref<1x8x2048xf32, #tpu.memory_space<hbm>>
          %dma_wait3A_192 = tpu.memref_squeeze %dma_wait3A_191 : memref<1x8x2048xf32, #tpu.memory_space<hbm>> -> memref<8x2048xf32, #tpu.memory_space<hbm>>
          tpu.wait_dma2 semaphore(%arg10 : memref<!tpu.dma_semaphore, #tpu.memory_space<semaphore_mem>>) src(%arg8 : memref<8x2048xf32, #tpu.memory_space<vmem>>) dst(%dma_wait3A_192 : memref<8x2048xf32, #tpu.memory_space<hbm>>)
        } else {
        }
        %mul3A_150 = arith.constant 8 : i32
        %mul3A_151 = arith.muli %select_n3A_96, %mul3A_150 : i32
        %add3A_152 = arith.constant 0 : i32
        %add3A_153 = arith.addi %mul3A_151, %add3A_152 : i32
        %broadcast_in_dim3A = vector.broadcast %add3A_153 : i32 to vector<16xi32>
        %add3A_154 = arith.constant 1 : i32
        %add3A_155 = arith.addi %mul3A_151, %add3A_154 : i32
        %broadcast_in_dim3A_156 = vector.broadcast %add3A_155 : i32 to vector<16xi32>
        %add3A_157 = arith.constant 2 : i32
        %add3A_158 = arith.addi %mul3A_151, %add3A_157 : i32
        %broadcast_in_dim3A_159 = vector.broadcast %add3A_158 : i32 to vector<16xi32>
        %add3A_160 = arith.constant 3 : i32
        %add3A_161 = arith.addi %mul3A_151, %add3A_160 : i32
        %broadcast_in_dim3A_162 = vector.broadcast %add3A_161 : i32 to vector<16xi32>
        %add3A_163 = arith.constant 4 : i32
        %add3A_164 = arith.addi %mul3A_151, %add3A_163 : i32
        %broadcast_in_dim3A_165 = vector.broadcast %add3A_164 : i32 to vector<16xi32>
        %add3A_166 = arith.constant 5 : i32
        %add3A_167 = arith.addi %mul3A_151, %add3A_166 : i32
        %broadcast_in_dim3A_168 = vector.broadcast %add3A_167 : i32 to vector<16xi32>
        %add3A_169 = arith.constant 6 : i32
        %add3A_170 = arith.addi %mul3A_151, %add3A_169 : i32
        %broadcast_in_dim3A_171 = vector.broadcast %add3A_170 : i32 to vector<16xi32>
        %add3A_172 = arith.constant 7 : i32
        %add3A_173 = arith.addi %mul3A_151, %add3A_172 : i32
        %broadcast_in_dim3A_174 = vector.broadcast %add3A_173 : i32 to vector<16xi32>
        %parallel_loop3A = arith.constant 0 : i32
        %parallel_loop3A_175 = arith.constant 128 : i32
        %parallel_loop3A_176 = arith.constant 1 : i32
        scf.for %parallel_loop3A_184 = %parallel_loop3A to %parallel_loop3A_175 step %parallel_loop3A_176  : i32 {
          %parallel_loop3A_185 = arith.constant 16 : i32
          %parallel_loop3A_186 = arith.muli %parallel_loop3A_184, %parallel_loop3A_185 : i32
          %parallel_loop3A_187 = arith.addi %mul3A_103, %parallel_loop3A_186 : i32
          %parallel_loop3A_188 = arith.index_cast %parallel_loop3A_187 : i32 to index
          %parallel_loop3A_189 = tpu.vector_load %arg6[%parallel_loop3A_188] {strides = array<i32>} : memref<4096xi32, #tpu.memory_space<vmem>>, vector<16xi32>,
          %parallel_loop3A_190 = tpu.vector_load_idx %arg5[%broadcast_in_dim3A, %parallel_loop3A_189] : memref<64x1024xf32, #tpu.memory_space<vmem>>[vector<16xi32>, vector<16xi32>], vector<16xf32>,
          %parallel_loop3A_191 = arith.constant 16 : i32
          %parallel_loop3A_192 = arith.muli %parallel_loop3A_184, %parallel_loop3A_191 : i32
          %parallel_loop3A_193 = arith.constant 0 : i32
          %parallel_loop3A_194 = arith.index_cast %parallel_loop3A_193 : i32 to index
          %parallel_loop3A_195 = arith.index_cast %parallel_loop3A_192 : i32 to index
          %parallel_loop3A_196 = tpu.vector_load %arg8[%parallel_loop3A_194, %parallel_loop3A_195] {strides = array<i32>} : memref<8x2048xf32, #tpu.memory_space<vmem>>, vector<16xf32>,
          tpu.vector_store %arg8[%parallel_loop3A_194, %parallel_loop3A_195], %parallel_loop3A_190 {strides = array<i32>} : memref<8x2048xf32, #tpu.memory_space<vmem>>, vector<16xf32>,
          %parallel_loop3A_197 = tpu.vector_load_idx %arg5[%broadcast_in_dim3A_156, %parallel_loop3A_189] : memref<64x1024xf32, #tpu.memory_space<vmem>>[vector<16xi32>, vector<16xi32>], vector<16xf32>,
          %parallel_loop3A_198 = arith.constant 16 : i32
          %parallel_loop3A_199 = arith.muli %parallel_loop3A_184, %parallel_loop3A_198 : i32
          %parallel_loop3A_200 = arith.constant 1 : i32
          %parallel_loop3A_201 = arith.index_cast %parallel_loop3A_200 : i32 to index
          %parallel_loop3A_202 = arith.index_cast %parallel_loop3A_199 : i32 to index
          %parallel_loop3A_203 = tpu.vector_load %arg8[%parallel_loop3A_201, %parallel_loop3A_202] {strides = array<i32>} : memref<8x2048xf32, #tpu.memory_space<vmem>>, vector<16xf32>,
          tpu.vector_store %arg8[%parallel_loop3A_201, %parallel_loop3A_202], %parallel_loop3A_197 {strides = array<i32>} : memref<8x2048xf32, #tpu.memory_space<vmem>>, vector<16xf32>,
          %parallel_loop3A_204 = tpu.vector_load_idx %arg5[%broadcast_in_dim3A_159, %parallel_loop3A_189] : memref<64x1024xf32, #tpu.memory_space<vmem>>[vector<16xi32>, vector<16xi32>], vector<16xf32>,
          %parallel_loop3A_205 = arith.constant 16 : i32
          %parallel_loop3A_206 = arith.muli %parallel_loop3A_184, %parallel_loop3A_205 : i32
          %parallel_loop3A_207 = arith.constant 2 : i32
          %parallel_loop3A_208 = arith.index_cast %parallel_loop3A_207 : i32 to index
          %parallel_loop3A_209 = arith.index_cast %parallel_loop3A_206 : i32 to index
          %parallel_loop3A_210 = tpu.vector_load %arg8[%parallel_loop3A_208, %parallel_loop3A_209] {strides = array<i32>} : memref<8x2048xf32, #tpu.memory_space<vmem>>, vector<16xf32>,
          tpu.vector_store %arg8[%parallel_loop3A_208, %parallel_loop3A_209], %parallel_loop3A_204 {strides = array<i32>} : memref<8x2048xf32, #tpu.memory_space<vmem>>, vector<16xf32>,
          %parallel_loop3A_211 = tpu.vector_load_idx %arg5[%broadcast_in_dim3A_162, %parallel_loop3A_189] : memref<64x1024xf32, #tpu.memory_space<vmem>>[vector<16xi32>, vector<16xi32>], vector<16xf32>,
          %parallel_loop3A_212 = arith.constant 16 : i32
          %parallel_loop3A_213 = arith.muli %parallel_loop3A_184, %parallel_loop3A_212 : i32
          %parallel_loop3A_214 = arith.constant 3 : i32
          %parallel_loop3A_215 = arith.index_cast %parallel_loop3A_214 : i32 to index
          %parallel_loop3A_216 = arith.index_cast %parallel_loop3A_213 : i32 to index
          %parallel_loop3A_217 = tpu.vector_load %arg8[%parallel_loop3A_215, %parallel_loop3A_216] {strides = array<i32>} : memref<8x2048xf32, #tpu.memory_space<vmem>>, vector<16xf32>,
          tpu.vector_store %arg8[%parallel_loop3A_215, %parallel_loop3A_216], %parallel_loop3A_211 {strides = array<i32>} : memref<8x2048xf32, #tpu.memory_space<vmem>>, vector<16xf32>,
          %parallel_loop3A_218 = tpu.vector_load_idx %arg5[%broadcast_in_dim3A_165, %parallel_loop3A_189] : memref<64x1024xf32, #tpu.memory_space<vmem>>[vector<16xi32>, vector<16xi32>], vector<16xf32>,
          %parallel_loop3A_219 = arith.constant 16 : i32
          %parallel_loop3A_220 = arith.muli %parallel_loop3A_184, %parallel_loop3A_219 : i32
          %parallel_loop3A_221 = arith.constant 4 : i32
          %parallel_loop3A_222 = arith.index_cast %parallel_loop3A_221 : i32 to index
          %parallel_loop3A_223 = arith.index_cast %parallel_loop3A_220 : i32 to index
          %parallel_loop3A_224 = tpu.vector_load %arg8[%parallel_loop3A_222, %parallel_loop3A_223] {strides = array<i32>} : memref<8x2048xf32, #tpu.memory_space<vmem>>, vector<16xf32>,
          tpu.vector_store %arg8[%parallel_loop3A_222, %parallel_loop3A_223], %parallel_loop3A_218 {strides = array<i32>} : memref<8x2048xf32, #tpu.memory_space<vmem>>, vector<16xf32>,
          %parallel_loop3A_225 = tpu.vector_load_idx %arg5[%broadcast_in_dim3A_168, %parallel_loop3A_189] : memref<64x1024xf32, #tpu.memory_space<vmem>>[vector<16xi32>, vector<16xi32>], vector<16xf32>,
          %parallel_loop3A_226 = arith.constant 16 : i32
          %parallel_loop3A_227 = arith.muli %parallel_loop3A_184, %parallel_loop3A_226 : i32
          %parallel_loop3A_228 = arith.constant 5 : i32
          %parallel_loop3A_229 = arith.index_cast %parallel_loop3A_228 : i32 to index
          %parallel_loop3A_230 = arith.index_cast %parallel_loop3A_227 : i32 to index
          %parallel_loop3A_231 = tpu.vector_load %arg8[%parallel_loop3A_229, %parallel_loop3A_230] {strides = array<i32>} : memref<8x2048xf32, #tpu.memory_space<vmem>>, vector<16xf32>,
          tpu.vector_store %arg8[%parallel_loop3A_229, %parallel_loop3A_230], %parallel_loop3A_225 {strides = array<i32>} : memref<8x2048xf32, #tpu.memory_space<vmem>>, vector<16xf32>,
          %parallel_loop3A_232 = tpu.vector_load_idx %arg5[%broadcast_in_dim3A_171, %parallel_loop3A_189] : memref<64x1024xf32, #tpu.memory_space<vmem>>[vector<16xi32>, vector<16xi32>], vector<16xf32>,
          %parallel_loop3A_233 = arith.constant 16 : i32
          %parallel_loop3A_234 = arith.muli %parallel_loop3A_184, %parallel_loop3A_233 : i32
          %parallel_loop3A_235 = arith.constant 6 : i32
          %parallel_loop3A_236 = arith.index_cast %parallel_loop3A_235 : i32 to index
          %parallel_loop3A_237 = arith.index_cast %parallel_loop3A_234 : i32 to index
          %parallel_loop3A_238 = tpu.vector_load %arg8[%parallel_loop3A_236, %parallel_loop3A_237] {strides = array<i32>} : memref<8x2048xf32, #tpu.memory_space<vmem>>, vector<16xf32>,
          tpu.vector_store %arg8[%parallel_loop3A_236, %parallel_loop3A_237], %parallel_loop3A_232 {strides = array<i32>} : memref<8x2048xf32, #tpu.memory_space<vmem>>, vector<16xf32>,
          %parallel_loop3A_239 = tpu.vector_load_idx %arg5[%broadcast_in_dim3A_174, %parallel_loop3A_189] : memref<64x1024xf32, #tpu.memory_space<vmem>>[vector<16xi32>, vector<16xi32>], vector<16xf32>,
          %parallel_loop3A_240 = arith.constant 16 : i32
          %parallel_loop3A_241 = arith.muli %parallel_loop3A_184, %parallel_loop3A_240 : i32
          %parallel_loop3A_242 = arith.constant 7 : i32
          %parallel_loop3A_243 = arith.index_cast %parallel_loop3A_242 : i32 to index
          %parallel_loop3A_244 = arith.index_cast %parallel_loop3A_241 : i32 to index
          %parallel_loop3A_245 = tpu.vector_load %arg8[%parallel_loop3A_243, %parallel_loop3A_244] {strides = array<i32>} : memref<8x2048xf32, #tpu.memory_space<vmem>>, vector<16xf32>,
          tpu.vector_store %arg8[%parallel_loop3A_243, %parallel_loop3A_244], %parallel_loop3A_239 {strides = array<i32>} : memref<8x2048xf32, #tpu.memory_space<vmem>>, vector<16xf32>,
        } {sc.loop_unroll_factor = 2 : i64, sc.parallel_access}
        %mul3A_177 = arith.constant 8 : i32
        %mul3A_178 = arith.muli %select_n3A_96, %mul3A_177 : i32
        %mul3A_179 = arith.constant 2048 : i32
        %mul3A_180 = arith.muli %select_n3A_80, %mul3A_179 : i32
        %dma_start3A = tpu.memref_slice %arg4[%select_n3A, %mul3A_178, %mul3A_180] : memref<200x64x4096xf32, #tpu.memory_space<hbm>> -> memref<1x8x2048xf32, #tpu.memory_space<hbm>>
        %dma_start3A_181 = tpu.memref_squeeze %dma_start3A : memref<1x8x2048xf32, #tpu.memory_space<hbm>> -> memref<8x2048xf32, #tpu.memory_space<hbm>>
        %dma_start3A_182 = tpu.memref_slice %arg4[%select_n3A, %mul3A_178, %mul3A_180] : memref<200x64x4096xf32, #tpu.memory_space<hbm>> -> memref<1x8x2048xf32, #tpu.memory_space<hbm>>
        %dma_start3A_183 = tpu.memref_squeeze %dma_start3A_182 : memref<1x8x2048xf32, #tpu.memory_space<hbm>> -> memref<8x2048xf32, #tpu.memory_space<hbm>>
        tpu.enqueue_dma source(%arg8 : memref<8x2048xf32, #tpu.memory_space<vmem>>) target(%dma_start3A_183 : memref<8x2048xf32, #tpu.memory_space<hbm>>) target_semaphore(%arg10 : memref<!tpu.dma_semaphore, #tpu.memory_space<semaphore_mem>>)
      } else {
      }
    }
    %scan3A_7 = arith.constant 100 : i32
    %dma_wait3A = arith.constant 0 : i32
    %dma_wait3A_8 = arith.constant 0 : i32
    %dma_wait3A_9 = arith.constant 0 : i32
    %dma_wait3A_10 = tpu.memref_slice %arg4[%dma_wait3A, %dma_wait3A_8, %dma_wait3A_9] : memref<200x64x4096xf32, #tpu.memory_space<hbm>> -> memref<1x8x2048xf32, #tpu.memory_space<hbm>>
    %dma_wait3A_11 = tpu.memref_squeeze %dma_wait3A_10 : memref<1x8x2048xf32, #tpu.memory_space<hbm>> -> memref<8x2048xf32, #tpu.memory_space<hbm>>
    %dma_wait3A_12 = arith.constant 0 : i32
    %dma_wait3A_13 = arith.constant 0 : i32
    %dma_wait3A_14 = tpu.memref_slice %arg4[%dma_wait3A, %dma_wait3A_12, %dma_wait3A_13] : memref<200x64x4096xf32, #tpu.memory_space<hbm>> -> memref<1x8x2048xf32, #tpu.memory_space<hbm>>
    %dma_wait3A_15 = tpu.memref_squeeze %dma_wait3A_14 : memref<1x8x2048xf32, #tpu.memory_space<hbm>> -> memref<8x2048xf32, #tpu.memory_space<hbm>>
    tpu.wait_dma2 semaphore(%arg9 : memref<!tpu.dma_semaphore, #tpu.memory_space<semaphore_mem>>) src(%arg7 : memref<8x2048xf32, #tpu.memory_space<vmem>>) dst(%dma_wait3A_15 : memref<8x2048xf32, #tpu.memory_space<hbm>>)
    %dma_wait3A_16 = arith.constant 0 : i32
    %dma_wait3A_17 = arith.constant 0 : i32
    %dma_wait3A_18 = arith.constant 0 : i32
    %dma_wait3A_19 = tpu.memref_slice %arg4[%dma_wait3A_16, %dma_wait3A_17, %dma_wait3A_18] : memref<200x64x4096xf32, #tpu.memory_space<hbm>> -> memref<1x8x2048xf32, #tpu.memory_space<hbm>>
    %dma_wait3A_20 = tpu.memref_squeeze %dma_wait3A_19 : memref<1x8x2048xf32, #tpu.memory_space<hbm>> -> memref<8x2048xf32, #tpu.memory_space<hbm>>
    %dma_wait3A_21 = arith.constant 0 : i32
    %dma_wait3A_22 = arith.constant 0 : i32
    %dma_wait3A_23 = tpu.memref_slice %arg4[%dma_wait3A_16, %dma_wait3A_21, %dma_wait3A_22] : memref<200x64x4096xf32, #tpu.memory_space<hbm>> -> memref<1x8x2048xf32, #tpu.memory_space<hbm>>
    %dma_wait3A_24 = tpu.memref_squeeze %dma_wait3A_23 : memref<1x8x2048xf32, #tpu.memory_space<hbm>> -> memref<8x2048xf32, #tpu.memory_space<hbm>>
    tpu.wait_dma2 semaphore(%arg10 : memref<!tpu.dma_semaphore, #tpu.memory_space<semaphore_mem>>) src(%arg8 : memref<8x2048xf32, #tpu.memory_space<vmem>>) dst(%dma_wait3A_24 : memref<8x2048xf32, #tpu.memory_space<hbm>>)
    return
  }
}

#map = affine_map<(d0, d1) -> (0, 0)>
#map1 = affine_map<(d0, d1) -> (0, 0, 0)>
module attributes {stable_mosaic.version = 14 : i64} {
  func.func @_sc_body(%arg0: i32, %arg1: i32, %arg2: memref<200x4096xi32, #tpu.memory_space<hbm>>, %arg3: memref<64x1024xf32, #tpu.memory_space<hbm>>, %arg4: memref<200x64x4096xf32, #tpu.memory_space<hbm>>, %arg5: memref<64x1024xf32, #tpu.memory_space<vmem>>, %arg6: memref<4096xi32, #tpu.memory_space<vmem>>, %arg7: memref<8x2048xf32, #tpu.memory_space<vmem>>, %arg8: memref<8x2048xf32, #tpu.memory_space<vmem>>, %arg9: memref<!tpu.dma_semaphore, #tpu.memory_space<semaphore_mem>>, %arg10: memref<!tpu.dma_semaphore, #tpu.memory_space<semaphore_mem>>) attributes {dimension_semantics = [#tpu.dimension_semantics<core_parallel>, #tpu.dimension_semantics<subcore_parallel>], iteration_bounds = array<i64: 2, 16>, scalar_prefetch = 0 : i64, scratch_operands = 6 : i64, tpu.core_type = #tpu.core_type<sc_vector_subcore>, window_params = [{transform_indices = #map}, {transform_indices = #map}, {transform_indices = #map1}]} {
    %mul3A = arith.constant 2 : i32
    %mul3A_0 = arith.muli %arg1, %mul3A : i32
    %add3A = arith.addi %mul3A_0, %arg0 : i32
    %mul3A_1 = arith.constant 100 : i32
    %mul3A_2 = arith.muli %add3A, %mul3A_1 : i32
    "tpu.region"() ({
      %run_scoped3A = tpu.sem_alloc : memref<!tpu.dma_semaphore, #tpu.memory_space<semaphore_mem>>
      %dma_start3A = arith.constant 0 : i32
      %dma_start3A_25 = arith.constant 0 : i32
      %dma_start3A_26 = tpu.memref_slice %arg3[%dma_start3A, %dma_start3A_25] : memref<64x1024xf32, #tpu.memory_space<hbm>> -> memref<64x1024xf32, #tpu.memory_space<hbm>>
      %dma_start3A_27 = arith.constant 0 : i32
      %dma_start3A_28 = arith.constant 0 : i32
      %dma_start3A_29 = tpu.memref_slice %arg3[%dma_start3A_27, %dma_start3A_28] : memref<64x1024xf32, #tpu.memory_space<hbm>> -> memref<64x1024xf32, #tpu.memory_space<hbm>>
      tpu.enqueue_dma source(%dma_start3A_29 : memref<64x1024xf32, #tpu.memory_space<hbm>>) target(%arg5 : memref<64x1024xf32, #tpu.memory_space<vmem>>) target_semaphore(%run_scoped3A : memref<!tpu.dma_semaphore, #tpu.memory_space<semaphore_mem>>)
      %dma_wait3A_30 = arith.constant 0 : i32
      %dma_wait3A_31 = arith.constant 0 : i32
      %dma_wait3A_32 = tpu.memref_slice %arg3[%dma_wait3A_30, %dma_wait3A_31] : memref<64x1024xf32, #tpu.memory_space<hbm>> -> memref<64x1024xf32, #tpu.memory_space<hbm>>
      %dma_wait3A_33 = arith.constant 0 : i32
      %dma_wait3A_34 = arith.constant 0 : i32
      %dma_wait3A_35 = tpu.memref_slice %arg3[%dma_wait3A_33, %dma_wait3A_34] : memref<64x1024xf32, #tpu.memory_space<hbm>> -> memref<64x1024xf32, #tpu.memory_space<hbm>>
      tpu.wait_dma2 semaphore(%run_scoped3A : memref<!tpu.dma_semaphore, #tpu.memory_space<semaphore_mem>>) src(%dma_wait3A_35 : memref<64x1024xf32, #tpu.memory_space<hbm>>) dst(%arg5 : memref<64x1024xf32, #tpu.memory_space<vmem>>)
      tpu.yield
    }) : () -> ()
    %scan3A = arith.constant 0 : i32
    %scan3A_3 = arith.constant 0 : i32
    %scan3A_4 = arith.constant 100 : i32
    %scan3A_5 = arith.addi %scan3A_3, %scan3A_4 : i32
    %scan3A_6 = arith.constant 1 : i32
    scf.for %scan3A_25 = %scan3A_3 to %scan3A_5 step %scan3A_6  : i32 {
      %add3A_26 = arith.addi %mul3A_2, %scan3A_25 : i32
      %jit3A = arith.constant 16 : i32
      %div3A = arith.divsi %add3A_26, %jit3A : i32
      %sign3A = arith.constant 0 : i32
      %sign3A_27 = arith.cmpi sgt, %add3A_26, %sign3A : i32
      %sign3A_28 = arith.extui %sign3A_27 : i1 to i32
      %sign3A_29 = arith.constant 0 : i32
      %sign3A_30 = arith.cmpi slt, %add3A_26, %sign3A_29 : i32
      %sign3A_31 = arith.extui %sign3A_30 : i1 to i32
      %sign3A_32 = arith.subi %sign3A_28, %sign3A_31 : i32
      %sign3A_33 = arith.constant 0 : i32
      %sign3A_34 = arith.cmpi sgt, %jit3A, %sign3A_33 : i32
      %sign3A_35 = arith.extui %sign3A_34 : i1 to i32
      %sign3A_36 = arith.constant 0 : i32
      %sign3A_37 = arith.cmpi slt, %jit3A, %sign3A_36 : i32
      %sign3A_38 = arith.extui %sign3A_37 : i1 to i32
      %sign3A_39 = arith.subi %sign3A_35, %sign3A_38 : i32
      %ne3A = arith.cmpi ne, %sign3A_32, %sign3A_39 : i32
      %rem3A = arith.remsi %add3A_26, %jit3A : i32
      %ne3A_40 = arith.constant 0 : i32
      %ne3A_41 = arith.cmpi ne, %rem3A, %ne3A_40 : i32
      %and3A = arith.andi %ne3A, %ne3A_41 : i1
      %sub3A = arith.constant 1 : i32
      %sub3A_42 = arith.subi %div3A, %sub3A : i32
      %select_n3A = arith.select %and3A, %sub3A_42, %div3A : i32
      %jit3A_43 = arith.constant 16 : i32
      %eq3A = arith.constant 0 : i32
      %eq3A_44 = arith.cmpi eq, %jit3A_43, %eq3A : i32
      %jit3A_45 = arith.constant 1 : i32
      %select_n3A_46 = arith.select %eq3A_44, %jit3A_45, %jit3A_43 : i32
      %rem3A_47 = arith.remsi %add3A_26, %select_n3A_46 : i32
      %ne3A_48 = arith.constant 0 : i32
      %ne3A_49 = arith.cmpi ne, %rem3A_47, %ne3A_48 : i32
      %lt3A = arith.constant 0 : i32
      %lt3A_50 = arith.cmpi slt, %rem3A_47, %lt3A : i32
      %lt3A_51 = arith.constant 0 : i32
      %lt3A_52 = arith.cmpi slt, %select_n3A_46, %lt3A_51 : i32
      %ne3A_53 = arith.xori %lt3A_50, %lt3A_52 : i1
      %and3A_54 = arith.andi %ne3A_53, %ne3A_49 : i1
      %add3A_55 = arith.addi %rem3A_47, %select_n3A_46 : i32
      %select_n3A_56 = arith.select %and3A_54, %add3A_55, %rem3A_47 : i32
      %jit3A_57 = arith.constant 8 : i32
      %div3A_58 = arith.divsi %select_n3A_56, %jit3A_57 : i32
      %sign3A_59 = arith.constant 0 : i32
      %sign3A_60 = arith.cmpi sgt, %select_n3A_56, %sign3A_59 : i32
      %sign3A_61 = arith.extui %sign3A_60 : i1 to i32
      %sign3A_62 = arith.constant 0 : i32
      %sign3A_63 = arith.cmpi slt, %select_n3A_56, %sign3A_62 : i32
      %sign3A_64 = arith.extui %sign3A_63 : i1 to i32
      %sign3A_65 = arith.subi %sign3A_61, %sign3A_64 : i32
      %sign3A_66 = arith.constant 0 : i32
      %sign3A_67 = arith.cmpi sgt, %jit3A_57, %sign3A_66 : i32
      %sign3A_68 = arith.extui %sign3A_67 : i1 to i32
      %sign3A_69 = arith.constant 0 : i32
      %sign3A_70 = arith.cmpi slt, %jit3A_57, %sign3A_69 : i32
      %sign3A_71 = arith.extui %sign3A_70 : i1 to i32
      %sign3A_72 = arith.subi %sign3A_68, %sign3A_71 : i32
      %ne3A_73 = arith.cmpi ne, %sign3A_65, %sign3A_72 : i32
      %rem3A_74 = arith.remsi %select_n3A_56, %jit3A_57 : i32
      %ne3A_75 = arith.constant 0 : i32
      %ne3A_76 = arith.cmpi ne, %rem3A_74, %ne3A_75 : i32
      %and3A_77 = arith.andi %ne3A_73, %ne3A_76 : i1
      %sub3A_78 = arith.constant 1 : i32
      %sub3A_79 = arith.subi %div3A_58, %sub3A_78 : i32
      %select_n3A_80 = arith.select %and3A_77, %sub3A_79, %div3A_58 : i32
      %jit3A_81 = arith.constant 8 : i32
      %eq3A_82 = arith.constant 0 : i32
      %eq3A_83 = arith.cmpi eq, %jit3A_81, %eq3A_82 : i32
      %jit3A_84 = arith.constant 1 : i32
      %select_n3A_85 = arith.select %eq3A_83, %jit3A_84, %jit3A_81 : i32
      %rem3A_86 = arith.remsi %select_n3A_56, %select_n3A_85 : i32
      %ne3A_87 = arith.constant 0 : i32
      %ne3A_88 = arith.cmpi ne, %rem3A_86, %ne3A_87 : i32
      %lt3A_89 = arith.constant 0 : i32
      %lt3A_90 = arith.cmpi slt, %rem3A_86, %lt3A_89 : i32
      %lt3A_91 = arith.constant 0 : i32
      %lt3A_92 = arith.cmpi slt, %select_n3A_85, %lt3A_91 : i32
      %ne3A_93 = arith.xori %lt3A_90, %lt3A_92 : i1
      %and3A_94 = arith.andi %ne3A_93, %ne3A_88 : i1
      %add3A_95 = arith.addi %rem3A_86, %select_n3A_85 : i32
      %select_n3A_96 = arith.select %and3A_94, %add3A_95, %rem3A_86 : i32
      %eq3A_97 = arith.constant 0 : i32
      %eq3A_98 = arith.cmpi eq, %scan3A_25, %eq3A_97 : i32
      %eq3A_99 = arith.constant 0 : i32
      %eq3A_100 = arith.cmpi eq, %select_n3A_56, %eq3A_99 : i32
      %or3A = arith.ori %eq3A_98, %eq3A_100 : i1
      %convert_element_type3A = arith.extui %or3A : i1 to i32
      %cond3A = arith.constant 0 : i32
      %cond3A_101 = arith.cmpi ne, %convert_element_type3A, %cond3A : i32
      scf.if %cond3A_101 {
        "tpu.region"() ({
          %run_scoped3A = tpu.sem_alloc : memref<!tpu.dma_semaphore, #tpu.memory_space<semaphore_mem>>
          %dma_start3A = arith.constant 0 : i32
          %dma_start3A_146 = tpu.memref_slice %arg2[%select_n3A, %dma_start3A] : memref<200x4096xi32, #tpu.memory_space<hbm>> -> memref<1x4096xi32, #tpu.memory_space<hbm>>
          %dma_start3A_147 = tpu.memref_squeeze %dma_start3A_146 : memref<1x4096xi32, #tpu.memory_space<hbm>> -> memref<4096xi32, #tpu.memory_space<hbm>>
          %dma_start3A_148 = arith.constant 0 : i32
          %dma_start3A_149 = tpu.memref_slice %arg2[%select_n3A, %dma_start3A_148] : memref<200x4096xi32, #tpu.memory_space<hbm>> -> memref<1x4096xi32, #tpu.memory_space<hbm>>
          %dma_start3A_150 = tpu.memref_squeeze %dma_start3A_149 : memref<1x4096xi32, #tpu.memory_space<hbm>> -> memref<4096xi32, #tpu.memory_space<hbm>>
          tpu.enqueue_dma source(%dma_start3A_150 : memref<4096xi32, #tpu.memory_space<hbm>>) target(%arg6 : memref<4096xi32, #tpu.memory_space<vmem>>) target_semaphore(%run_scoped3A : memref<!tpu.dma_semaphore, #tpu.memory_space<semaphore_mem>>)
          %dma_wait3A_151 = arith.constant 0 : i32
          %dma_wait3A_152 = tpu.memref_slice %arg2[%select_n3A, %dma_wait3A_151] : memref<200x4096xi32, #tpu.memory_space<hbm>> -> memref<1x4096xi32, #tpu.memory_space<hbm>>
          %dma_wait3A_153 = tpu.memref_squeeze %dma_wait3A_152 : memref<1x4096xi32, #tpu.memory_space<hbm>> -> memref<4096xi32, #tpu.memory_space<hbm>>
          %dma_wait3A_154 = arith.constant 0 : i32
          %dma_wait3A_155 = tpu.memref_slice %arg2[%select_n3A, %dma_wait3A_154] : memref<200x4096xi32, #tpu.memory_space<hbm>> -> memref<1x4096xi32, #tpu.memory_space<hbm>>
          %dma_wait3A_156 = tpu.memref_squeeze %dma_wait3A_155 : memref<1x4096xi32, #tpu.memory_space<hbm>> -> memref<4096xi32, #tpu.memory_space<hbm>>
          tpu.wait_dma2 semaphore(%run_scoped3A : memref<!tpu.dma_semaphore, #tpu.memory_space<semaphore_mem>>) src(%dma_wait3A_156 : memref<4096xi32, #tpu.memory_space<hbm>>) dst(%arg6 : memref<4096xi32, #tpu.memory_space<vmem>>)
          tpu.yield
        }) : () -> ()
      } else {
      }
      %mul3A_102 = arith.constant 2048 : i32
      %mul3A_103 = arith.muli %select_n3A_80, %mul3A_102 : i32
      %jit3A_104 = arith.constant 2 : i32
      %eq3A_105 = arith.constant 0 : i32
      %eq3A_106 = arith.cmpi eq, %jit3A_104, %eq3A_105 : i32
      %jit3A_107 = arith.constant 1 : i32
      %select_n3A_108 = arith.select %eq3A_106, %jit3A_107, %jit3A_104 : i32
      %rem3A_109 = arith.remsi %scan3A_25, %select_n3A_108 : i32
      %ne3A_110 = arith.constant 0 : i32
      %ne3A_111 = arith.cmpi ne, %rem3A_109, %ne3A_110 : i32
      %lt3A_112 = arith.constant 0 : i32
      %lt3A_113 = arith.cmpi slt, %rem3A_109, %lt3A_112 : i32
      %lt3A_114 = arith.constant 0 : i32
      %lt3A_115 = arith.cmpi slt, %select_n3A_108, %lt3A_114 : i32
      %ne3A_116 = arith.xori %lt3A_113, %lt3A_115 : i1
      %and3A_117 = arith.andi %ne3A_116, %ne3A_111 : i1
      %add3A_118 = arith.addi %rem3A_109, %select_n3A_108 : i32
      %select_n3A_119 = arith.select %and3A_117, %add3A_118, %rem3A_109 : i32
      %eq3A_120 = arith.constant 0 : i32
      %eq3A_121 = arith.cmpi eq, %select_n3A_119, %eq3A_120 : i32
      %convert_element_type3A_122 = arith.extui %eq3A_121 : i1 to i32
      %cond3A_123 = arith.constant 0 : i32
      %cond3A_124 = arith.cmpi ne, %convert_element_type3A_122, %cond3A_123 : i32
      scf.if %cond3A_124 {
        %ge3A = arith.constant 2 : i32
        %ge3A_146 = arith.cmpi sge, %scan3A_25, %ge3A : i32
        %convert_element_type3A_147 = arith.extui %ge3A_146 : i1 to i32
        %cond3A_148 = arith.constant 0 : i32
        %cond3A_149 = arith.cmpi ne, %convert_element_type3A_147, %cond3A_148 : i32
        scf.if %cond3A_149 {
          %dma_wait3A_184 = arith.constant 0 : i32
          %dma_wait3A_185 = arith.constant 0 : i32
          %dma_wait3A_186 = arith.constant 0 : i32
          %dma_wait3A_187 = tpu.memref_slice %arg4[%dma_wait3A_184, %dma_wait3A_185, %dma_wait3A_186] : memref<200x64x4096xf32, #tpu.memory_space<hbm>> -> memref<1x8x2048xf32, #tpu.memory_space<hbm>>
          %dma_wait3A_188 = tpu.memref_squeeze %dma_wait3A_187 : memref<1x8x2048xf32, #tpu.memory_space<hbm>> -> memref<8x2048xf32, #tpu.memory_space<hbm>>
          %dma_wait3A_189 = arith.constant 0 : i32
          %dma_wait3A_190 = arith.constant 0 : i32
          %dma_wait3A_191 = tpu.memref_slice %arg4[%dma_wait3A_184, %dma_wait3A_189, %dma_wait3A_190] : memref<200x64x4096xf32, #tpu.memory_space<hbm>> -> memref<1x8x2048xf32, #tpu.memory_space<hbm>>
          %dma_wait3A_192 = tpu.memref_squeeze %dma_wait3A_191 : memref<1x8x2048xf32, #tpu.memory_space<hbm>> -> memref<8x2048xf32, #tpu.memory_space<hbm>>
          tpu.wait_dma2 semaphore(%arg9 : memref<!tpu.dma_semaphore, #tpu.memory_space<semaphore_mem>>) src(%arg7 : memref<8x2048xf32, #tpu.memory_space<vmem>>) dst(%dma_wait3A_192 : memref<8x2048xf32, #tpu.memory_space<hbm>>)
        } else {
        }
        %mul3A_150 = arith.constant 8 : i32
        %mul3A_151 = arith.muli %select_n3A_96, %mul3A_150 : i32
        %add3A_152 = arith.constant 0 : i32
        %add3A_153 = arith.addi %mul3A_151, %add3A_152 : i32
        %broadcast_in_dim3A = vector.broadcast %add3A_153 : i32 to vector<16xi32>
        %add3A_154 = arith.constant 1 : i32
        %add3A_155 = arith.addi %mul3A_151, %add3A_154 : i32
        %broadcast_in_dim3A_156 = vector.broadcast %add3A_155 : i32 to vector<16xi32>
        %add3A_157 = arith.constant 2 : i32
        %add3A_158 = arith.addi %mul3A_151, %add3A_157 : i32
        %broadcast_in_dim3A_159 = vector.broadcast %add3A_158 : i32 to vector<16xi32>
        %add3A_160 = arith.constant 3 : i32
        %add3A_161 = arith.addi %mul3A_151, %add3A_160 : i32
        %broadcast_in_dim3A_162 = vector.broadcast %add3A_161 : i32 to vector<16xi32>
        %add3A_163 = arith.constant 4 : i32
        %add3A_164 = arith.addi %mul3A_151, %add3A_163 : i32
        %broadcast_in_dim3A_165 = vector.broadcast %add3A_164 : i32 to vector<16xi32>
        %add3A_166 = arith.constant 5 : i32
        %add3A_167 = arith.addi %mul3A_151, %add3A_166 : i32
        %broadcast_in_dim3A_168 = vector.broadcast %add3A_167 : i32 to vector<16xi32>
        %add3A_169 = arith.constant 6 : i32
        %add3A_170 = arith.addi %mul3A_151, %add3A_169 : i32
        %broadcast_in_dim3A_171 = vector.broadcast %add3A_170 : i32 to vector<16xi32>
        %add3A_172 = arith.constant 7 : i32
        %add3A_173 = arith.addi %mul3A_151, %add3A_172 : i32
        %broadcast_in_dim3A_174 = vector.broadcast %add3A_173 : i32 to vector<16xi32>
        %parallel_loop3A = arith.constant 0 : i32
        %parallel_loop3A_175 = arith.constant 128 : i32
        %parallel_loop3A_176 = arith.constant 1 : i32
        scf.for %parallel_loop3A_184 = %parallel_loop3A to %parallel_loop3A_175 step %parallel_loop3A_176  : i32 {
          %parallel_loop3A_185 = arith.constant 16 : i32
          %parallel_loop3A_186 = arith.muli %parallel_loop3A_184, %parallel_loop3A_185 : i32
          %parallel_loop3A_187 = arith.addi %mul3A_103, %parallel_loop3A_186 : i32
          %parallel_loop3A_188 = arith.index_cast %parallel_loop3A_187 : i32 to index
          %parallel_loop3A_189 = tpu.vector_load %arg6[%parallel_loop3A_188] {strides = array<i32>} : memref<4096xi32, #tpu.memory_space<vmem>>, vector<16xi32>,
          %parallel_loop3A_190 = tpu.vector_load_idx %arg5[%broadcast_in_dim3A, %parallel_loop3A_189] : memref<64x1024xf32, #tpu.memory_space<vmem>>[vector<16xi32>, vector<16xi32>], vector<16xf32>,
          %parallel_loop3A_191 = arith.constant 16 : i32
          %parallel_loop3A_192 = arith.muli %parallel_loop3A_184, %parallel_loop3A_191 : i32
          %parallel_loop3A_193 = arith.constant 0 : i32
          %parallel_loop3A_194 = arith.index_cast %parallel_loop3A_193 : i32 to index
          %parallel_loop3A_195 = arith.index_cast %parallel_loop3A_192 : i32 to index
          %parallel_loop3A_196 = tpu.vector_load %arg7[%parallel_loop3A_194, %parallel_loop3A_195] {strides = array<i32>} : memref<8x2048xf32, #tpu.memory_space<vmem>>, vector<16xf32>,
          tpu.vector_store %arg7[%parallel_loop3A_194, %parallel_loop3A_195], %parallel_loop3A_190 {strides = array<i32>} : memref<8x2048xf32, #tpu.memory_space<vmem>>, vector<16xf32>,
          %parallel_loop3A_197 = tpu.vector_load_idx %arg5[%broadcast_in_dim3A_156, %parallel_loop3A_189] : memref<64x1024xf32, #tpu.memory_space<vmem>>[vector<16xi32>, vector<16xi32>], vector<16xf32>,
          %parallel_loop3A_198 = arith.constant 16 : i32
          %parallel_loop3A_199 = arith.muli %parallel_loop3A_184, %parallel_loop3A_198 : i32
          %parallel_loop3A_200 = arith.constant 1 : i32
          %parallel_loop3A_201 = arith.index_cast %parallel_loop3A_200 : i32 to index
          %parallel_loop3A_202 = arith.index_cast %parallel_loop3A_199 : i32 to index
          %parallel_loop3A_203 = tpu.vector_load %arg7[%parallel_loop3A_201, %parallel_loop3A_202] {strides = array<i32>} : memref<8x2048xf32, #tpu.memory_space<vmem>>, vector<16xf32>,
          tpu.vector_store %arg7[%parallel_loop3A_201, %parallel_loop3A_202], %parallel_loop3A_197 {strides = array<i32>} : memref<8x2048xf32, #tpu.memory_space<vmem>>, vector<16xf32>,
          %parallel_loop3A_204 = tpu.vector_load_idx %arg5[%broadcast_in_dim3A_159, %parallel_loop3A_189] : memref<64x1024xf32, #tpu.memory_space<vmem>>[vector<16xi32>, vector<16xi32>], vector<16xf32>,
          %parallel_loop3A_205 = arith.constant 16 : i32
          %parallel_loop3A_206 = arith.muli %parallel_loop3A_184, %parallel_loop3A_205 : i32
          %parallel_loop3A_207 = arith.constant 2 : i32
          %parallel_loop3A_208 = arith.index_cast %parallel_loop3A_207 : i32 to index
          %parallel_loop3A_209 = arith.index_cast %parallel_loop3A_206 : i32 to index
          %parallel_loop3A_210 = tpu.vector_load %arg7[%parallel_loop3A_208, %parallel_loop3A_209] {strides = array<i32>} : memref<8x2048xf32, #tpu.memory_space<vmem>>, vector<16xf32>,
          tpu.vector_store %arg7[%parallel_loop3A_208, %parallel_loop3A_209], %parallel_loop3A_204 {strides = array<i32>} : memref<8x2048xf32, #tpu.memory_space<vmem>>, vector<16xf32>,
          %parallel_loop3A_211 = tpu.vector_load_idx %arg5[%broadcast_in_dim3A_162, %parallel_loop3A_189] : memref<64x1024xf32, #tpu.memory_space<vmem>>[vector<16xi32>, vector<16xi32>], vector<16xf32>,
          %parallel_loop3A_212 = arith.constant 16 : i32
          %parallel_loop3A_213 = arith.muli %parallel_loop3A_184, %parallel_loop3A_212 : i32
          %parallel_loop3A_214 = arith.constant 3 : i32
          %parallel_loop3A_215 = arith.index_cast %parallel_loop3A_214 : i32 to index
          %parallel_loop3A_216 = arith.index_cast %parallel_loop3A_213 : i32 to index
          %parallel_loop3A_217 = tpu.vector_load %arg7[%parallel_loop3A_215, %parallel_loop3A_216] {strides = array<i32>} : memref<8x2048xf32, #tpu.memory_space<vmem>>, vector<16xf32>,
          tpu.vector_store %arg7[%parallel_loop3A_215, %parallel_loop3A_216], %parallel_loop3A_211 {strides = array<i32>} : memref<8x2048xf32, #tpu.memory_space<vmem>>, vector<16xf32>,
          %parallel_loop3A_218 = tpu.vector_load_idx %arg5[%broadcast_in_dim3A_165, %parallel_loop3A_189] : memref<64x1024xf32, #tpu.memory_space<vmem>>[vector<16xi32>, vector<16xi32>], vector<16xf32>,
          %parallel_loop3A_219 = arith.constant 16 : i32
          %parallel_loop3A_220 = arith.muli %parallel_loop3A_184, %parallel_loop3A_219 : i32
          %parallel_loop3A_221 = arith.constant 4 : i32
          %parallel_loop3A_222 = arith.index_cast %parallel_loop3A_221 : i32 to index
          %parallel_loop3A_223 = arith.index_cast %parallel_loop3A_220 : i32 to index
          %parallel_loop3A_224 = tpu.vector_load %arg7[%parallel_loop3A_222, %parallel_loop3A_223] {strides = array<i32>} : memref<8x2048xf32, #tpu.memory_space<vmem>>, vector<16xf32>,
          tpu.vector_store %arg7[%parallel_loop3A_222, %parallel_loop3A_223], %parallel_loop3A_218 {strides = array<i32>} : memref<8x2048xf32, #tpu.memory_space<vmem>>, vector<16xf32>,
          %parallel_loop3A_225 = tpu.vector_load_idx %arg5[%broadcast_in_dim3A_168, %parallel_loop3A_189] : memref<64x1024xf32, #tpu.memory_space<vmem>>[vector<16xi32>, vector<16xi32>], vector<16xf32>,
          %parallel_loop3A_226 = arith.constant 16 : i32
          %parallel_loop3A_227 = arith.muli %parallel_loop3A_184, %parallel_loop3A_226 : i32
          %parallel_loop3A_228 = arith.constant 5 : i32
          %parallel_loop3A_229 = arith.index_cast %parallel_loop3A_228 : i32 to index
          %parallel_loop3A_230 = arith.index_cast %parallel_loop3A_227 : i32 to index
          %parallel_loop3A_231 = tpu.vector_load %arg7[%parallel_loop3A_229, %parallel_loop3A_230] {strides = array<i32>} : memref<8x2048xf32, #tpu.memory_space<vmem>>, vector<16xf32>,
          tpu.vector_store %arg7[%parallel_loop3A_229, %parallel_loop3A_230], %parallel_loop3A_225 {strides = array<i32>} : memref<8x2048xf32, #tpu.memory_space<vmem>>, vector<16xf32>,
          %parallel_loop3A_232 = tpu.vector_load_idx %arg5[%broadcast_in_dim3A_171, %parallel_loop3A_189] : memref<64x1024xf32, #tpu.memory_space<vmem>>[vector<16xi32>, vector<16xi32>], vector<16xf32>,
          %parallel_loop3A_233 = arith.constant 16 : i32
          %parallel_loop3A_234 = arith.muli %parallel_loop3A_184, %parallel_loop3A_233 : i32
          %parallel_loop3A_235 = arith.constant 6 : i32
          %parallel_loop3A_236 = arith.index_cast %parallel_loop3A_235 : i32 to index
          %parallel_loop3A_237 = arith.index_cast %parallel_loop3A_234 : i32 to index
          %parallel_loop3A_238 = tpu.vector_load %arg7[%parallel_loop3A_236, %parallel_loop3A_237] {strides = array<i32>} : memref<8x2048xf32, #tpu.memory_space<vmem>>, vector<16xf32>,
          tpu.vector_store %arg7[%parallel_loop3A_236, %parallel_loop3A_237], %parallel_loop3A_232 {strides = array<i32>} : memref<8x2048xf32, #tpu.memory_space<vmem>>, vector<16xf32>,
          %parallel_loop3A_239 = tpu.vector_load_idx %arg5[%broadcast_in_dim3A_174, %parallel_loop3A_189] : memref<64x1024xf32, #tpu.memory_space<vmem>>[vector<16xi32>, vector<16xi32>], vector<16xf32>,
          %parallel_loop3A_240 = arith.constant 16 : i32
          %parallel_loop3A_241 = arith.muli %parallel_loop3A_184, %parallel_loop3A_240 : i32
          %parallel_loop3A_242 = arith.constant 7 : i32
          %parallel_loop3A_243 = arith.index_cast %parallel_loop3A_242 : i32 to index
          %parallel_loop3A_244 = arith.index_cast %parallel_loop3A_241 : i32 to index
          %parallel_loop3A_245 = tpu.vector_load %arg7[%parallel_loop3A_243, %parallel_loop3A_244] {strides = array<i32>} : memref<8x2048xf32, #tpu.memory_space<vmem>>, vector<16xf32>,
          tpu.vector_store %arg7[%parallel_loop3A_243, %parallel_loop3A_244], %parallel_loop3A_239 {strides = array<i32>} : memref<8x2048xf32, #tpu.memory_space<vmem>>, vector<16xf32>,
        } {sc.loop_unroll_factor = 2 : i64, sc.parallel_access}
        %mul3A_177 = arith.constant 8 : i32
        %mul3A_178 = arith.muli %select_n3A_96, %mul3A_177 : i32
        %mul3A_179 = arith.constant 2048 : i32
        %mul3A_180 = arith.muli %select_n3A_80, %mul3A_179 : i32
        %dma_start3A = tpu.memref_slice %arg4[%select_n3A, %mul3A_178, %mul3A_180] : memref<200x64x4096xf32, #tpu.memory_space<hbm>> -> memref<1x8x2048xf32, #tpu.memory_space<hbm>>
        %dma_start3A_181 = tpu.memref_squeeze %dma_start3A : memref<1x8x2048xf32, #tpu.memory_space<hbm>> -> memref<8x2048xf32, #tpu.memory_space<hbm>>
        %dma_start3A_182 = tpu.memref_slice %arg4[%select_n3A, %mul3A_178, %mul3A_180] : memref<200x64x4096xf32, #tpu.memory_space<hbm>> -> memref<1x8x2048xf32, #tpu.memory_space<hbm>>
        %dma_start3A_183 = tpu.memref_squeeze %dma_start3A_182 : memref<1x8x2048xf32, #tpu.memory_space<hbm>> -> memref<8x2048xf32, #tpu.memory_space<hbm>>
        tpu.enqueue_dma source(%arg7 : memref<8x2048xf32, #tpu.memory_space<vmem>>) target(%dma_start3A_183 : memref<8x2048xf32, #tpu.memory_space<hbm>>) target_semaphore(%arg9 : memref<!tpu.dma_semaphore, #tpu.memory_space<semaphore_mem>>)
      } else {
      }
      %jit3A_125 = arith.constant 2 : i32
      %eq3A_126 = arith.constant 0 : i32
      %eq3A_127 = arith.cmpi eq, %jit3A_125, %eq3A_126 : i32
      %jit3A_128 = arith.constant 1 : i32
      %select_n3A_129 = arith.select %eq3A_127, %jit3A_128, %jit3A_125 : i32
      %rem3A_130 = arith.remsi %scan3A_25, %select_n3A_129 : i32
      %ne3A_131 = arith.constant 0 : i32
      %ne3A_132 = arith.cmpi ne, %rem3A_130, %ne3A_131 : i32
      %lt3A_133 = arith.constant 0 : i32
      %lt3A_134 = arith.cmpi slt, %rem3A_130, %lt3A_133 : i32
      %lt3A_135 = arith.constant 0 : i32
      %lt3A_136 = arith.cmpi slt, %select_n3A_129, %lt3A_135 : i32
      %ne3A_137 = arith.xori %lt3A_134, %lt3A_136 : i1
      %and3A_138 = arith.andi %ne3A_137, %ne3A_132 : i1
      %add3A_139 = arith.addi %rem3A_130, %select_n3A_129 : i32
      %select_n3A_140 = arith.select %and3A_138, %add3A_139, %rem3A_130 : i32
      %eq3A_141 = arith.constant 1 : i32
      %eq3A_142 = arith.cmpi eq, %select_n3A_140, %eq3A_141 : i32
      %convert_element_type3A_143 = arith.extui %eq3A_142 : i1 to i32
      %cond3A_144 = arith.constant 0 : i32
      %cond3A_145 = arith.cmpi ne, %convert_element_type3A_143, %cond3A_144 : i32
      scf.if %cond3A_145 {
        %ge3A = arith.constant 2 : i32
        %ge3A_146 = arith.cmpi sge, %scan3A_25, %ge3A : i32
        %convert_element_type3A_147 = arith.extui %ge3A_146 : i1 to i32
        %cond3A_148 = arith.constant 0 : i32
        %cond3A_149 = arith.cmpi ne, %convert_element_type3A_147, %cond3A_148 : i32
        scf.if %cond3A_149 {
          %dma_wait3A_184 = arith.constant 0 : i32
          %dma_wait3A_185 = arith.constant 0 : i32
          %dma_wait3A_186 = arith.constant 0 : i32
          %dma_wait3A_187 = tpu.memref_slice %arg4[%dma_wait3A_184, %dma_wait3A_185, %dma_wait3A_186] : memref<200x64x4096xf32, #tpu.memory_space<hbm>> -> memref<1x8x2048xf32, #tpu.memory_space<hbm>>
          %dma_wait3A_188 = tpu.memref_squeeze %dma_wait3A_187 : memref<1x8x2048xf32, #tpu.memory_space<hbm>> -> memref<8x2048xf32, #tpu.memory_space<hbm>>
          %dma_wait3A_189 = arith.constant 0 : i32
          %dma_wait3A_190 = arith.constant 0 : i32
          %dma_wait3A_191 = tpu.memref_slice %arg4[%dma_wait3A_184, %dma_wait3A_189, %dma_wait3A_190] : memref<200x64x4096xf32, #tpu.memory_space<hbm>> -> memref<1x8x2048xf32, #tpu.memory_space<hbm>>
          %dma_wait3A_192 = tpu.memref_squeeze %dma_wait3A_191 : memref<1x8x2048xf32, #tpu.memory_space<hbm>> -> memref<8x2048xf32, #tpu.memory_space<hbm>>
          tpu.wait_dma2 semaphore(%arg10 : memref<!tpu.dma_semaphore, #tpu.memory_space<semaphore_mem>>) src(%arg8 : memref<8x2048xf32, #tpu.memory_space<vmem>>) dst(%dma_wait3A_192 : memref<8x2048xf32, #tpu.memory_space<hbm>>)
        } else {
        }
        %mul3A_150 = arith.constant 8 : i32
        %mul3A_151 = arith.muli %select_n3A_96, %mul3A_150 : i32
        %add3A_152 = arith.constant 0 : i32
        %add3A_153 = arith.addi %mul3A_151, %add3A_152 : i32
        %broadcast_in_dim3A = vector.broadcast %add3A_153 : i32 to vector<16xi32>
        %add3A_154 = arith.constant 1 : i32
        %add3A_155 = arith.addi %mul3A_151, %add3A_154 : i32
        %broadcast_in_dim3A_156 = vector.broadcast %add3A_155 : i32 to vector<16xi32>
        %add3A_157 = arith.constant 2 : i32
        %add3A_158 = arith.addi %mul3A_151, %add3A_157 : i32
        %broadcast_in_dim3A_159 = vector.broadcast %add3A_158 : i32 to vector<16xi32>
        %add3A_160 = arith.constant 3 : i32
        %add3A_161 = arith.addi %mul3A_151, %add3A_160 : i32
        %broadcast_in_dim3A_162 = vector.broadcast %add3A_161 : i32 to vector<16xi32>
        %add3A_163 = arith.constant 4 : i32
        %add3A_164 = arith.addi %mul3A_151, %add3A_163 : i32
        %broadcast_in_dim3A_165 = vector.broadcast %add3A_164 : i32 to vector<16xi32>
        %add3A_166 = arith.constant 5 : i32
        %add3A_167 = arith.addi %mul3A_151, %add3A_166 : i32
        %broadcast_in_dim3A_168 = vector.broadcast %add3A_167 : i32 to vector<16xi32>
        %add3A_169 = arith.constant 6 : i32
        %add3A_170 = arith.addi %mul3A_151, %add3A_169 : i32
        %broadcast_in_dim3A_171 = vector.broadcast %add3A_170 : i32 to vector<16xi32>
        %add3A_172 = arith.constant 7 : i32
        %add3A_173 = arith.addi %mul3A_151, %add3A_172 : i32
        %broadcast_in_dim3A_174 = vector.broadcast %add3A_173 : i32 to vector<16xi32>
        %parallel_loop3A = arith.constant 0 : i32
        %parallel_loop3A_175 = arith.constant 128 : i32
        %parallel_loop3A_176 = arith.constant 1 : i32
        scf.for %parallel_loop3A_184 = %parallel_loop3A to %parallel_loop3A_175 step %parallel_loop3A_176  : i32 {
          %parallel_loop3A_185 = arith.constant 16 : i32
          %parallel_loop3A_186 = arith.muli %parallel_loop3A_184, %parallel_loop3A_185 : i32
          %parallel_loop3A_187 = arith.addi %mul3A_103, %parallel_loop3A_186 : i32
          %parallel_loop3A_188 = arith.index_cast %parallel_loop3A_187 : i32 to index
          %parallel_loop3A_189 = tpu.vector_load %arg6[%parallel_loop3A_188] {strides = array<i32>} : memref<4096xi32, #tpu.memory_space<vmem>>, vector<16xi32>,
          %parallel_loop3A_190 = tpu.vector_load_idx %arg5[%broadcast_in_dim3A, %parallel_loop3A_189] : memref<64x1024xf32, #tpu.memory_space<vmem>>[vector<16xi32>, vector<16xi32>], vector<16xf32>,
          %parallel_loop3A_191 = arith.constant 16 : i32
          %parallel_loop3A_192 = arith.muli %parallel_loop3A_184, %parallel_loop3A_191 : i32
          %parallel_loop3A_193 = arith.constant 0 : i32
          %parallel_loop3A_194 = arith.index_cast %parallel_loop3A_193 : i32 to index
          %parallel_loop3A_195 = arith.index_cast %parallel_loop3A_192 : i32 to index
          %parallel_loop3A_196 = tpu.vector_load %arg8[%parallel_loop3A_194, %parallel_loop3A_195] {strides = array<i32>} : memref<8x2048xf32, #tpu.memory_space<vmem>>, vector<16xf32>,
          tpu.vector_store %arg8[%parallel_loop3A_194, %parallel_loop3A_195], %parallel_loop3A_190 {strides = array<i32>} : memref<8x2048xf32, #tpu.memory_space<vmem>>, vector<16xf32>,
          %parallel_loop3A_197 = tpu.vector_load_idx %arg5[%broadcast_in_dim3A_156, %parallel_loop3A_189] : memref<64x1024xf32, #tpu.memory_space<vmem>>[vector<16xi32>, vector<16xi32>], vector<16xf32>,
          %parallel_loop3A_198 = arith.constant 16 : i32
          %parallel_loop3A_199 = arith.muli %parallel_loop3A_184, %parallel_loop3A_198 : i32
          %parallel_loop3A_200 = arith.constant 1 : i32
          %parallel_loop3A_201 = arith.index_cast %parallel_loop3A_200 : i32 to index
          %parallel_loop3A_202 = arith.index_cast %parallel_loop3A_199 : i32 to index
          %parallel_loop3A_203 = tpu.vector_load %arg8[%parallel_loop3A_201, %parallel_loop3A_202] {strides = array<i32>} : memref<8x2048xf32, #tpu.memory_space<vmem>>, vector<16xf32>,
          tpu.vector_store %arg8[%parallel_loop3A_201, %parallel_loop3A_202], %parallel_loop3A_197 {strides = array<i32>} : memref<8x2048xf32, #tpu.memory_space<vmem>>, vector<16xf32>,
          %parallel_loop3A_204 = tpu.vector_load_idx %arg5[%broadcast_in_dim3A_159, %parallel_loop3A_189] : memref<64x1024xf32, #tpu.memory_space<vmem>>[vector<16xi32>, vector<16xi32>], vector<16xf32>,
          %parallel_loop3A_205 = arith.constant 16 : i32
          %parallel_loop3A_206 = arith.muli %parallel_loop3A_184, %parallel_loop3A_205 : i32
          %parallel_loop3A_207 = arith.constant 2 : i32
          %parallel_loop3A_208 = arith.index_cast %parallel_loop3A_207 : i32 to index
          %parallel_loop3A_209 = arith.index_cast %parallel_loop3A_206 : i32 to index
          %parallel_loop3A_210 = tpu.vector_load %arg8[%parallel_loop3A_208, %parallel_loop3A_209] {strides = array<i32>} : memref<8x2048xf32, #tpu.memory_space<vmem>>, vector<16xf32>,
          tpu.vector_store %arg8[%parallel_loop3A_208, %parallel_loop3A_209], %parallel_loop3A_204 {strides = array<i32>} : memref<8x2048xf32, #tpu.memory_space<vmem>>, vector<16xf32>,
          %parallel_loop3A_211 = tpu.vector_load_idx %arg5[%broadcast_in_dim3A_162, %parallel_loop3A_189] : memref<64x1024xf32, #tpu.memory_space<vmem>>[vector<16xi32>, vector<16xi32>], vector<16xf32>,
          %parallel_loop3A_212 = arith.constant 16 : i32
          %parallel_loop3A_213 = arith.muli %parallel_loop3A_184, %parallel_loop3A_212 : i32
          %parallel_loop3A_214 = arith.constant 3 : i32
          %parallel_loop3A_215 = arith.index_cast %parallel_loop3A_214 : i32 to index
          %parallel_loop3A_216 = arith.index_cast %parallel_loop3A_213 : i32 to index
          %parallel_loop3A_217 = tpu.vector_load %arg8[%parallel_loop3A_215, %parallel_loop3A_216] {strides = array<i32>} : memref<8x2048xf32, #tpu.memory_space<vmem>>, vector<16xf32>,
          tpu.vector_store %arg8[%parallel_loop3A_215, %parallel_loop3A_216], %parallel_loop3A_211 {strides = array<i32>} : memref<8x2048xf32, #tpu.memory_space<vmem>>, vector<16xf32>,
          %parallel_loop3A_218 = tpu.vector_load_idx %arg5[%broadcast_in_dim3A_165, %parallel_loop3A_189] : memref<64x1024xf32, #tpu.memory_space<vmem>>[vector<16xi32>, vector<16xi32>], vector<16xf32>,
          %parallel_loop3A_219 = arith.constant 16 : i32
          %parallel_loop3A_220 = arith.muli %parallel_loop3A_184, %parallel_loop3A_219 : i32
          %parallel_loop3A_221 = arith.constant 4 : i32
          %parallel_loop3A_222 = arith.index_cast %parallel_loop3A_221 : i32 to index
          %parallel_loop3A_223 = arith.index_cast %parallel_loop3A_220 : i32 to index
          %parallel_loop3A_224 = tpu.vector_load %arg8[%parallel_loop3A_222, %parallel_loop3A_223] {strides = array<i32>} : memref<8x2048xf32, #tpu.memory_space<vmem>>, vector<16xf32>,
          tpu.vector_store %arg8[%parallel_loop3A_222, %parallel_loop3A_223], %parallel_loop3A_218 {strides = array<i32>} : memref<8x2048xf32, #tpu.memory_space<vmem>>, vector<16xf32>,
          %parallel_loop3A_225 = tpu.vector_load_idx %arg5[%broadcast_in_dim3A_168, %parallel_loop3A_189] : memref<64x1024xf32, #tpu.memory_space<vmem>>[vector<16xi32>, vector<16xi32>], vector<16xf32>,
          %parallel_loop3A_226 = arith.constant 16 : i32
          %parallel_loop3A_227 = arith.muli %parallel_loop3A_184, %parallel_loop3A_226 : i32
          %parallel_loop3A_228 = arith.constant 5 : i32
          %parallel_loop3A_229 = arith.index_cast %parallel_loop3A_228 : i32 to index
          %parallel_loop3A_230 = arith.index_cast %parallel_loop3A_227 : i32 to index
          %parallel_loop3A_231 = tpu.vector_load %arg8[%parallel_loop3A_229, %parallel_loop3A_230] {strides = array<i32>} : memref<8x2048xf32, #tpu.memory_space<vmem>>, vector<16xf32>,
          tpu.vector_store %arg8[%parallel_loop3A_229, %parallel_loop3A_230], %parallel_loop3A_225 {strides = array<i32>} : memref<8x2048xf32, #tpu.memory_space<vmem>>, vector<16xf32>,
          %parallel_loop3A_232 = tpu.vector_load_idx %arg5[%broadcast_in_dim3A_171, %parallel_loop3A_189] : memref<64x1024xf32, #tpu.memory_space<vmem>>[vector<16xi32>, vector<16xi32>], vector<16xf32>,
          %parallel_loop3A_233 = arith.constant 16 : i32
          %parallel_loop3A_234 = arith.muli %parallel_loop3A_184, %parallel_loop3A_233 : i32
          %parallel_loop3A_235 = arith.constant 6 : i32
          %parallel_loop3A_236 = arith.index_cast %parallel_loop3A_235 : i32 to index
          %parallel_loop3A_237 = arith.index_cast %parallel_loop3A_234 : i32 to index
          %parallel_loop3A_238 = tpu.vector_load %arg8[%parallel_loop3A_236, %parallel_loop3A_237] {strides = array<i32>} : memref<8x2048xf32, #tpu.memory_space<vmem>>, vector<16xf32>,
          tpu.vector_store %arg8[%parallel_loop3A_236, %parallel_loop3A_237], %parallel_loop3A_232 {strides = array<i32>} : memref<8x2048xf32, #tpu.memory_space<vmem>>, vector<16xf32>,
          %parallel_loop3A_239 = tpu.vector_load_idx %arg5[%broadcast_in_dim3A_174, %parallel_loop3A_189] : memref<64x1024xf32, #tpu.memory_space<vmem>>[vector<16xi32>, vector<16xi32>], vector<16xf32>,
          %parallel_loop3A_240 = arith.constant 16 : i32
          %parallel_loop3A_241 = arith.muli %parallel_loop3A_184, %parallel_loop3A_240 : i32
          %parallel_loop3A_242 = arith.constant 7 : i32
          %parallel_loop3A_243 = arith.index_cast %parallel_loop3A_242 : i32 to index
          %parallel_loop3A_244 = arith.index_cast %parallel_loop3A_241 : i32 to index
          %parallel_loop3A_245 = tpu.vector_load %arg8[%parallel_loop3A_243, %parallel_loop3A_244] {strides = array<i32>} : memref<8x2048xf32, #tpu.memory_space<vmem>>, vector<16xf32>,
          tpu.vector_store %arg8[%parallel_loop3A_243, %parallel_loop3A_244], %parallel_loop3A_239 {strides = array<i32>} : memref<8x2048xf32, #tpu.memory_space<vmem>>, vector<16xf32>,
        } {sc.loop_unroll_factor = 2 : i64, sc.parallel_access}
        %mul3A_177 = arith.constant 8 : i32
        %mul3A_178 = arith.muli %select_n3A_96, %mul3A_177 : i32
        %mul3A_179 = arith.constant 2048 : i32
        %mul3A_180 = arith.muli %select_n3A_80, %mul3A_179 : i32
        %dma_start3A = tpu.memref_slice %arg4[%select_n3A, %mul3A_178, %mul3A_180] : memref<200x64x4096xf32, #tpu.memory_space<hbm>> -> memref<1x8x2048xf32, #tpu.memory_space<hbm>>
        %dma_start3A_181 = tpu.memref_squeeze %dma_start3A : memref<1x8x2048xf32, #tpu.memory_space<hbm>> -> memref<8x2048xf32, #tpu.memory_space<hbm>>
        %dma_start3A_182 = tpu.memref_slice %arg4[%select_n3A, %mul3A_178, %mul3A_180] : memref<200x64x4096xf32, #tpu.memory_space<hbm>> -> memref<1x8x2048xf32, #tpu.memory_space<hbm>>
        %dma_start3A_183 = tpu.memref_squeeze %dma_start3A_182 : memref<1x8x2048xf32, #tpu.memory_space<hbm>> -> memref<8x2048xf32, #tpu.memory_space<hbm>>
        tpu.enqueue_dma source(%arg8 : memref<8x2048xf32, #tpu.memory_space<vmem>>) target(%dma_start3A_183 : memref<8x2048xf32, #tpu.memory_space<hbm>>) target_semaphore(%arg10 : memref<!tpu.dma_semaphore, #tpu.memory_space<semaphore_mem>>)
      } else {
      }
    }
    %scan3A_7 = arith.constant 100 : i32
    %dma_wait3A = arith.constant 0 : i32
    %dma_wait3A_8 = arith.constant 0 : i32
    %dma_wait3A_9 = arith.constant 0 : i32
    %dma_wait3A_10 = tpu.memref_slice %arg4[%dma_wait3A, %dma_wait3A_8, %dma_wait3A_9] : memref<200x64x4096xf32, #tpu.memory_space<hbm>> -> memref<1x8x2048xf32, #tpu.memory_space<hbm>>
    %dma_wait3A_11 = tpu.memref_squeeze %dma_wait3A_10 : memref<1x8x2048xf32, #tpu.memory_space<hbm>> -> memref<8x2048xf32, #tpu.memory_space<hbm>>
    %dma_wait3A_12 = arith.constant 0 : i32
    %dma_wait3A_13 = arith.constant 0 : i32
    %dma_wait3A_14 = tpu.memref_slice %arg4[%dma_wait3A, %dma_wait3A_12, %dma_wait3A_13] : memref<200x64x4096xf32, #tpu.memory_space<hbm>> -> memref<1x8x2048xf32, #tpu.memory_space<hbm>>
    %dma_wait3A_15 = tpu.memref_squeeze %dma_wait3A_14 : memref<1x8x2048xf32, #tpu.memory_space<hbm>> -> memref<8x2048xf32, #tpu.memory_space<hbm>>
    tpu.wait_dma2 semaphore(%arg9 : memref<!tpu.dma_semaphore, #tpu.memory_space<semaphore_mem>>) src(%arg7 : memref<8x2048xf32, #tpu.memory_space<vmem>>) dst(%dma_wait3A_15 : memref<8x2048xf32, #tpu.memory_space<hbm>>)
    %dma_wait3A_16 = arith.constant 0 : i32
    %dma_wait3A_17 = arith.constant 0 : i32
    %dma_wait3A_18 = arith.constant 0 : i32
    %dma_wait3A_19 = tpu.memref_slice %arg4[%dma_wait3A_16, %dma_wait3A_17, %dma_wait3A_18] : memref<200x64x4096xf32, #tpu.memory_space<hbm>> -> memref<1x8x2048xf32, #tpu.memory_space<hbm>>
    %dma_wait3A_20 = tpu.memref_squeeze %dma_wait3A_19 : memref<1x8x2048xf32, #tpu.memory_space<hbm>> -> memref<8x2048xf32, #tpu.memory_space<hbm>>
    %dma_wait3A_21 = arith.constant 0 : i32
    %dma_wait3A_22 = arith.constant 0 : i32
    %dma_wait3A_23 = tpu.memref_slice %arg4[%dma_wait3A_16, %dma_wait3A_21, %dma_wait3A_22] : memref<200x64x4096xf32, #tpu.memory_space<hbm>> -> memref<1x8x2048xf32, #tpu.memory_space<hbm>>
    %dma_wait3A_24 = tpu.memref_squeeze %dma_wait3A_23 : memref<1x8x2048xf32, #tpu.memory_space<hbm>> -> memref<8x2048xf32, #tpu.memory_space<hbm>>
    tpu.wait_dma2 semaphore(%arg10 : memref<!tpu.dma_semaphore, #tpu.memory_space<semaphore_mem>>) src(%arg8 : memref<8x2048xf32, #tpu.memory_space<vmem>>) dst(%dma_wait3A_24 : memref<8x2048xf32, #tpu.memory_space<hbm>>)
    return
  }
}

</mosaic_0001>

<sc_bundles>
// kernel: kernel.4.cloned.1.call-start
scs
__scs_entry_jumppad:
0x0: {  	(pc) =	sbr.rel $0x88, $3  }
0x1: {  	(tag) =	ssettag $0x0;
	lr =	simm.s32 $0x1  }
0x2: {  	[smem:$0x3F9E] =	sst lr;
	_ =	strace $0xD0000000  }
0x3: {  	_ = 	snop  }
0x4: {  	_ = 	snop  }
0x5: {  	_ = 	snop  }
0x6: {  	_ = 	snop  }
0x7: {  	_ = 	snop  }
__scs_overlays_trampoline_lowered:
0x8: {  	[smem:$0x3FAD] =	sst s0  }
0x9: {  	[smem:$0x3FAE] =	sst s1  }
0xa: {  	[smem:$0x3FAF] =	sst s2  }
0xb: {  	[smem:$0x3FB0] =	sst s3  }
0xc: {  	[smem:$0x3FB1] =	sst s4  }
0xd: {  	[smem:$0x3FB2] =	sst s5  }
0xe: {  	[smem:$0x3FB3] =	sst s6  }
0xf: {  	[smem:$0x3FB4] =	sst s7  }
0x10: {  	[smem:$0x3FB5] =	sst s8  }
0x11: {  	[smem:$0x3FB6] =	sst s9;
	s0 =	simm.s32 @!p0 $0x0  }
0x12: {  	s1 =	sld [smem:$0x3F9C];
	s0 =	simm.s32 @p0 $0x1  }
0x13: {  	[smem:$0x3FB7] =	sst s0;
	s0 =	simm.s32 @!p1 $0x0  }
0x14: {  	s2 =	sld [smem:$0x3F9B];
	s0 =	simm.s32 @p1 $0x1  }
0x15: {  	[smem:$0x3FB8] =	sst s0;
	s0 =	simm.s32 @!p2 $0x0  }
0x16: {  	s3 =	sld [smem:$0x3FDB];
	s0 =	simm.s32 @p2 $0x1  }
0x17: {  	s4 =	simm.s32 $0x1BF5;
	[smem:$0x3FBA] =	sst s0  }
0x18: {  	s0 =	sld [smem:$0x3F9D];
	_ =	swait.ge [sflag:s4], $0x0  }
0x19: {  	s7 =	sld [smem:$0x3F9E]  }
0x1a: {  	s8 =	sadd.s32 $0xFFFFE003, lr  }
0x1b: {  	s9 =	sadd.s32 $0xFFFFFEF7, lr;
	s5 =	simm.s32 $0xFFFFFFFF;
	p2 =	slt.u32 s8, $0xFFFFF086  }
0x1c: {  	p1 =	slt.u32 s9, $0xF7A;
	s5 =	simm.s32 @!p2 $0x0  }
0x1d: {  	s5 =	simm.s32 @p1 $0x1;
	p0 =	seq.s32 s7, s2  }
0x1e: {  	s7 =	smul.u32 @!p0 $0xF7A, s2;
	p2 =	seq.s32 @!p0 s5, $0x0  }
0x1f: {  	s9 =	smul.u32 $0xF7A, s1;
	s8 =	simm.s32 @!p0 $0x1BF5;
	p2 =	por !p2, p0  }
0x20: {  	[sflag:s8] =	ssyncset.s32 @!p0 $0xFFFFF086;
	s6 =	sadd.s32 @!p0 s3, s7;
	s7 =	simm.s32 @!p0 $0x108  }
0x21: {  	s3 =	sadd.s32 s3, s9;
	s6 =	sadd.s32 @!p0 $0x88, s6;
	s7 =	simm.s32 @p2 $0x1082  }
0x22: {  	[simem:s7], [sflag:s8] =	dma.local @!p0 [hbm:s6], $0xF7A  }
0x23: {  	s9 =	sor.u32 $0xD0000000, s2;
	s6 =	simm.s32 $0x108;
	_ =	swait.ge @!p0 [sflag:s8], $0x0  }
0x24: {  	s3 =	sadd.s32 $0x88, s3;
	s6 =	simm.s32 @!p1 $0x1082;
	[sflag:s4] =	ssyncset.s32 $0xFFFFF086  }
0x25: {  	[simem:s6], [sflag:s4] =	dma.local [hbm:s3], $0xF7A  }
0x26: {  	[smem:$0x3F9E] =	sst s1;
	(tag) =	ssettag s2;
	_ =	strace s9  }
0x27: {  	s1 =	sld [smem:$0x3FAE]  }
0x28: {  	s2 =	sld [smem:$0x3FAF]  }
0x29: {  	s4 =	sld [smem:$0x3FB1]  }
0x2a: {  	p0 =	seq.s32 s5, $0x0;
	s5 =	sld [smem:$0x3FB2]  }
0x2b: {  	s6 =	sld [smem:$0x3FB3]  }
0x2c: {  	s7 =	sld [smem:$0x3FB4]  }
0x2d: {  	s3 =	simm.s32 $0x108;
	s8 =	sld [smem:$0x3FB5]  }
0x2e: {  	s3 =	simm.s32 @!p0 $0x1082;
	s9 =	sld [smem:$0x3FB6]  }
0x2f: {  	lr =	sadd.s32 s0, s3;
	s0 =	sld [smem:$0x3FAD]  }
0x30: {  	s3 =	sld [smem:$0x3FB0]  }
0x31: {  	[smem:$0x3FB9] =	sst s10  }
0x32: {  	s10 =	sld [smem:$0x3FB7];
	_ =	sdelay $0x3  }
0x33: {  	p0 =	seq.s32 s10, $0x1;
	s10 =	sld [smem:$0x3FB9];
	_ =	sdelay $0x3  }
0x34: {  	[smem:$0x3FB9] =	sst s10  }
0x35: {  	s10 =	sld [smem:$0x3FB8];
	_ =	sdelay $0x3  }
0x36: {  	p1 =	seq.s32 s10, $0x1;
	s10 =	sld [smem:$0x3FB9];
	_ =	sdelay $0x3  }
0x37: {  	[smem:$0x3FB9] =	sst s10  }
0x38: {  	s10 =	sld [smem:$0x3FBA]  }
0x39: {  	_ = 	snop;
	(pc) =	sbr.ind lr, $3  }
0x3a: {  	_ = 	snop  }
0x3b: {  	_ = 	snop  }
0x3c: {  	p2 =	seq.s32 s10, $0x1;
	s10 =	sld [smem:$0x3FB9]  }
0x3d: {  	_ =	shalt  }
0x3e: {  	_ =	shalt  }
0x3f: {  	_ =	shalt  }
0x40: {  	_ =	shalt  }
0x41: {  	_ =	shalt  }
0x42: {  	_ =	shalt  }
0x43: {  	_ =	shalt  }
0x44: {  	_ =	shalt  }
0x45: {  	_ =	shalt  }
0x46: {  	_ =	shalt  }
0x47: {  	_ =	shalt  }
0x48: {  	_ =	shalt  }
0x49: {  	_ =	shalt  }
0x4a: {  	_ =	shalt  }
0x4b: {  	_ =	shalt  }
0x4c: {  	_ =	shalt  }
0x4d: {  	_ =	shalt  }
0x4e: {  	_ =	shalt  }
0x4f: {  	_ =	shalt  }
0x50: {  	_ =	shalt  }
0x51: {  	_ =	shalt  }
0x52: {  	_ =	shalt  }
0x53: {  	_ =	shalt  }
0x54: {  	_ =	shalt  }
0x55: {  	_ =	shalt  }
0x56: {  	_ =	shalt  }
0x57: {  	_ =	shalt  }
0x58: {  	_ =	shalt  }
0x59: {  	_ =	shalt  }
0x5a: {  	_ =	shalt  }
0x5b: {  	_ =	shalt  }
0x5c: {  	_ =	shalt  }
0x5d: {  	_ =	shalt  }
0x5e: {  	_ =	shalt  }
0x5f: {  	_ =	shalt  }
0x60: {  	_ =	shalt  }
0x61: {  	_ =	shalt  }
0x62: {  	_ =	shalt  }
0x63: {  	_ =	shalt  }
0x64: {  	_ =	shalt  }
0x65: {  	_ =	shalt  }
0x66: {  	_ =	shalt  }
0x67: {  	_ =	shalt  }
0x68: {  	_ =	shalt  }
0x69: {  	_ =	shalt  }
0x6a: {  	_ =	shalt  }
0x6b: {  	_ =	shalt  }
0x6c: {  	_ =	shalt  }
0x6d: {  	_ =	shalt  }
0x6e: {  	_ =	shalt  }
0x6f: {  	_ =	shalt  }
0x70: {  	_ =	shalt  }
0x71: {  	_ =	shalt  }
0x72: {  	_ =	shalt  }
0x73: {  	_ =	shalt  }
0x74: {  	_ =	shalt  }
0x75: {  	_ =	shalt  }
0x76: {  	_ =	shalt  }
0x77: {  	_ =	shalt  }
0x78: {  	_ =	shalt  }
0x79: {  	_ =	shalt  }
0x7a: {  	_ =	shalt  }
0x7b: {  	_ =	shalt  }
0x7c: {  	_ =	shalt  }
0x7d: {  	_ =	shalt  }
0x7e: {  	_ =	shalt  }
0x7f: {  	_ =	shalt  }
0x80: {  	_ =	shalt  }
0x81: {  	_ =	shalt  }
0x82: {  	_ =	shalt  }
0x83: {  	_ =	shalt  }
0x84: {  	_ =	shalt  }
0x85: {  	_ =	shalt  }
0x86: {  	_ =	shalt  }
0x87: {  	_ =	shalt  }
.Lfunc_end0:
.L_simem_size_0:
called_computation_lowered:
.L_overlay_start_0:
0x88: {  	s2 =	sld [smem:$0x3FD9]  }
0x89: {  	s3 =	sld [smem:$0x3FFE];
	_ =	sdelay $0x1  }
0x8a: {  	s1 =	srdreg.scid  }
0x8b: {  	s0 =	sand.u32 $0x1, s1  }
0x8c: {  	s15 =	sshll.u32 s0, $0xA;
	s2 =	sadd.s32 s3, s2  }
0x8d: {  	s2 =	sadd.s32 s2, s15  }
0x8e: {  	[smem:$0x3FC5] =	sst s2  }
0x8f: {  	_ = 	snop  }
0x90: {  	s16 =	sld [smem:$0x3FD0];
	_ =	sdelay $0x2  }
0x91: {  	s4 =	simm.s32 $0xB;
	s5 =	simm.s32 $0x10;
	s2 =	sld [smem:$0x3FC9]  }
0x92: {  	[smem:s5], [sflag:s4] =	dma.local [hbm:s16], $0x1  }
0x93: {  	_ =	swait.eq [sflag:s4], $0x1  }
0x94: {  	[sflag:s4] =	ssyncset.done $0x0  }
0x95: {  	[sflag:s4] =	ssyncadd.s32 $0xFFFFFFFF  }
0x96: {  	s17 =	sld [smem:$0x10];
	(tm) =	ssettm $0x1  }
0x97: {  	s18 =	sld [smem:$0x3FFB];
	_ =	sdelay $0x3  }
0x98: {  	_ =	strace s18  }
0x99: {  	s3 =	sld [smem:$0x3FFC];
	_ =	sdelay $0x3  }
0x9a: {  	_ =	strace s3  }
0x9b: {  	s3 =	sld [smem:$0x3FFD];
	_ =	sdelay $0x3  }
0x9c: {  	_ =	strace s3  }
0x9d: {  	_ =	strace $0x8FFFFFFF  }
0x9e: {  	s19 =	sld [smem:$0x3FDB];
	_ =	sdelay $0x1  }
0x9f: {  	s20 =	simm.s32 $_scs_section_size  }
0xa0: {  	s6 =	simm.s32 $_size__tile_overlayer_lowered;
	s7 =	simm.s32 $_tile_overlayer_lowered  }
0xa1: {  	s8 =	simm.s32 $0x1BFF;
	s21 =	sshll.u32 s7, $0x1;
	s5 =	sadd.s32 s20, s19  }
0xa2: {  	s22 =	simm.s32 $0x0;
	s6 =	sshll.u32 s6, $0x1;
	s7 =	sadd.s32 s21, s5  }
0xa3: {  	[timem:s22], [sflag:s8] =	dma.local [hbm:s7], s6  }
0xa4: {  	_ =	swait.ge [sflag:s8], s6  }
0xa5: {  	s6 =	ssub.s32 $0x0, s6;
	[sflag:s8] =	ssyncset.done $0x0  }
0xa6: {  	[sflag:s8] =	ssyncadd.s32 s6;
	_ =	sdelay $0x1  }
0xa7: {  	s23 =	simm.s32 $0x1B8B  }
0xa8: {  	_ =	swait.ge [sflag:s23], $0x1  }
0xa9: {  	[sflag:s23] =	ssyncset.done $0x0  }
0xaa: {  	[sflag:s23] =	ssyncadd.s32 $0xFFFFFFFF  }
0xab: {  	s6 =	sld [smem:$0x0]  }
0xac: {  	s7 =	sand.u32 $0xFFFFFFFE, s1  }
0xad: {  	p0 =	sne.s32 s1, s7  }
0xae: {  	s7 =	sshll.u32 @p0 s7, $0xE  }
0xaf: {  	s7 =	sadd.s32 @p0 $0x11B8D, s7;
	s8 =	sshll.u32 @p0 s6, $0x11  }
0xb0: {  	s7 =	sor.u32 @p0 s8, s7  }
0xb1: {  	[sflag:s7] =	ssyncadd.remote.s32 @p0 $0x1;
	_ =	sdelay $0x1  }
0xb2: {  	s7 =	simm.s32 @p0 $0x1B8D  }
0xb3: {  	_ =	swait.eq @p0 [sflag:s7], $0x1  }
0xb4: {  	[sflag:s7] =	ssyncadd.s32 @p0 $0xFFFFFFFF  }
0xb5: {  	s8 =	sshll.u32 @!p0 s1, $0xE  }
0xb6: {  	s8 =	sor.u32 @!p0 $0x4000, s8;
	s7 =	simm.s32 @!p0 $0x1B8D  }
0xb7: {  	s6 =	sshll.u32 @!p0 s6, $0x11;
	s8 =	sadd.s32 @!p0 $0x11B8D, s8;
	_ =	swait.eq @!p0 [sflag:s7], $0x1  }
0xb8: {  	s6 =	sor.u32 @!p0 s6, s8;
	[sflag:s7] =	ssyncadd.s32 @!p0 $0xFFFFFFFF  }
0xb9: {  	s25 =	simm.s32 $0x1B8E;
	s24 =	sld [smem:$0x3FFE];
	[sflag:s6] =	ssyncadd.remote.s32 @!p0 $0x1  }
0xba: {  	s26 =	simm.s32 $execute0_lowered;
	[smem:$0x3FD2] =	sst s25  }
0xbb: {  	s7 =	sshll.u32 s26, $0x1;
	_ =	strace $0x80000049;
	[dreg:$0x1] =	wrdreg $0xFFFFFFFF  }
0xbc: {  	s28 =	simm.s32 $_size_execute0_lowered;
	s5 =	sadd.s32 s5, s7;
	[dreg:$0x0] =	wrdreg $0x0  }
0xbd: {  	s7 =	sshll.u32 s28, $0x1;
	[dreg:$0x2] =	wrdreg s5  }
0xbe: {  	[dreg:$0x3] =	wrdreg s7  }
0xbf: {  	[dreg:$0x4] =	wrdreg $0xC0  }
0xc0: {  	_ =	task [dreg:s22], $0x5FFFF  }
0xc1: {  	[dreg:$0x1] =	wrdreg $0xFFFFFFFF  }
0xc2: {  	[dreg:$0x0] =	wrdreg $0x60  }
0xc3: {  	[dreg:$0x2] =	wrdreg s2  }
0xc4: {  	[dreg:$0x3] =	wrdreg s24  }
0xc5: {  	[dreg:$0x4] =	wrdreg s17  }
0xc6: {  	[dreg:$0x5] =	wrdreg $0x9  }
0xc7: {  	_ =	task.clear_ibuf [dreg:s22], $0x6FFFF;
	_ =	strace $0x90000049  }
0xc8: {  	s29 =	simm.s32 $0x9;
	_ =	strace $0x8000004B  }
0xc9: {  	_ =	swait.ge [sflag:s29], $0x1  }
0xca: {  	[sflag:s29] =	ssyncadd.s32 $0xFFFFFFFF  }
0xcb: {  	_ =	strace $0x9000004B  }
0xcc: {  	_ =	sfence  }
0xcd: {  	s30 =	sld [smem:$0x0];
	_ =	sdelay $0x2  }
0xce: {  	s31 =	sshll.u32 s1, $0xD;
	s1 =	sshrl.u32 s1, $0x2  }
0xcf: {  	s4 =	sand.u32 $0x4000, s31;
	s1 =	sadd.s32 s1, s30  }
0xd0: {  	s0 =	sor.u32 s4, s0;
	s1 =	sshll.u32 s1, $0x11  }
0xd1: {  	s0 =	sor.u32 s1, s0  }
0xd2: {  	s0 =	sadd.s32 $0x8F2B, s0  }
0xd3: {  	[sflag:s0] =	ssyncadd.remote.s32 $0x1  }
0xd4: {  	_ =	sfence.sel $0xFFFF  }
0xd5: {  	[dreg:$0x0] =	wrdreg $0xFFFFFFFF;
	(pc) =	sbr.abs _section_cstart, $3  }
0xd6: {  	[dreg:$0x1] =	wrdreg $0xFFFFFFFF  }
0xd7: {  	_ =	task.clear_ibuf [dreg:s22], $0x2FFFF;
	_ =	strace $0x9FFFFFFF  }
0xd8: {  	(tm) =	ssettm $0x7FFFFFFF  }
0xd9: {  	_ =	shalt  }
tec
execute0_lowered:
.L_overlay_start_1:
0x0: {  	(tag) =	ssettag $0x1  }
0x1: {  	s0 =	rddreg [dreg:$0x1]  }
0x2: {  	s31 =	rddreg [dreg:$0x2]  }
0x3: {  	s1 =	srdreg.scid;
	s4 =	simm.s32 $0x0;
	s2 =	stileid.u32  }
0x4: {  	s1 =	sand.u32 $0x1, s1;
	[smem:$0x7FF] =	sst s4;
	s6 =	sshll.u32 s2, $0x1  }
.Ltmp0:
0x5: {  	s3 =	ssub.s32 $0x2, s1;
	s1 =	sor.u32 s1, s6;
	(pc) =	sbr.rel .LBB2_1-.Ltmp0, $4  }
0x6: {  	s0 =	sadd.s32 $0x2A00, s0;
	s5 =	sshrl.u32 s3, $0x1;
	s6 =	smul.u32 $0x64, s1  }
0x7: {  	_ =	strace $0x8000004A;
	[dreg:$0x4] =	wrdreg s0;
	s3 =	ssub.s32 s3, s5  }
0x8: {  	v0 =	vimm.s32 $0x0;
	vm0 =	vcmask $0x300;
	s30 =	smax.u32 s3, $0x1;
	[dreg:$0x5] =	wrdreg s6  }
0x9: {  	v0 =	vsel vm0, $0xD, v0;
	s2 =	simm.s32 $0x0;
	[dreg:$0x6] =	wrdreg s30  }
.LBB2_10:
0xa: {  	s0 =	simm.s32 $0x1  }
0xb: {  	_ =	swait.ge [sflag:s0], $0x4000  }
0xc: {  	[sflag:s0] =	ssyncset.done $0x0  }
0xd: {  	s1 =	simm.s32 $0x2;
	[sflag:s0] =	ssyncadd.s32 $0xFFFFC000  }
0xe: {  	_ =	swait.ge [sflag:s1], $0x4000  }
0xf: {  	s2 =	rddreg [dreg:$0x7]  }
0x10: {  	s30 =	rddreg [dreg:$0x6];
	s2 =	sadd.s32 $0x1, s2  }
0x11: {  	p0 =	sne.s32 s2, s30  }
.Ltmp1:
0x12: {  	_ = 	snop;
	(pc) =	sbr.rel @!p0 .LBB2_11-.Ltmp1, $3  }
0x13: {  	_ =	sdelay $0x1  }
0x14: {  	[sflag:s1] =	ssyncset.done $0x0  }
0x15: {  	[sflag:s1] =	ssyncadd.s32 $0xFFFFC000  }
.LBB2_1:
0x16: {  	[dreg:$0x7] =	wrdreg s2  }
.Ltmp2:
0x17: {  	s0 =	rddreg [dreg:$0x4];
	s30 =	simm.s32 $0x3;
	(pc) =	sbr.rel .LBB2_2-.Ltmp2, $4  }
0x18: {  	[tilespmem:s4], [sflag:$0x3] =	stream.linear.gather [hbm4b:s0+s4], $0x10000, $0x38;
	[tilespmem:$0x19000] =	vst v63  }
0x19: {  	_ =	swait.ge [sflag:s30], $0x10000  }
0x1a: {  	[sflag:s30] =	ssyncset.done $0x0  }
0x1b: {  	s17 =	simm.s32 $0x0;
	[sflag:s30] =	ssyncadd.s32 $0xFFFF0000  }
.LBB2_9:
0x1c: {  	s17 =	sadd.s32 $0x1, s17  }
0x1d: {  	p0 =	sne.s32 s17, $0x64  }
.Ltmp3:
0x1e: {  	_ = 	snop;
	(pc) =	sbr.rel @!p0 .LBB2_10-.Ltmp3, $1  }
0x1f: {  	_ =	sdelay $0x3  }
.LBB2_2:
0x20: {  	s0 =	sadd.s32 s6, s17  }
0x21: {  	p0 =	seq.s32 s17, $0x0;
	s1 =	sand.u32 $0xF, s0  }
0x22: {  	p1 =	sne.s32 @!p0 s1, $0x0  }
0x23: {  	s18 =	sshrl.u32 s0, $0x4;
	p0 =	por p0, !p1  }
0x24: {  	s3 =	sshll.u32 @p0 s18, $0x9;
	s5 =	sand.u32 @p0 $0x70, s0;
	s2 =	rddreg @p0 [dreg:$0x0]  }
0x25: {  	s7 =	simm.s32 @p0 $0x10000;
	s3 =	sand.u32 @p0 $0xFFFF000, s3;
	s5 =	sadd.s32 @p0 s2, s5  }
0x26: {  	s2 =	simm.s32 @p0 $0x80;
	s3 =	sadd.s32 @p0 s3, s5;
	s5 =	simm.s32 @p0 $0x400  }
0x27: {  	[tilespmem:s7], [sflag:$0x3] =	stream.strided.gather @p0 [hbm4b:s3+s2], $0x1000, s5, s2, $0x38;
	[tilespmem:$0x19000] =	vst v63  }
0x28: {  	s2 =	simm.s32 @p0 $0x3  }
0x29: {  	_ =	swait.ge @p0 [sflag:s2], $0x1000  }
0x2a: {  	s21 =	sand.u32 $0x1, s17;
	[sflag:s2] =	ssyncset.done @p0 $0x0  }
0x2b: {  	[sflag:s2] =	ssyncadd.s32 @p0 $0xFFFFF000;
	p0 =	seq.s32 s21, $0x1  }
.Ltmp4:
0x2c: {  	_ = 	snop;
	(pc) =	sbr.rel @p0 .LBB2_6-.Ltmp4, $3  }
0x2d: {  	_ =	sdelay $0x1  }
0x2e: {  	s1 =	sshll.u32 s1, $0x8  }
0x2f: {  	s20 =	sand.u32 $0x7, s0;
	s19 =	sand.u32 $0x800, s1  }
0x30: {  	p0 =	slt.u32 s17, $0x2  }
0x31: {  	s0 =	simm.s32 $0x0;
	s1 =	simm.s32 @!p0 $0x1  }
0x32: {  	s22 =	sor.u32 $0x10000, s19;
	s3 =	sand.u32 $0x780, s0;
	_ =	swait.ge @!p0 [sflag:s1], $0x4000  }
0x33: {  	s7 =	sand.u32 $0x60, s0;
	s3 =	sadd.s32 s3, s22;
	[sflag:s1] =	ssyncset.done @!p0 $0x0  }
0x34: {  	s2 =	sor.u32 $0x10, s7;
	s5 =	sadd.s32 s7, s3;
	[sflag:s1] =	ssyncadd.s32 @!p0 $0xFFFFC000  }
0x35: {  	s3 =	sadd.s32 s2, s3;
	v1 =	vld [tilespmem:s5+$0x0]  }
0x36: {  	s8 =	sshll.u32 s20, $0x3;
	v3 =	vld [tilespmem:s3+$0x0]  }
0x37: {  	v2 =	vmov s8  }
0x38: {  	v2 =	vshrl.u32 v2, $0x3  }
0x39: {  	v7 =	vshll.u32 v2, v0  }
0x3a: {  	v10 =	vbroadcast v7, $0x0;
	v2 =	vshll.u32 v1, $0x3  }
0x3b: {  	v26 =	vand.u32 $0x7F, v1;
	v1 =	vshll.u32 v3, $0x3;
	v27 =	vand.u32 $0xFFFFFC00, v2  }
0x3c: {  	s9 =	simm.s32 $0x20;
	v14 =	vand.u32 $0x7F, v3;
	v12 =	vand.u32 $0xFFFFFC00, v1;
	v2 =	vadd.s32 v10, v27  }
0x3d: {  	s10 =	sand.u32 $0x780, s9;
	v1 =	vor.u32 $0x80, v7;
	v3 =	vadd.s32 v10, v12;
	v2 =	vor.u32 v26, v2  }
0x3e: {  	s9 =	sand.u32 $0x60, s9;
	s11 =	sadd.s32 s10, s22;
	v11 =	vbroadcast v1, $0x0;
	v1 =	vor.u32 $0x100, v7;
	v8 =	vor.u32 v14, v3  }
0x3f: {  	s12 =	sor.u32 $0x10, s9;
	s5 =	sadd.s32 s9, s11;
	v6 =	vbroadcast v1, $0x0;
	v1 =	vor.u32 $0x180, v7;
	v3 =	vor.u32 $0x200, v7  }
0x40: {  	s3 =	sadd.s32 s12, s11;
	v9 =	vld [tilespmem:s5+$0x0];
	v5 =	vbroadcast v1, $0x0;
	v4 =	vbroadcast v3, $0x0;
	v1 =	vor.u32 $0x280, v7  }
0x41: {  	v18 =	vld [tilespmem:s3+$0x0];
	v3 =	vor.u32 $0x300, v7;
	v13 =	vadd.s32 v11, v27;
	v7 =	vor.u32 $0x380, v7  }
0x42: {  	v16 =	vor.u32 v26, v13;
	v15 =	vld.idx.msk [tilespmem:v2+s4+$0x0], $0xffff;
	v2 =	vbroadcast v3, $0x0;
	v3 =	vbroadcast v1, $0x0  }
0x43: {  	v1 =	vbroadcast v7, $0x0;
	v7 =	vadd.s32 v11, v12;
	v17 =	vld.idx.msk [tilespmem:v8+s4+$0x0], $0xffff;
	v8 =	vadd.s32 v6, v12  }
0x44: {  	s10 =	sand.u32 $0x3C00, s0;
	v7 =	vor.u32 v14, v7;
	v20 =	vor.u32 v14, v8;
	v8 =	vadd.s32 v5, v12  }
0x45: {  	s10 =	sadd.s32 $0x11000, s10;
	v23 =	vor.u32 v14, v8;
	v8 =	vshll.u32 v9, $0x3  }
0x46: {  	s14 =	simm.s32 $0x40;
	s7 =	sor.u32 s7, s10;
	v22 =	vshll.u32 v18, $0x3;
	v19 =	vadd.s32 v4, v12;
	v8 =	vand.u32 $0xFFFFFC00, v8  }
0x47: {  	s15 =	sand.u32 $0x780, s14;
	s13 =	sor.u32 s2, s10;
	v24 =	vor.u32 v14, v19;
	v19 =	vadd.s32 v6, v27;
	v21 =	vadd.s32 v10, v8;
	[tilespmem:s7+$0x0] =	vst v15  }
0x48: {  	s16 =	sand.u32 $0x60, s14;
	s10 =	sadd.s32 s15, s22;
	v9 =	vand.u32 $0x7F, v9;
	v15 =	vadd.s32 v3, v12;
	[tilespmem:s13+$0x0] =	vst v17;
	v17 =	vor.u32 v26, v19;
	v16 =	vld.idx.msk [tilespmem:v16+s4+$0x0], $0xffff  }
0x49: {  	s1 =	sadd.s32 s16, s10;
	v19 =	vor.u32 v14, v15;
	v15 =	vadd.s32 v2, v12;
	v7 =	vld.idx.msk [tilespmem:v7+s4+$0x0], $0xffff;
	v12 =	vadd.s32 v1, v12  }
0x4a: {  	v21 =	vor.u32 v9, v21;
	v28 =	vor.u32 v14, v15;
	v36 =	vor.u32 v14, v12;
	v14 =	vld [tilespmem:s1+$0x0];
	s1 =	sor.u32 $0x10, s16  }
0x4b: {  	v18 =	vand.u32 $0x7F, v18;
	v12 =	vand.u32 $0xFFFFFC00, v22;
	s10 =	sadd.s32 s1, s10  }
0x4c: {  	s24 =	simm.s32 $0x60;
	v13 =	vadd.s32 v2, v27;
	v22 =	vadd.s32 v10, v12;
	v25 =	vadd.s32 v11, v12;
	v34 =	vld [tilespmem:s10+$0x0]  }
0x4d: {  	s25 =	sand.u32 $0x780, s24;
	v29 =	vadd.s32 v6, v12;
	v37 =	vadd.s32 v1, v12;
	v30 =	vor.u32 v18, v22;
	[tilespmem:s7+$0x80] =	vst v16  }
0x4e: {  	s14 =	sand.u32 $0x60, s24;
	s26 =	sadd.s32 s25, s22;
	s11 =	simm.s32 $0x100;
	v22 =	vadd.s32 v5, v27;
	v25 =	vor.u32 v18, v25;
	v32 =	vor.u32 v18, v29;
	v17 =	vld.idx.msk [tilespmem:v17+s4+$0x0], $0xffff  }
0x4f: {  	s30 =	sor.u32 $0x10, s14;
	s2 =	simm.s32 $0x200;
	s23 =	sand.u32 $0x3C00, s11;
	v21 =	vld.idx.msk [tilespmem:v21+s4+$0x0], $0xffff;
	v31 =	vor.u32 v26, v22;
	v16 =	vadd.s32 v11, v8;
	[tilespmem:s13+$0x80] =	vst v7  }
0x50: {  	s11 =	sadd.s32 s14, s26;
	s5 =	sand.u32 $0x3C00, s2;
	s10 =	sadd.s32 $0x11000, s23;
	v22 =	vadd.s32 v3, v12;
	v7 =	vadd.s32 v5, v12;
	v16 =	vor.u32 v9, v16;
	v33 =	vld.idx.msk [tilespmem:v20+s4+$0x0], $0xffff  }
0x51: {  	v51 =	vld [tilespmem:s11+$0x0];
	s8 =	sadd.s32 $0x11000, s5;
	s29 =	sor.u32 s12, s10;
	s12 =	simm.s32 $0x80;
	v20 =	vadd.s32 v4, v12;
	v35 =	vor.u32 v18, v7;
	v38 =	vshll.u32 v34, $0x3  }
0x52: {  	s28 =	sor.u32 s9, s10;
	s9 =	sadd.s32 s30, s26;
	s15 =	sand.u32 $0x780, s12;
	v7 =	vshll.u32 v14, $0x3;
	v29 =	vor.u32 v18, v20;
	v30 =	vld.idx.msk [tilespmem:v30+s4+$0x0], $0xffff;
	v38 =	vand.u32 $0xFFFFFC00, v38  }
0x53: {  	s23 =	sor.u32 s16, s8;
	v39 =	vld [tilespmem:s9+$0x0];
	s3 =	sand.u32 $0x60, s12;
	s16 =	sadd.s32 s15, s22;
	v20 =	vadd.s32 v2, v12;
	v34 =	vand.u32 $0x7F, v34;
	v40 =	vadd.s32 v10, v38;
	[tilespmem:s7+$0x100] =	vst v17  }
0x54: {  	v7 =	vand.u32 $0xFFFFFC00, v7;
	s24 =	sadd.s32 s3, s16;
	[tilespmem:s28+$0x0] =	vst v21;
	v21 =	vadd.s32 v4, v27;
	v40 =	vor.u32 v34, v40;
	v17 =	vld.idx.msk [tilespmem:v31+s4+$0x0], $0xffff  }
0x55: {  	v12 =	vand.u32 $0x7F, v14;
	v47 =	vld [tilespmem:s24+$0x0];
	v50 =	vor.u32 v26, v21;
	[tilespmem:s13+$0x100] =	vst v33;
	v31 =	vadd.s32 v10, v7  }
0x56: {  	v22 =	vor.u32 v18, v22;
	v20 =	vor.u32 v18, v20;
	v23 =	vld.idx.msk [tilespmem:v23+s4+$0x0], $0xffff;
	v31 =	vor.u32 v12, v31  }
0x57: {  	v14 =	vld.idx.msk [tilespmem:v16+s4+$0x0], $0xffff;
	v16 =	vor.u32 v18, v37;
	v18 =	vadd.s32 v6, v8;
	[tilespmem:s29+$0x0] =	vst v30  }
0x58: {  	v54 =	vor.u32 v26, v13;
	v56 =	vadd.s32 v4, v8;
	v18 =	vor.u32 v9, v18;
	v41 =	vld.idx.msk [tilespmem:v25+s4+$0x0], $0xffff  }
0x59: {  	v15 =	vadd.s32 v2, v8;
	v40 =	vld.idx.msk [tilespmem:v40+s4+$0x0], $0xffff;
	[tilespmem:s7+$0x180] =	vst v17;
	v17 =	vadd.s32 v11, v38  }
0x5a: {  	v21 =	vadd.s32 v2, v7;
	v25 =	vadd.s32 v3, v27;
	v33 =	vld.idx.msk [tilespmem:v50+s4+$0x0], $0xffff;
	v42 =	vor.u32 v34, v17  }
0x5b: {  	v30 =	vadd.s32 v11, v7;
	[tilespmem:s13+$0x180] =	vst v23;
	v17 =	vld.idx.msk [tilespmem:v31+s4+$0x0], $0xffff;
	v31 =	vor.u32 v26, v25  }
0x5c: {  	v53 =	vadd.s32 v2, v38;
	v30 =	vor.u32 v12, v30;
	[tilespmem:s28+$0x80] =	vst v14;
	v24 =	vld.idx.msk [tilespmem:v24+s4+$0x0], $0xffff  }
0x5d: {  	s24 =	sor.u32 s1, s8;
	v14 =	vadd.s32 v5, v8;
	v23 =	vadd.s32 v6, v38;
	v44 =	vld.idx.msk [tilespmem:v18+s4+$0x0], $0xffff;
	[tilespmem:s29+$0x80] =	vst v41  }
0x5e: {  	v18 =	vadd.s32 v4, v38;
	v52 =	vor.u32 v9, v14;
	v32 =	vld.idx.msk [tilespmem:v32+s4+$0x0], $0xffff;
	[tilespmem:s24+$0x0] =	vst v40  }
0x5f: {  	v14 =	vadd.s32 v3, v38;
	v43 =	vor.u32 v34, v23;
	[tilespmem:s7+$0x200] =	vst v33;
	v42 =	vld.idx.msk [tilespmem:v42+s4+$0x0], $0xffff  }
0x60: {  	v23 =	vor.u32 v34, v18;
	v18 =	vor.u32 v34, v14;
	v14 =	vshll.u32 v51, $0x3;
	[tilespmem:s23+$0x0] =	vst v17;
	v31 =	vld.idx.msk [tilespmem:v31+s4+$0x0], $0xffff  }
0x61: {  	v27 =	vadd.s32 v1, v27;
	v25 =	vadd.s32 v5, v38;
	v14 =	vand.u32 $0xFFFFFC00, v14;
	[tilespmem:s13+$0x200] =	vst v24;
	v45 =	vld.idx.msk [tilespmem:v30+s4+$0x0], $0xffff  }
0x62: {  	v38 =	vadd.s32 v1, v38;
	v30 =	vadd.s32 v10, v14;
	v46 =	vld.idx.msk [tilespmem:v19+s4+$0x0], $0xffff;
	v19 =	vand.u32 $0x7F, v51  }
0x63: {  	v26 =	vor.u32 v26, v27;
	[tilespmem:s28+$0x100] =	vst v44;
	v37 =	vor.u32 v19, v30;
	v30 =	vshll.u32 v39, $0x3  }
0x64: {  	v25 =	vor.u32 v34, v25;
	v13 =	vor.u32 v34, v38;
	v55 =	vld.idx.msk [tilespmem:v52+s4+$0x0], $0xffff;
	[tilespmem:s29+$0x100] =	vst v32;
	v48 =	vand.u32 $0xFFFFFC00, v30  }
0x65: {  	v39 =	vand.u32 $0x7F, v39;
	v30 =	vor.u32 v9, v56;
	v35 =	vld.idx.msk [tilespmem:v35+s4+$0x0], $0xffff;
	v27 =	vadd.s32 v10, v48;
	[tilespmem:s24+$0x80] =	vst v42  }
0x66: {  	v59 =	vadd.s32 v11, v14;
	v27 =	vor.u32 v39, v27;
	[tilespmem:s7+$0x280] =	vst v31;
	v43 =	vld.idx.msk [tilespmem:v43+s4+$0x0], $0xffff  }
0x67: {  	s6 =	smov.u32 s31;
	s0 =	sand.u32 $0x3, s0;
	v17 =	vor.u32 v34, v53;
	v24 =	vadd.s32 v2, v14;
	[tilespmem:s13+$0x280] =	vst v46;
	v57 =	vld.idx.msk [tilespmem:v54+s4+$0x0], $0xffff  }
0x68: {  	s31 =	simm.s32 $0x400;
	s25 =	simm.s32 $0x1;
	s0 =	sshll.u32 s0, $0x5;
	v38 =	vor.u32 v19, v59;
	v58 =	vadd.s32 v11, v48;
	v31 =	vadd.s32 v6, v7;
	v46 =	vld.idx.msk [tilespmem:v28+s4+$0x0], $0xffff  }
0x69: {  	s26 =	simm.s32 $0x2;
	s9 =	sadd.s32 $0x0, s0;
	s5 =	sor.u32 $0x10, s3;
	v61 =	vadd.s32 v3, v48;
	[tilespmem:s28+$0x180] =	vst v55;
	v60 =	vor.u32 v12, v31;
	v50 =	vld.idx.msk [tilespmem:v37+s4+$0x0], $0xffff  }
0x6a: {  	s12 =	simm.s32 $0x300;
	s10 =	sadd.s32 s5, s16;
	s16 =	sadd.s32 $0x10, s9;
	v62 =	vadd.s32 v1, v48;
	v32 =	vor.u32 v39, v58;
	[tilespmem:s23+$0x80] =	vst v45;
	v49 =	vld.idx.msk [tilespmem:v30+s4+$0x0], $0xffff  }
0x6b: {  	s1 =	sand.u32 $0x3, s25;
	s8 =	sand.u32 $0x3, s26;
	s15 =	sor.u32 $0x300, s16;
	v28 =	vadd.s32 v6, v48;
	v31 =	vadd.s32 v5, v48;
	v37 =	vld.idx.msk [tilespmem:v27+s4+$0x0], $0xffff;
	v27 =	vadd.s32 v3, v8  }
0x6c: {  	v33 =	vld [tilespmem:s10+$0x0];
	s10 =	simm.s32 $0x3;
	s13 =	sor.u32 $0x300, s9;
	s7 =	sand.u32 $0x3C00, s12;
	v30 =	vor.u32 v39, v28;
	v31 =	vor.u32 v39, v31;
	[tilespmem:s29+$0x180] =	vst v35;
	v51 =	vor.u32 v9, v27  }
0x6d: {  	s16 =	sor.u32 $0x380, s16;
	s11 =	sand.u32 $0x3, s10;
	s10 =	sadd.s32 $0x11000, s7;
	v28 =	vadd.s32 v4, v48;
	v41 =	vld.idx.msk [tilespmem:v29+s4+$0x0], $0xffff;
	v29 =	vadd.s32 v2, v48;
	v27 =	vshll.u32 v47, $0x3;
	[tilespmem:s13+$0x11000] =	vst v57  }
0x6e: {  	s2 =	sshll.u32 s1, $0x5;
	s1 =	sshll.u32 s8, $0x5;
	s7 =	sor.u32 s14, s10;
	v42 =	vld.idx.msk [tilespmem:v60+s4+$0x0], $0xffff;
	v34 =	vand.u32 $0xFFFFFC00, v27;
	v27 =	vor.u32 v39, v29;
	v29 =	vadd.s32 v5, v7;
	[tilespmem:s15+$0x11000] =	vst v46  }
0x6f: {  	s0 =	sadd.s32 $0x100, s2;
	s25 =	sadd.s32 $0x200, s1;
	s1 =	sshll.u32 s11, $0x5;
	v35 =	vor.u32 v39, v61;
	[tilespmem:s7+$0x0] =	vst v50;
	v44 =	vld.idx.msk [tilespmem:v26+s4+$0x0], $0xffff;
	v45 =	vor.u32 v12, v29  }
0x70: {  	s11 =	sor.u32 $0x380, s9;
	s26 =	sadd.s32 $0x300, s1;
	s1 =	simm.s32 $0x4;
	v28 =	vor.u32 v39, v28;
	v63 =	vadd.s32 v10, v34;
	[tilespmem:s28+$0x200] =	vst v49;
	v29 =	vand.u32 $0x7F, v47;
	v46 =	vld.idx.msk [tilespmem:v36+s4+$0x0], $0xffff  }
0x71: {  	s9 =	simm.s32 $0xA0;
	s14 =	sand.u32 $0x3, s1;
	s13 =	simm.s32 $0x8;
	v26 =	vadd.s32 v2, v34;
	v36 =	vor.u32 v39, v62;
	v40 =	vor.u32 v29, v63;
	v47 =	vld.idx.msk [tilespmem:v51+s4+$0x0], $0xffff  }
.LBB2_4:
0x72: {  	s15 =	sand.u32 $0x780, s9;
	s12 =	sand.u32 $0x60, s9;
	s14 =	sshll.u32 s14, $0x5;
	v48 =	vld.idx.msk [tilespmem:v38+s4+$0x0], $0xffff;
	[tilespmem:s29+$0x200] =	vst v41;
	v39 =	vmov v13;
	v13 =	vmov v36  }
0x73: {  	v36 =	vor.u32 v9, v15;
	v15 =	vmovc v21;
	s15 =	sadd.s32 s15, s22;
	s8 =	sor.u32 $0x10, s12;
	s2 =	sadd.s32 s14, s31;
	[tilespmem:s23+$0x100] =	vst v42;
	v41 =	vld.idx.msk [tilespmem:v22+s4+$0x0], $0xffff;
	v22 =	vmov v18;
	v18 =	vmov v35  }
0x74: {  	s13 =	sadd.s32 $0x2, s13;
	v35 =	vadd.s32 v1, v8;
	v8 =	vmovc v7;
	v7 =	vmov v14;
	v14 =	vmov v34;
	s14 =	sadd.s32 s12, s15;
	s15 =	sadd.s32 s8, s15;
	v21 =	vld.idx.msk [tilespmem:v45+s4+$0x0], $0xffff;
	[tilespmem:s24+$0x100] =	vst v43  }
0x75: {  	p0 =	slt.u32 s13, $0x7E;
	v34 =	vshll.u32 v33, $0x3;
	v38 =	vadd.s32 v4, v8;
	v50 =	vor.u32 v9, v35;
	v9 =	vmovc v12;
	v49 =	vld [tilespmem:s14+$0x0];
	[tilespmem:s11+$0x11000] =	vst v44;
	s14 =	smov.u32 s3;
	s3 =	smov.u32 s12  }
0x76: {  	v34 =	vand.u32 $0xFFFFFC00, v34;
	v35 =	vadd.s32 v6, v7;
	v42 =	vor.u32 v9, v38;
	v43 =	vld.idx.msk [tilespmem:v25+s4+$0x0], $0xffff;
	[tilespmem:s16+$0x11000] =	vst v46;
	s16 =	smov.u32 s25;
	s25 =	smov.u32 s26;
	s26 =	smov.u32 s2  }
0x77: {  	v38 =	vadd.s32 v10, v34;
	v44 =	vadd.s32 v11, v34;
	v46 =	vand.u32 $0x7F, v33;
	s2 =	sor.u32 s30, s10;
	v25 =	vmovc v31;
	s30 =	smov.u32 s5;
	s5 =	smov.u32 s8;
	v33 =	vld [tilespmem:s15+$0x0];
	[tilespmem:s28+$0x280] =	vst v47  }
0x78: {  	v12 =	vmov v19;
	v31 =	vadd.s32 v11, v14;
	v45 =	vor.u32 v46, v38;
	s28 =	smov.u32 s23;
	s23 =	smov.u32 s7;
	[tilespmem:s2+$0x0] =	vst v37;
	v36 =	vld.idx.msk [tilespmem:v36+s4+$0x0], $0xffff  }
0x79: {  	v19 =	vmov v29;
	v38 =	vor.u32 v29, v31;
	v47 =	vld.idx.msk [tilespmem:v32+s4+$0x0], $0xffff;
	v32 =	vor.u32 v46, v44;
	[tilespmem:s29+$0x280] =	vst v41;
	s29 =	smov.u32 s24;
	s24 =	smov.u32 s2  }
0x7a: {  	v29 =	vadd.s32 v6, v34;
	v44 =	vor.u32 v12, v35;
	[tilespmem:s28+$0x180] =	vst v21;
	v51 =	vld.idx.msk [tilespmem:v20+s4+$0x0], $0xffff;
	v20 =	vmov v17  }
0x7b: {  	v29 =	vor.u32 v46, v29;
	v35 =	vadd.s32 v5, v34;
	v17 =	vmov v27;
	[tilespmem:s23+$0x80] =	vst v48;
	v48 =	vld.idx.msk [tilespmem:v42+s4+$0x0], $0xffff  }
0x7c: {  	v31 =	vor.u32 v46, v35;
	v27 =	vadd.s32 v4, v34;
	v21 =	vmov v24;
	v52 =	vld.idx.msk [tilespmem:v40+s4+$0x0], $0xffff;
	[tilespmem:s29+$0x180] =	vst v43  }
0x7d: {  	s8 =	sadd.s32 $0x10, s0;
	s2 =	sor.u32 $0x300, s0;
	v24 =	vor.u32 v46, v27;
	v27 =	vadd.s32 v3, v34;
	v40 =	vadd.s32 v3, v8;
	v37 =	vld.idx.msk [tilespmem:v45+s4+$0x0], $0xffff  }
0x7e: {  	v35 =	vor.u32 v46, v27;
	v53 =	vor.u32 v9, v40;
	v41 =	vld.idx.msk [tilespmem:v23+s4+$0x0], $0xffff;
	[tilespmem:s2+$0x11000] =	vst v36;
	s2 =	sor.u32 $0x300, s8;
	v23 =	vmov v28  }
.Ltmp5:
0x7f: {  	v27 =	vshll.u32 v49, $0x3;
	v28 =	vadd.s32 v2, v34;
	v36 =	vadd.s32 v1, v34;
	v42 =	vld.idx.msk [tilespmem:v44+s4+$0x0], $0xffff;
	[tilespmem:s24+$0x80] =	vst v47;
	(pc) =	sbr.rel @p0 .LBB2_4-.Ltmp5, $4  }
0x80: {  	s7 =	sand.u32 $0x3C00, s31;
	v34 =	vand.u32 $0xFFFFFC00, v27;
	v27 =	vor.u32 v46, v28;
	v47 =	vadd.s32 v5, v7;
	v43 =	vld.idx.msk [tilespmem:v30+s4+$0x0], $0xffff;
	[tilespmem:s2+$0x11000] =	vst v51  }
0x81: {  	s11 =	sor.u32 $0x380, s0;
	s10 =	sadd.s32 $0x11000, s7;
	s0 =	smov.u32 s16;
	v40 =	vadd.s32 v10, v34;
	v45 =	vor.u32 v12, v47;
	v30 =	vmov v29;
	[tilespmem:s28+$0x200] =	vst v48;
	v44 =	vld.idx.msk [tilespmem:v50+s4+$0x0], $0xffff  }
0x82: {  	s1 =	sadd.s32 $0x1, s1;
	s7 =	sor.u32 s14, s10;
	s16 =	sor.u32 $0x380, s8;
	v36 =	vor.u32 v46, v36;
	v29 =	vand.u32 $0x7F, v49;
	v48 =	vadd.s32 v2, v34;
	v28 =	vmovc v24;
	v46 =	vld.idx.msk [tilespmem:v16+s4+$0x0], $0xffff  }
0x83: {  	s9 =	sadd.s32 $0x20, s9;
	s31 =	sadd.s32 $0x100, s31;
	s14 =	sand.u32 $0x3, s1;
	v40 =	vor.u32 v29, v40;
	v24 =	vmovc v26;
	v26 =	vmov v48;
	v16 =	vmov v39;
	[tilespmem:s7+$0x0] =	vst v52;
	v47 =	vld.idx.msk [tilespmem:v53+s4+$0x0], $0xffff  }
0x84: {  	v39 =	vshll.u32 v33, $0x3  }
0x85: {  	v39 =	vand.u32 $0xFFFFFC00, v39  }
0x86: {  	v33 =	vand.u32 $0x7F, v33;
	v10 =	vadd.s32 v10, v39  }
0x87: {  	v10 =	vor.u32 v33, v10  }
0x88: {  	[tilespmem:s29+$0x200] =	vst v41  }
0x89: {  	[tilespmem:s23+$0x100] =	vst v42;
	v40 =	vld.idx.msk [tilespmem:v40+s4+$0x0], $0xffff  }
0x8a: {  	v38 =	vld.idx.msk [tilespmem:v38+s4+$0x0], $0xffff;
	[tilespmem:s24+$0x100] =	vst v43  }
0x8b: {  	s1 =	sor.u32 s30, s10;
	v15 =	vor.u32 v9, v15;
	v22 =	vld.idx.msk [tilespmem:v22+s4+$0x0], $0xffff;
	[tilespmem:s11+$0x11000] =	vst v44;
	v44 =	vadd.s32 v11, v34  }
0x8c: {  	s2 =	sand.u32 $0x3C00, s31;
	[tilespmem:s1+$0x0] =	vst v37;
	v48 =	vadd.s32 v11, v39;
	v41 =	vor.u32 v29, v44;
	v10 =	vld.idx.msk [tilespmem:v10+s4+$0x0], $0xffff  }
0x8d: {  	v49 =	vadd.s32 v6, v14;
	v42 =	vld.idx.msk [tilespmem:v45+s4+$0x0], $0xffff;
	s2 =	sadd.s32 $0x11000, s2;
	[tilespmem:s16+$0x11000] =	vst v46;
	v11 =	vor.u32 v33, v48  }
0x8e: {  	v51 =	vor.u32 v19, v49;
	v25 =	vld.idx.msk [tilespmem:v25+s4+$0x0], $0xffff;
	s9 =	sor.u32 s3, s2;
	[tilespmem:s28+$0x280] =	vst v47  }
0x8f: {  	v50 =	vld.idx.msk [tilespmem:v32+s4+$0x0], $0xffff;
	[tilespmem:s9+$0x0] =	vst v40  }
0x90: {  	v56 =	vadd.s32 v4, v7;
	s15 =	sor.u32 s5, s2;
	v15 =	vld.idx.msk [tilespmem:v15+s4+$0x0], $0xffff;
	[tilespmem:s7+$0x80] =	vst v38  }
0x91: {  	v53 =	vadd.s32 v6, v34;
	v57 =	vor.u32 v12, v56;
	v52 =	vld.idx.msk [tilespmem:v41+s4+$0x0], $0xffff;
	[tilespmem:s15+$0x0] =	vst v10  }
0x92: {  	v55 =	vor.u32 v29, v53;
	v54 =	vadd.s32 v6, v39;
	[tilespmem:s29+$0x280] =	vst v22;
	v10 =	vld.idx.msk [tilespmem:v11+s4+$0x0], $0xffff  }
0x93: {  	v6 =	vor.u32 v33, v54;
	[tilespmem:s23+$0x180] =	vst v42;
	v58 =	vld.idx.msk [tilespmem:v51+s4+$0x0], $0xffff  }
0x94: {  	v59 =	vadd.s32 v5, v14;
	v20 =	vld.idx.msk [tilespmem:v20+s4+$0x0], $0xffff;
	[tilespmem:s1+$0x80] =	vst v50  }
0x95: {  	v22 =	vor.u32 v19, v59;
	[tilespmem:s24+$0x180] =	vst v25;
	v30 =	vld.idx.msk [tilespmem:v30+s4+$0x0], $0xffff  }
0x96: {  	v8 =	vadd.s32 v1, v8;
	v62 =	vld.idx.msk [tilespmem:v57+s4+$0x0], $0xffff;
	[tilespmem:s9+$0x80] =	vst v52  }
0x97: {  	v60 =	vadd.s32 v5, v34;
	v8 =	vor.u32 v9, v8;
	s16 =	sor.u32 $0x300, s0;
	v11 =	vld.idx.msk [tilespmem:v55+s4+$0x0], $0xffff;
	[tilespmem:s15+$0x80] =	vst v10  }
0x98: {  	v61 =	vadd.s32 v5, v39;
	[tilespmem:s16+$0x11000] =	vst v15;
	v10 =	vor.u32 v29, v60;
	v6 =	vld.idx.msk [tilespmem:v6+s4+$0x0], $0xffff  }
0x99: {  	s22 =	sadd.s32 $0x10, s0;
	v5 =	vor.u32 v33, v61;
	v63 =	vld.idx.msk [tilespmem:v23+s4+$0x0], $0xffff;
	[tilespmem:s7+$0x100] =	vst v58  }
0x9a: {  	s28 =	sor.u32 $0x300, s22;
	v25 =	vld.idx.msk [tilespmem:v22+s4+$0x0], $0xffff;
	[tilespmem:s1+$0x100] =	vst v30;
	v30 =	vadd.s32 v4, v14  }
0x9b: {  	[tilespmem:s28+$0x11000] =	vst v20;
	v22 =	vor.u32 v19, v30;
	v31 =	vld.idx.msk [tilespmem:v31+s4+$0x0], $0xffff  }
0x9c: {  	v8 =	vld.idx.msk [tilespmem:v8+s4+$0x0], $0xffff;
	[tilespmem:s9+$0x100] =	vst v11  }
0x9d: {  	v32 =	vadd.s32 v4, v34;
	v10 =	vld.idx.msk [tilespmem:v10+s4+$0x0], $0xffff;
	[tilespmem:s15+$0x100] =	vst v6  }
0x9e: {  	v37 =	vadd.s32 v4, v39;
	[tilespmem:s23+$0x200] =	vst v62;
	v6 =	vor.u32 v29, v32;
	v5 =	vld.idx.msk [tilespmem:v5+s4+$0x0], $0xffff  }
0x9f: {  	v4 =	vor.u32 v33, v37;
	v41 =	vld.idx.msk [tilespmem:v16+s4+$0x0], $0xffff;
	[tilespmem:s7+$0x180] =	vst v25  }
0xa0: {  	v43 =	vadd.s32 v3, v14;
	v42 =	vld.idx.msk [tilespmem:v22+s4+$0x0], $0xffff;
	[tilespmem:s1+$0x180] =	vst v31  }
0xa1: {  	[tilespmem:s24+$0x200] =	vst v63;
	v16 =	vor.u32 v19, v43;
	v44 =	vld.idx.msk [tilespmem:v28+s4+$0x0], $0xffff  }
0xa2: {  	v38 =	vadd.s32 v3, v7;
	[tilespmem:s9+$0x180] =	vst v10  }
0xa3: {  	v45 =	vadd.s32 v3, v34;
	v40 =	vor.u32 v12, v38;
	s29 =	sor.u32 $0x380, s0;
	v6 =	vld.idx.msk [tilespmem:v6+s4+$0x0], $0xffff;
	[tilespmem:s15+$0x180] =	vst v5  }
0xa4: {  	v3 =	vadd.s32 v3, v39;
	[tilespmem:s29+$0x11000] =	vst v8;
	v5 =	vor.u32 v29, v45;
	v4 =	vld.idx.msk [tilespmem:v4+s4+$0x0], $0xffff  }
0xa5: {  	v3 =	vor.u32 v33, v3;
	v48 =	vld.idx.msk [tilespmem:v18+s4+$0x0], $0xffff;
	[tilespmem:s7+$0x200] =	vst v42  }
0xa6: {  	s30 =	sor.u32 $0x380, s22;
	v49 =	vld.idx.msk [tilespmem:v16+s4+$0x0], $0xffff;
	[tilespmem:s1+$0x200] =	vst v44  }
0xa7: {  	v50 =	vor.u32 v19, v24;
	[tilespmem:s30+$0x11000] =	vst v41;
	v51 =	vld.idx.msk [tilespmem:v35+s4+$0x0], $0xffff  }
0xa8: {  	v46 =	vld.idx.msk [tilespmem:v40+s4+$0x0], $0xffff;
	[tilespmem:s9+$0x200] =	vst v6  }
0xa9: {  	v47 =	vor.u32 v12, v21;
	v5 =	vld.idx.msk [tilespmem:v5+s4+$0x0], $0xffff;
	[tilespmem:s15+$0x200] =	vst v4  }
0xaa: {  	v2 =	vadd.s32 v2, v39;
	v52 =	vor.u32 v29, v26;
	[tilespmem:s24+$0x280] =	vst v48;
	v3 =	vld.idx.msk [tilespmem:v3+s4+$0x0], $0xffff  }
0xab: {  	v2 =	vor.u32 v33, v2;
	v55 =	vld.idx.msk [tilespmem:v17+s4+$0x0], $0xffff;
	[tilespmem:s7+$0x280] =	vst v49  }
0xac: {  	v56 =	vadd.s32 v1, v14;
	v57 =	vld.idx.msk [tilespmem:v50+s4+$0x0], $0xffff;
	[tilespmem:s1+$0x280] =	vst v51  }
0xad: {  	v9 =	vor.u32 v19, v56;
	[tilespmem:s23+$0x280] =	vst v46;
	v58 =	vld.idx.msk [tilespmem:v27+s4+$0x0], $0xffff  }
0xae: {  	v53 =	vadd.s32 v1, v7;
	v54 =	vld.idx.msk [tilespmem:v47+s4+$0x0], $0xffff;
	s7 =	sadd.s32 $0x10, s25;
	[tilespmem:s9+$0x280] =	vst v5  }
0xaf: {  	v59 =	vadd.s32 v1, v34;
	s8 =	sor.u32 $0x300, s7;
	v6 =	vor.u32 v12, v53;
	v4 =	vld.idx.msk [tilespmem:v52+s4+$0x0], $0xffff;
	[tilespmem:s15+$0x280] =	vst v3  }
0xb0: {  	s10 =	sor.u32 $0x300, s26;
	s11 =	sadd.s32 $0x10, s26;
	v1 =	vadd.s32 v1, v39;
	[tilespmem:s8+$0x11000] =	vst v55;
	v3 =	vor.u32 v29, v59;
	v2 =	vld.idx.msk [tilespmem:v2+s4+$0x0], $0xffff  }
0xb1: {  	s12 =	sor.u32 $0x300, s11;
	v1 =	vor.u32 v33, v1;
	v61 =	vld.idx.msk [tilespmem:v13+s4+$0x0], $0xffff;
	[tilespmem:s10+$0x11000] =	vst v57;
	s9 =	sshll.u32 s14, $0x5  }
0xb2: {  	s5 =	sor.u32 $0x300, s25;
	[tilespmem:s12+$0x11000] =	vst v58;
	v62 =	vld.idx.msk [tilespmem:v9+s4+$0x0], $0xffff;
	s2 =	sadd.s32 s9, s31  }
0xb3: {  	[tilespmem:s5+$0x11000] =	vst v54;
	v63 =	vld.idx.msk [tilespmem:v36+s4+$0x0], $0xffff;
	s13 =	sor.u32 $0x300, s2;
	s14 =	sadd.s32 $0x10, s2  }
0xb4: {  	v60 =	vld.idx.msk [tilespmem:v6+s4+$0x0], $0xffff;
	s15 =	sor.u32 $0x300, s14;
	[tilespmem:s13+$0x11000] =	vst v4  }
0xb5: {  	s22 =	sor.u32 $0x380, s7;
	[tilespmem:s15+$0x11000] =	vst v2;
	v2 =	vld.idx.msk [tilespmem:v3+s4+$0x0], $0xffff  }
0xb6: {  	s23 =	sor.u32 $0x380, s26;
	[tilespmem:s22+$0x11000] =	vst v61;
	v1 =	vld.idx.msk [tilespmem:v1+s4+$0x0], $0xffff  }
0xb7: {  	p0 =	seq.s32 s21, $0x0;
	s24 =	sor.u32 $0x380, s11;
	[tilespmem:s23+$0x11000] =	vst v62  }
0xb8: {  	s16 =	sor.u32 $0x380, s25;
	s28 =	sshll.u32 s18, $0xF;
	s25 =	sshll.u32 s20, $0xC;
	[tilespmem:s24+$0x11000] =	vst v63  }
.Ltmp6:
0xb9: {  	s0 =	sadd.s32 s6, s25;
	s26 =	sor.u32 $0x380, s2;
	[tilespmem:s16+$0x11000] =	vst v60;
	(pc) =	sbr.rel @p0 .LBB2_9-.Ltmp6, $4  }
0xba: {  	s0 =	sadd.s32 s28, s0;
	s29 =	sor.u32 $0x380, s14;
	[tilespmem:s26+$0x11000] =	vst v2  }
0xbb: {  	s30 =	simm.s32 $0x11000;
	s0 =	sadd.s32 s19, s0;
	[tilespmem:s29+$0x11000] =	vst v1  }
0xbc: {  	[hbm4b:s0+s4] =	stream.linear.scatter [tilespmem:s30], [sflag:$0x1], $0x4000, $0x38;
	[tilespmem:$0x19000] =	vst v63  }
0xbd: {  	s31 =	smov.u32 s6;
	s6 =	rddreg [dreg:$0x5]  }
.LBB2_6:
0xbe: {  	p0 =	slt.u32 s17, $0x2  }
0xbf: {  	s0 =	simm.s32 $0x0;
	s1 =	simm.s32 @!p0 $0x2  }
0xc0: {  	s21 =	sor.u32 $0x10000, s19;
	s2 =	sand.u32 $0x780, s0;
	_ =	swait.ge @!p0 [sflag:s1], $0x4000  }
0xc1: {  	s3 =	sand.u32 $0x60, s0;
	s2 =	sadd.s32 s2, s21;
	[sflag:s1] =	ssyncset.done @!p0 $0x0  }
0xc2: {  	s26 =	sor.u32 $0x10, s3;
	s5 =	sadd.s32 s3, s2;
	[sflag:s1] =	ssyncadd.s32 @!p0 $0xFFFFC000  }
0xc3: {  	s2 =	sadd.s32 s26, s2;
	v1 =	vld [tilespmem:s5+$0x0]  }
0xc4: {  	s8 =	sshll.u32 s20, $0x3;
	v3 =	vld [tilespmem:s2+$0x0]  }
0xc5: {  	v2 =	vmov s8  }
0xc6: {  	v2 =	vshrl.u32 v2, $0x3  }
0xc7: {  	v7 =	vshll.u32 v2, v0  }
0xc8: {  	v10 =	vbroadcast v7, $0x0;
	v2 =	vshll.u32 v1, $0x3  }
0xc9: {  	v26 =	vand.u32 $0x7F, v1;
	v1 =	vshll.u32 v3, $0x3;
	v27 =	vand.u32 $0xFFFFFC00, v2  }
0xca: {  	s9 =	simm.s32 $0x20;
	v14 =	vand.u32 $0x7F, v3;
	v12 =	vand.u32 $0xFFFFFC00, v1;
	v2 =	vadd.s32 v10, v27  }
0xcb: {  	s10 =	sand.u32 $0x780, s9;
	v1 =	vor.u32 $0x80, v7;
	v3 =	vadd.s32 v10, v12;
	v2 =	vor.u32 v26, v2  }
0xcc: {  	s9 =	sand.u32 $0x60, s9;
	s11 =	sadd.s32 s10, s21;
	v11 =	vbroadcast v1, $0x0;
	v1 =	vor.u32 $0x100, v7;
	v8 =	vor.u32 v14, v3  }
0xcd: {  	s12 =	sor.u32 $0x10, s9;
	s5 =	sadd.s32 s9, s11;
	v6 =	vbroadcast v1, $0x0;
	v1 =	vor.u32 $0x180, v7;
	v3 =	vor.u32 $0x200, v7  }
0xce: {  	s2 =	sadd.s32 s12, s11;
	v9 =	vld [tilespmem:s5+$0x0];
	v5 =	vbroadcast v1, $0x0;
	v4 =	vbroadcast v3, $0x0;
	v1 =	vor.u32 $0x280, v7  }
0xcf: {  	v18 =	vld [tilespmem:s2+$0x0];
	v3 =	vor.u32 $0x300, v7;
	v13 =	vadd.s32 v11, v27;
	v7 =	vor.u32 $0x380, v7  }
0xd0: {  	v16 =	vor.u32 v26, v13;
	v15 =	vld.idx.msk [tilespmem:v2+s4+$0x0], $0xffff;
	v2 =	vbroadcast v3, $0x0;
	v3 =	vbroadcast v1, $0x0  }
0xd1: {  	v1 =	vbroadcast v7, $0x0;
	v7 =	vadd.s32 v11, v12;
	v17 =	vld.idx.msk [tilespmem:v8+s4+$0x0], $0xffff;
	v8 =	vadd.s32 v6, v12  }
0xd2: {  	s7 =	sand.u32 $0x3C00, s0;
	v7 =	vor.u32 v14, v7;
	v20 =	vor.u32 v14, v8;
	v8 =	vadd.s32 v5, v12  }
0xd3: {  	s8 =	sadd.s32 $0x15000, s7;
	v23 =	vor.u32 v14, v8;
	v8 =	vshll.u32 v9, $0x3  }
0xd4: {  	s14 =	simm.s32 $0x40;
	s7 =	sor.u32 s3, s8;
	v22 =	vshll.u32 v18, $0x3;
	v19 =	vadd.s32 v4, v12;
	v8 =	vand.u32 $0xFFFFFC00, v8  }
0xd5: {  	s15 =	sand.u32 $0x780, s14;
	s13 =	sor.u32 s26, s8;
	v24 =	vor.u32 v14, v19;
	v19 =	vadd.s32 v6, v27;
	v21 =	vadd.s32 v10, v8;
	[tilespmem:s7+$0x0] =	vst v15  }
0xd6: {  	s16 =	sand.u32 $0x60, s14;
	s2 =	sadd.s32 s15, s21;
	v9 =	vand.u32 $0x7F, v9;
	v15 =	vadd.s32 v3, v12;
	[tilespmem:s13+$0x0] =	vst v17;
	v17 =	vor.u32 v26, v19;
	v16 =	vld.idx.msk [tilespmem:v16+s4+$0x0], $0xffff  }
0xd7: {  	s1 =	sadd.s32 s16, s2;
	v19 =	vor.u32 v14, v15;
	v15 =	vadd.s32 v2, v12;
	v7 =	vld.idx.msk [tilespmem:v7+s4+$0x0], $0xffff;
	v12 =	vadd.s32 v1, v12  }
0xd8: {  	v21 =	vor.u32 v9, v21;
	v28 =	vor.u32 v14, v15;
	v36 =	vor.u32 v14, v12;
	v14 =	vld [tilespmem:s1+$0x0];
	s1 =	sor.u32 $0x10, s16  }
0xd9: {  	v18 =	vand.u32 $0x7F, v18;
	v12 =	vand.u32 $0xFFFFFC00, v22;
	s2 =	sadd.s32 s1, s2  }
0xda: {  	v13 =	vadd.s32 v2, v27;
	v22 =	vadd.s32 v10, v12;
	v25 =	vadd.s32 v11, v12;
	v34 =	vld [tilespmem:s2+$0x0]  }
0xdb: {  	s22 =	simm.s32 $0x100;
	s24 =	simm.s32 $0x60;
	v29 =	vadd.s32 v6, v12;
	v37 =	vadd.s32 v1, v12;
	v30 =	vor.u32 v18, v22;
	[tilespmem:s7+$0x80] =	vst v16  }
0xdc: {  	s23 =	sand.u32 $0x3C00, s22;
	s25 =	sand.u32 $0x780, s24;
	s14 =	sand.u32 $0x60, s24;
	v22 =	vadd.s32 v5, v27;
	v25 =	vor.u32 v18, v25;
	v32 =	vor.u32 v18, v29;
	v17 =	vld.idx.msk [tilespmem:v17+s4+$0x0], $0xffff  }
0xdd: {  	s10 =	sadd.s32 s25, s21;
	s29 =	sor.u32 $0x10, s14;
	s2 =	sadd.s32 $0x15000, s23;
	v21 =	vld.idx.msk [tilespmem:v21+s4+$0x0], $0xffff;
	v31 =	vor.u32 v26, v22;
	v16 =	vadd.s32 v11, v8;
	[tilespmem:s13+$0x80] =	vst v7  }
0xde: {  	s8 =	sadd.s32 s29, s10;
	s11 =	simm.s32 $0x200;
	v22 =	vadd.s32 v3, v12;
	s26 =	sor.u32 s9, s2;
	v7 =	vadd.s32 v5, v12;
	v16 =	vor.u32 v9, v16;
	v33 =	vld.idx.msk [tilespmem:v20+s4+$0x0], $0xffff  }
0xdf: {  	v39 =	vld [tilespmem:s8+$0x0];
	s28 =	sor.u32 s12, s2;
	s2 =	sand.u32 $0x3C00, s11;
	s12 =	simm.s32 $0x80;
	v20 =	vadd.s32 v4, v12;
	v35 =	vor.u32 v18, v7;
	v38 =	vshll.u32 v34, $0x3  }
0xe0: {  	s9 =	sadd.s32 s14, s10;
	s2 =	sadd.s32 $0x15000, s2;
	s15 =	sand.u32 $0x780, s12;
	v7 =	vshll.u32 v14, $0x3;
	v29 =	vor.u32 v18, v20;
	v30 =	vld.idx.msk [tilespmem:v30+s4+$0x0], $0xffff;
	v38 =	vand.u32 $0xFFFFFC00, v38  }
0xe1: {  	v51 =	vld [tilespmem:s9+$0x0];
	s3 =	sand.u32 $0x60, s12;
	s22 =	sor.u32 s16, s2;
	s16 =	sadd.s32 s15, s21;
	v20 =	vadd.s32 v2, v12;
	v34 =	vand.u32 $0x7F, v34;
	v40 =	vadd.s32 v10, v38;
	[tilespmem:s7+$0x100] =	vst v17  }
0xe2: {  	v7 =	vand.u32 $0xFFFFFC00, v7;
	s23 =	sadd.s32 s3, s16;
	[tilespmem:s26+$0x0] =	vst v21;
	v21 =	vadd.s32 v4, v27;
	v40 =	vor.u32 v34, v40;
	v17 =	vld.idx.msk [tilespmem:v31+s4+$0x0], $0xffff  }
0xe3: {  	v12 =	vand.u32 $0x7F, v14;
	v47 =	vld [tilespmem:s23+$0x0];
	v50 =	vor.u32 v26, v21;
	[tilespmem:s13+$0x100] =	vst v33;
	v31 =	vadd.s32 v10, v7  }
0xe4: {  	v22 =	vor.u32 v18, v22;
	v20 =	vor.u32 v18, v20;
	v23 =	vld.idx.msk [tilespmem:v23+s4+$0x0], $0xffff;
	v31 =	vor.u32 v12, v31  }
0xe5: {  	v14 =	vld.idx.msk [tilespmem:v16+s4+$0x0], $0xffff;
	v16 =	vor.u32 v18, v37;
	v18 =	vadd.s32 v6, v8;
	[tilespmem:s28+$0x0] =	vst v30  }
0xe6: {  	v54 =	vor.u32 v26, v13;
	v56 =	vadd.s32 v4, v8;
	v18 =	vor.u32 v9, v18;
	v41 =	vld.idx.msk [tilespmem:v25+s4+$0x0], $0xffff  }
0xe7: {  	v15 =	vadd.s32 v2, v8;
	v40 =	vld.idx.msk [tilespmem:v40+s4+$0x0], $0xffff;
	[tilespmem:s7+$0x180] =	vst v17;
	v17 =	vadd.s32 v11, v38  }
0xe8: {  	v21 =	vadd.s32 v2, v7;
	v25 =	vadd.s32 v3, v27;
	v33 =	vld.idx.msk [tilespmem:v50+s4+$0x0], $0xffff;
	v42 =	vor.u32 v34, v17  }
0xe9: {  	v30 =	vadd.s32 v11, v7;
	[tilespmem:s13+$0x180] =	vst v23;
	v17 =	vld.idx.msk [tilespmem:v31+s4+$0x0], $0xffff;
	v31 =	vor.u32 v26, v25  }
0xea: {  	v53 =	vadd.s32 v2, v38;
	v30 =	vor.u32 v12, v30;
	[tilespmem:s26+$0x80] =	vst v14;
	v24 =	vld.idx.msk [tilespmem:v24+s4+$0x0], $0xffff  }
0xeb: {  	s23 =	sor.u32 s1, s2;
	v14 =	vadd.s32 v5, v8;
	v23 =	vadd.s32 v6, v38;
	v44 =	vld.idx.msk [tilespmem:v18+s4+$0x0], $0xffff;
	[tilespmem:s28+$0x80] =	vst v41  }
0xec: {  	v18 =	vadd.s32 v4, v38;
	v52 =	vor.u32 v9, v14;
	v32 =	vld.idx.msk [tilespmem:v32+s4+$0x0], $0xffff;
	[tilespmem:s23+$0x0] =	vst v40  }
0xed: {  	v14 =	vadd.s32 v3, v38;
	v43 =	vor.u32 v34, v23;
	[tilespmem:s7+$0x200] =	vst v33;
	v42 =	vld.idx.msk [tilespmem:v42+s4+$0x0], $0xffff  }
0xee: {  	v23 =	vor.u32 v34, v18;
	v18 =	vor.u32 v34, v14;
	v14 =	vshll.u32 v51, $0x3;
	[tilespmem:s22+$0x0] =	vst v17;
	v31 =	vld.idx.msk [tilespmem:v31+s4+$0x0], $0xffff  }
0xef: {  	v27 =	vadd.s32 v1, v27;
	v25 =	vadd.s32 v5, v38;
	v14 =	vand.u32 $0xFFFFFC00, v14;
	[tilespmem:s13+$0x200] =	vst v24;
	v45 =	vld.idx.msk [tilespmem:v30+s4+$0x0], $0xffff  }
0xf0: {  	s5 =	sor.u32 $0x10, s3;
	v38 =	vadd.s32 v1, v38;
	[tilespmem:s26+$0x100] =	vst v44;
	v30 =	vadd.s32 v10, v14;
	v46 =	vld.idx.msk [tilespmem:v19+s4+$0x0], $0xffff;
	v19 =	vand.u32 $0x7F, v51  }
0xf1: {  	s8 =	sadd.s32 s5, s16;
	v26 =	vor.u32 v26, v27;
	v55 =	vld.idx.msk [tilespmem:v52+s4+$0x0], $0xffff;
	v37 =	vor.u32 v19, v30;
	v30 =	vshll.u32 v39, $0x3  }
0xf2: {  	v25 =	vor.u32 v34, v25;
	v13 =	vor.u32 v34, v38;
	v33 =	vld [tilespmem:s8+$0x0];
	[tilespmem:s28+$0x100] =	vst v32;
	v48 =	vand.u32 $0xFFFFFC00, v30  }
0xf3: {  	v39 =	vand.u32 $0x7F, v39;
	v30 =	vor.u32 v9, v56;
	v35 =	vld.idx.msk [tilespmem:v35+s4+$0x0], $0xffff;
	v27 =	vadd.s32 v10, v48;
	[tilespmem:s23+$0x80] =	vst v42  }
0xf4: {  	v59 =	vadd.s32 v11, v14;
	v27 =	vor.u32 v39, v27;
	[tilespmem:s7+$0x280] =	vst v31;
	v43 =	vld.idx.msk [tilespmem:v43+s4+$0x0], $0xffff  }
0xf5: {  	v17 =	vor.u32 v34, v53;
	v24 =	vadd.s32 v2, v14;
	[tilespmem:s13+$0x280] =	vst v46;
	v57 =	vld.idx.msk [tilespmem:v54+s4+$0x0], $0xffff  }
0xf6: {  	s0 =	sand.u32 $0x3, s0;
	s24 =	simm.s32 $0x1;
	s25 =	simm.s32 $0x2;
	v38 =	vor.u32 v19, v59;
	v58 =	vadd.s32 v11, v48;
	v31 =	vadd.s32 v6, v7;
	v46 =	vld.idx.msk [tilespmem:v28+s4+$0x0], $0xffff  }
0xf7: {  	s0 =	sshll.u32 s0, $0x5;
	s10 =	simm.s32 $0x3;
	s9 =	sand.u32 $0x3, s25;
	v61 =	vadd.s32 v3, v48;
	[tilespmem:s26+$0x180] =	vst v55;
	v60 =	vor.u32 v12, v31;
	v50 =	vld.idx.msk [tilespmem:v37+s4+$0x0], $0xffff  }
0xf8: {  	s11 =	sand.u32 $0x3, s10;
	s12 =	simm.s32 $0x300;
	s1 =	sand.u32 $0x3, s24;
	v62 =	vadd.s32 v1, v48;
	v32 =	vor.u32 v39, v58;
	[tilespmem:s22+$0x80] =	vst v45;
	v49 =	vld.idx.msk [tilespmem:v30+s4+$0x0], $0xffff  }
0xf9: {  	s2 =	sand.u32 $0x3C00, s12;
	s8 =	sshll.u32 s1, $0x5;
	s7 =	sadd.s32 $0x0, s0;
	v28 =	vadd.s32 v6, v48;
	v31 =	vadd.s32 v5, v48;
	v37 =	vld.idx.msk [tilespmem:v27+s4+$0x0], $0xffff;
	v27 =	vadd.s32 v3, v8  }
0xfa: {  	s1 =	sshll.u32 s9, $0x5;
	s13 =	sor.u32 $0x300, s7;
	s15 =	sadd.s32 $0x10, s7;
	v30 =	vor.u32 v39, v28;
	v31 =	vor.u32 v39, v31;
	[tilespmem:s28+$0x180] =	vst v35;
	v51 =	vor.u32 v9, v27  }
0xfb: {  	s10 =	sadd.s32 $0x15000, s2;
	s24 =	sadd.s32 $0x200, s1;
	v28 =	vadd.s32 v4, v48;
	s16 =	sor.u32 $0x300, s15;
	v41 =	vld.idx.msk [tilespmem:v29+s4+$0x0], $0xffff;
	v29 =	vadd.s32 v2, v48;
	v27 =	vshll.u32 v47, $0x3;
	[tilespmem:s13+$0x15000] =	vst v57  }
0xfc: {  	s1 =	sshll.u32 s11, $0x5;
	s11 =	sor.u32 $0x380, s7;
	s7 =	sor.u32 s14, s10;
	v42 =	vld.idx.msk [tilespmem:v60+s4+$0x0], $0xffff;
	v34 =	vand.u32 $0xFFFFFC00, v27;
	v27 =	vor.u32 v39, v29;
	v29 =	vadd.s32 v5, v7;
	[tilespmem:s16+$0x15000] =	vst v46  }
0xfd: {  	s30 =	simm.s32 $0x400;
	s9 =	simm.s32 $0xA0;
	v35 =	vor.u32 v39, v61;
	[tilespmem:s7+$0x0] =	vst v50;
	v44 =	vld.idx.msk [tilespmem:v26+s4+$0x0], $0xffff;
	v45 =	vor.u32 v12, v29  }
0xfe: {  	s25 =	sadd.s32 $0x300, s1;
	s1 =	simm.s32 $0x4;
	s0 =	sadd.s32 $0x100, s8;
	v28 =	vor.u32 v39, v28;
	v63 =	vadd.s32 v10, v34;
	[tilespmem:s26+$0x200] =	vst v49;
	v29 =	vand.u32 $0x7F, v47;
	v46 =	vld.idx.msk [tilespmem:v36+s4+$0x0], $0xffff  }
0xff: {  	s14 =	sand.u32 $0x3, s1;
	s13 =	simm.s32 $0x8;
	s16 =	sor.u32 $0x380, s15;
	v26 =	vadd.s32 v2, v34;
	v36 =	vor.u32 v39, v62;
	v40 =	vor.u32 v29, v63;
	v47 =	vld.idx.msk [tilespmem:v51+s4+$0x0], $0xffff  }
.LBB2_7:
0x100: {  	s2 =	sand.u32 $0x780, s9;
	s8 =	sand.u32 $0x60, s9;
	s12 =	sshll.u32 s14, $0x5;
	v48 =	vld.idx.msk [tilespmem:v38+s4+$0x0], $0xffff;
	[tilespmem:s28+$0x200] =	vst v41;
	v39 =	vmov v13;
	v13 =	vmov v36  }
0x101: {  	v36 =	vor.u32 v9, v15;
	v15 =	vmovc v21;
	s2 =	sadd.s32 s2, s21;
	s15 =	sor.u32 $0x10, s8;
	s12 =	sadd.s32 s12, s30;
	[tilespmem:s22+$0x100] =	vst v42;
	v41 =	vld.idx.msk [tilespmem:v22+s4+$0x0], $0xffff;
	v22 =	vmov v18;
	v18 =	vmov v35  }
0x102: {  	s13 =	sadd.s32 $0x2, s13;
	v35 =	vadd.s32 v1, v8;
	v8 =	vmovc v7;
	v7 =	vmov v14;
	v14 =	vmov v34;
	s14 =	sadd.s32 s8, s2;
	s2 =	sadd.s32 s15, s2;
	v21 =	vld.idx.msk [tilespmem:v45+s4+$0x0], $0xffff;
	[tilespmem:s23+$0x100] =	vst v43  }
0x103: {  	p0 =	slt.u32 s13, $0x7E;
	v34 =	vshll.u32 v33, $0x3;
	v38 =	vadd.s32 v4, v8;
	v50 =	vor.u32 v9, v35;
	v9 =	vmovc v12;
	v49 =	vld [tilespmem:s14+$0x0];
	[tilespmem:s11+$0x15000] =	vst v44;
	s14 =	smov.u32 s3;
	s3 =	smov.u32 s8  }
0x104: {  	v34 =	vand.u32 $0xFFFFFC00, v34;
	v35 =	vadd.s32 v6, v7;
	v42 =	vor.u32 v9, v38;
	v43 =	vld.idx.msk [tilespmem:v25+s4+$0x0], $0xffff;
	[tilespmem:s16+$0x15000] =	vst v46;
	s16 =	smov.u32 s24;
	s24 =	smov.u32 s25;
	s25 =	smov.u32 s12  }
0x105: {  	v38 =	vadd.s32 v10, v34;
	v44 =	vadd.s32 v11, v34;
	v46 =	vand.u32 $0x7F, v33;
	v25 =	vmovc v31;
	v33 =	vld [tilespmem:s2+$0x0];
	s2 =	sor.u32 s29, s10;
	[tilespmem:s26+$0x280] =	vst v47;
	s29 =	smov.u32 s5;
	s5 =	smov.u32 s15  }
0x106: {  	v12 =	vmov v19;
	v31 =	vadd.s32 v11, v14;
	v45 =	vor.u32 v46, v38;
	s26 =	smov.u32 s22;
	s22 =	smov.u32 s7;
	[tilespmem:s2+$0x0] =	vst v37;
	v36 =	vld.idx.msk [tilespmem:v36+s4+$0x0], $0xffff  }
0x107: {  	v19 =	vmov v29;
	v38 =	vor.u32 v29, v31;
	v47 =	vld.idx.msk [tilespmem:v32+s4+$0x0], $0xffff;
	v32 =	vor.u32 v46, v44;
	[tilespmem:s28+$0x280] =	vst v41;
	s28 =	smov.u32 s23;
	s23 =	smov.u32 s2  }
0x108: {  	v29 =	vadd.s32 v6, v34;
	v44 =	vor.u32 v12, v35;
	[tilespmem:s26+$0x180] =	vst v21;
	v51 =	vld.idx.msk [tilespmem:v20+s4+$0x0], $0xffff;
	v20 =	vmov v17  }
0x109: {  	v29 =	vor.u32 v46, v29;
	v35 =	vadd.s32 v5, v34;
	v17 =	vmov v27;
	[tilespmem:s22+$0x80] =	vst v48;
	v48 =	vld.idx.msk [tilespmem:v42+s4+$0x0], $0xffff  }
0x10a: {  	v31 =	vor.u32 v46, v35;
	v27 =	vadd.s32 v4, v34;
	v21 =	vmov v24;
	v52 =	vld.idx.msk [tilespmem:v40+s4+$0x0], $0xffff;
	[tilespmem:s28+$0x180] =	vst v43  }
0x10b: {  	s8 =	sadd.s32 $0x10, s0;
	s2 =	sor.u32 $0x300, s0;
	v24 =	vor.u32 v46, v27;
	v27 =	vadd.s32 v3, v34;
	v40 =	vadd.s32 v3, v8;
	v37 =	vld.idx.msk [tilespmem:v45+s4+$0x0], $0xffff  }
0x10c: {  	v35 =	vor.u32 v46, v27;
	v53 =	vor.u32 v9, v40;
	v41 =	vld.idx.msk [tilespmem:v23+s4+$0x0], $0xffff;
	[tilespmem:s2+$0x15000] =	vst v36;
	s2 =	sor.u32 $0x300, s8;
	v23 =	vmov v28  }
.Ltmp7:
0x10d: {  	v27 =	vshll.u32 v49, $0x3;
	v28 =	vadd.s32 v2, v34;
	v36 =	vadd.s32 v1, v34;
	v42 =	vld.idx.msk [tilespmem:v44+s4+$0x0], $0xffff;
	[tilespmem:s23+$0x80] =	vst v47;
	(pc) =	sbr.rel @p0 .LBB2_7-.Ltmp7, $4  }
0x10e: {  	s7 =	sand.u32 $0x3C00, s30;
	v34 =	vand.u32 $0xFFFFFC00, v27;
	v27 =	vor.u32 v46, v28;
	v47 =	vadd.s32 v5, v7;
	v43 =	vld.idx.msk [tilespmem:v30+s4+$0x0], $0xffff;
	[tilespmem:s2+$0x15000] =	vst v51  }
0x10f: {  	s11 =	sor.u32 $0x380, s0;
	s10 =	sadd.s32 $0x15000, s7;
	s0 =	smov.u32 s16;
	v40 =	vadd.s32 v10, v34;
	v45 =	vor.u32 v12, v47;
	v30 =	vmov v29;
	[tilespmem:s26+$0x200] =	vst v48;
	v44 =	vld.idx.msk [tilespmem:v50+s4+$0x0], $0xffff  }
0x110: {  	s1 =	sadd.s32 $0x1, s1;
	s7 =	sor.u32 s14, s10;
	s16 =	sor.u32 $0x380, s8;
	v36 =	vor.u32 v46, v36;
	v29 =	vand.u32 $0x7F, v49;
	v48 =	vadd.s32 v2, v34;
	v28 =	vmovc v24;
	v46 =	vld.idx.msk [tilespmem:v16+s4+$0x0], $0xffff  }
0x111: {  	s9 =	sadd.s32 $0x20, s9;
	s30 =	sadd.s32 $0x100, s30;
	s14 =	sand.u32 $0x3, s1;
	v40 =	vor.u32 v29, v40;
	v24 =	vmovc v26;
	v26 =	vmov v48;
	v16 =	vmov v39;
	[tilespmem:s7+$0x0] =	vst v52;
	v47 =	vld.idx.msk [tilespmem:v53+s4+$0x0], $0xffff  }
0x112: {  	v39 =	vshll.u32 v33, $0x3  }
0x113: {  	v39 =	vand.u32 $0xFFFFFC00, v39  }
0x114: {  	v33 =	vand.u32 $0x7F, v33;
	v10 =	vadd.s32 v10, v39  }
0x115: {  	v10 =	vor.u32 v33, v10  }
0x116: {  	[tilespmem:s28+$0x200] =	vst v41  }
0x117: {  	[tilespmem:s22+$0x100] =	vst v42;
	v40 =	vld.idx.msk [tilespmem:v40+s4+$0x0], $0xffff  }
0x118: {  	v38 =	vld.idx.msk [tilespmem:v38+s4+$0x0], $0xffff;
	[tilespmem:s23+$0x100] =	vst v43  }
0x119: {  	s1 =	sor.u32 s29, s10;
	v15 =	vor.u32 v9, v15;
	v22 =	vld.idx.msk [tilespmem:v22+s4+$0x0], $0xffff;
	[tilespmem:s11+$0x15000] =	vst v44;
	v44 =	vadd.s32 v11, v34  }
0x11a: {  	s2 =	sand.u32 $0x3C00, s30;
	[tilespmem:s1+$0x0] =	vst v37;
	v48 =	vadd.s32 v11, v39;
	v41 =	vor.u32 v29, v44;
	v10 =	vld.idx.msk [tilespmem:v10+s4+$0x0], $0xffff  }
0x11b: {  	v49 =	vadd.s32 v6, v14;
	v42 =	vld.idx.msk [tilespmem:v45+s4+$0x0], $0xffff;
	s2 =	sadd.s32 $0x15000, s2;
	[tilespmem:s16+$0x15000] =	vst v46;
	v11 =	vor.u32 v33, v48  }
0x11c: {  	v51 =	vor.u32 v19, v49;
	s9 =	sor.u32 s3, s2;
	v50 =	vld.idx.msk [tilespmem:v32+s4+$0x0], $0xffff;
	[tilespmem:s26+$0x280] =	vst v47  }
0x11d: {  	v25 =	vld.idx.msk [tilespmem:v25+s4+$0x0], $0xffff;
	[tilespmem:s9+$0x0] =	vst v40  }
0x11e: {  	v56 =	vadd.s32 v4, v7;
	s21 =	sor.u32 s5, s2;
	v15 =	vld.idx.msk [tilespmem:v15+s4+$0x0], $0xffff;
	[tilespmem:s7+$0x80] =	vst v38  }
0x11f: {  	v53 =	vadd.s32 v6, v34;
	v57 =	vor.u32 v12, v56;
	v52 =	vld.idx.msk [tilespmem:v41+s4+$0x0], $0xffff;
	[tilespmem:s21+$0x0] =	vst v10  }
0x120: {  	v55 =	vor.u32 v29, v53;
	v54 =	vadd.s32 v6, v39;
	[tilespmem:s28+$0x280] =	vst v22;
	v10 =	vld.idx.msk [tilespmem:v11+s4+$0x0], $0xffff  }
0x121: {  	v59 =	vadd.s32 v5, v14;
	v6 =	vor.u32 v33, v54;
	v58 =	vld.idx.msk [tilespmem:v51+s4+$0x0], $0xffff;
	[tilespmem:s1+$0x80] =	vst v50  }
0x122: {  	[tilespmem:s22+$0x180] =	vst v42;
	v22 =	vor.u32 v19, v59;
	v30 =	vld.idx.msk [tilespmem:v30+s4+$0x0], $0xffff  }
0x123: {  	v20 =	vld.idx.msk [tilespmem:v20+s4+$0x0], $0xffff;
	[tilespmem:s23+$0x180] =	vst v25  }
0x124: {  	v62 =	vld.idx.msk [tilespmem:v57+s4+$0x0], $0xffff;
	[tilespmem:s9+$0x80] =	vst v52  }
0x125: {  	v60 =	vadd.s32 v5, v34;
	v11 =	vld.idx.msk [tilespmem:v55+s4+$0x0], $0xffff;
	[tilespmem:s21+$0x80] =	vst v10  }
0x126: {  	v61 =	vadd.s32 v5, v39;
	[tilespmem:s7+$0x100] =	vst v58;
	v10 =	vor.u32 v29, v60;
	v6 =	vld.idx.msk [tilespmem:v6+s4+$0x0], $0xffff  }
0x127: {  	v5 =	vor.u32 v33, v61;
	s26 =	sor.u32 $0x300, s0;
	s28 =	sadd.s32 $0x10, s0;
	v25 =	vld.idx.msk [tilespmem:v22+s4+$0x0], $0xffff;
	[tilespmem:s1+$0x100] =	vst v30;
	v30 =	vadd.s32 v4, v14  }
0x128: {  	s29 =	sor.u32 $0x300, s28;
	[tilespmem:s26+$0x15000] =	vst v15;
	v22 =	vor.u32 v19, v30;
	v31 =	vld.idx.msk [tilespmem:v31+s4+$0x0], $0xffff  }
0x129: {  	v8 =	vadd.s32 v1, v8;
	v63 =	vld.idx.msk [tilespmem:v23+s4+$0x0], $0xffff;
	[tilespmem:s29+$0x15000] =	vst v20  }
0x12a: {  	v8 =	vor.u32 v9, v8;
	v41 =	vld.idx.msk [tilespmem:v16+s4+$0x0], $0xffff;
	[tilespmem:s9+$0x100] =	vst v11  }
0x12b: {  	v32 =	vadd.s32 v4, v34;
	v10 =	vld.idx.msk [tilespmem:v10+s4+$0x0], $0xffff;
	[tilespmem:s21+$0x100] =	vst v6  }
0x12c: {  	v37 =	vadd.s32 v4, v39;
	[tilespmem:s7+$0x180] =	vst v25;
	v6 =	vor.u32 v29, v32;
	v5 =	vld.idx.msk [tilespmem:v5+s4+$0x0], $0xffff  }
0x12d: {  	v43 =	vadd.s32 v3, v14;
	v4 =	vor.u32 v33, v37;
	v42 =	vld.idx.msk [tilespmem:v22+s4+$0x0], $0xffff;
	[tilespmem:s1+$0x180] =	vst v31  }
0x12e: {  	[tilespmem:s22+$0x200] =	vst v62;
	v16 =	vor.u32 v19, v43;
	v44 =	vld.idx.msk [tilespmem:v28+s4+$0x0], $0xffff  }
0x12f: {  	v38 =	vadd.s32 v3, v7;
	v8 =	vld.idx.msk [tilespmem:v8+s4+$0x0], $0xffff;
	[tilespmem:s23+$0x200] =	vst v63  }
0x130: {  	v40 =	vor.u32 v12, v38;
	[tilespmem:s9+$0x180] =	vst v10  }
0x131: {  	v45 =	vadd.s32 v3, v34;
	v6 =	vld.idx.msk [tilespmem:v6+s4+$0x0], $0xffff;
	[tilespmem:s21+$0x180] =	vst v5  }
0x132: {  	v3 =	vadd.s32 v3, v39;
	[tilespmem:s7+$0x200] =	vst v42;
	v5 =	vor.u32 v29, v45;
	v4 =	vld.idx.msk [tilespmem:v4+s4+$0x0], $0xffff  }
0x133: {  	s2 =	sor.u32 $0x380, s0;
	v3 =	vor.u32 v33, v3;
	v49 =	vld.idx.msk [tilespmem:v16+s4+$0x0], $0xffff;
	[tilespmem:s1+$0x200] =	vst v44  }
0x134: {  	s5 =	sor.u32 $0x380, s28;
	v50 =	vor.u32 v19, v24;
	[tilespmem:s2+$0x15000] =	vst v8;
	v51 =	vld.idx.msk [tilespmem:v35+s4+$0x0], $0xffff  }
0x135: {  	v46 =	vld.idx.msk [tilespmem:v40+s4+$0x0], $0xffff;
	[tilespmem:s5+$0x15000] =	vst v41  }
0x136: {  	v47 =	vor.u32 v12, v21;
	v48 =	vld.idx.msk [tilespmem:v18+s4+$0x0], $0xffff;
	[tilespmem:s9+$0x200] =	vst v6  }
0x137: {  	v5 =	vld.idx.msk [tilespmem:v5+s4+$0x0], $0xffff;
	[tilespmem:s21+$0x200] =	vst v4  }
0x138: {  	v2 =	vadd.s32 v2, v39;
	v52 =	vor.u32 v29, v26;
	[tilespmem:s7+$0x280] =	vst v49;
	v3 =	vld.idx.msk [tilespmem:v3+s4+$0x0], $0xffff  }
0x139: {  	v56 =	vadd.s32 v1, v14;
	v2 =	vor.u32 v33, v2;
	v57 =	vld.idx.msk [tilespmem:v50+s4+$0x0], $0xffff;
	[tilespmem:s1+$0x280] =	vst v51  }
0x13a: {  	v9 =	vor.u32 v19, v56;
	[tilespmem:s22+$0x280] =	vst v46;
	v58 =	vld.idx.msk [tilespmem:v27+s4+$0x0], $0xffff  }
0x13b: {  	v53 =	vadd.s32 v1, v7;
	v54 =	vld.idx.msk [tilespmem:v47+s4+$0x0], $0xffff;
	[tilespmem:s23+$0x280] =	vst v48  }
0x13c: {  	v55 =	vld.idx.msk [tilespmem:v17+s4+$0x0], $0xffff;
	v6 =	vor.u32 v12, v53;
	[tilespmem:s9+$0x280] =	vst v5  }
0x13d: {  	s12 =	sadd.s32 $0x10, s25;
	s11 =	sor.u32 $0x300, s25;
	v59 =	vadd.s32 v1, v34;
	v4 =	vld.idx.msk [tilespmem:v52+s4+$0x0], $0xffff;
	[tilespmem:s21+$0x280] =	vst v3  }
0x13e: {  	s13 =	sor.u32 $0x300, s12;
	v1 =	vadd.s32 v1, v39;
	[tilespmem:s11+$0x15000] =	vst v57;
	v3 =	vor.u32 v29, v59;
	v2 =	vld.idx.msk [tilespmem:v2+s4+$0x0], $0xffff  }
0x13f: {  	s8 =	sadd.s32 $0x10, s24;
	s10 =	sshll.u32 s14, $0x5;
	v1 =	vor.u32 v33, v1;
	s7 =	sor.u32 $0x300, s24;
	[tilespmem:s13+$0x15000] =	vst v58;
	v62 =	vld.idx.msk [tilespmem:v9+s4+$0x0], $0xffff  }
0x140: {  	s2 =	sadd.s32 s10, s30;
	[tilespmem:s7+$0x15000] =	vst v54;
	v63 =	vld.idx.msk [tilespmem:v36+s4+$0x0], $0xffff;
	s9 =	sor.u32 $0x300, s8  }
0x141: {  	s14 =	sor.u32 $0x300, s2;
	s15 =	sadd.s32 $0x10, s2;
	v60 =	vld.idx.msk [tilespmem:v6+s4+$0x0], $0xffff;
	[tilespmem:s9+$0x15000] =	vst v55  }
0x142: {  	s16 =	sor.u32 $0x300, s15;
	v61 =	vld.idx.msk [tilespmem:v13+s4+$0x0], $0xffff;
	[tilespmem:s14+$0x15000] =	vst v4  }
0x143: {  	s23 =	sor.u32 $0x380, s25;
	[tilespmem:s16+$0x15000] =	vst v2;
	v2 =	vld.idx.msk [tilespmem:v3+s4+$0x0], $0xffff  }
0x144: {  	[tilespmem:s23+$0x15000] =	vst v62;
	s21 =	sor.u32 $0x380, s24;
	s24 =	sor.u32 $0x380, s12;
	v1 =	vld.idx.msk [tilespmem:v1+s4+$0x0], $0xffff  }
0x145: {  	[tilespmem:s24+$0x15000] =	vst v63  }
.Ltmp8:
0x146: {  	s22 =	sor.u32 $0x380, s8;
	s25 =	sshll.u32 s20, $0xC;
	[tilespmem:s21+$0x15000] =	vst v60;
	(pc) =	sbr.rel .LBB2_9-.Ltmp8, $4  }
0x147: {  	s28 =	sshll.u32 s18, $0xF;
	s26 =	sor.u32 $0x380, s2;
	s0 =	sadd.s32 s31, s25;
	[tilespmem:s22+$0x15000] =	vst v61  }
0x148: {  	s29 =	sor.u32 $0x380, s15;
	s0 =	sadd.s32 s28, s0;
	[tilespmem:s26+$0x15000] =	vst v2  }
0x149: {  	s30 =	simm.s32 $0x15000;
	s0 =	sadd.s32 s19, s0;
	[tilespmem:s29+$0x15000] =	vst v1  }
0x14a: {  	[hbm4b:s0+s4] =	stream.linear.scatter [tilespmem:s30], [sflag:$0x2], $0x4000, $0x38;
	[tilespmem:$0x19000] =	vst v63  }
.LBB2_11:
0x14b: {  	_ =	sfence.sel $0x180000  }
0x14c: {  	[bflag:$0x0] =	sbarrier.arrive $0xFFFF  }
0x14d: {  	_ =	strace $0x9000004A  }
0x14e: {  	s0 =	stileid.u32;
	[bflag:$0x2] =	sbarrier.arrive $0xFFFF  }
0x14f: {  	p0 =	sne.s32 s0, $0x0;
	s0 =	rddreg [dreg:$0x3]  }
0x150: {  	s0 =	sadd.s32 @!p0 $0x100000, s0  }
0x151: {  	[sflag:s0] =	ssyncadd.tile.s32 @!p0 $0x1;
	_ =	shalt  }
.Lfunc_end2:
_tile_overlayer_lowered:
.L_overlay_start_2:
0x152: {  	(tag) =	ssettag $0x2  }
0x153: {  	s0 =	rddreg [dreg:$0x0];
	s2 =	stileid.u32  }
0x154: {  	s1 =	rddreg [dreg:$0x1];
	p0 =	sne.s32 s2, $0x0  }
0x155: {  	s3 =	rddreg [dreg:$0x2];
	[bflag:$0x3] =	sbarrier.arrive $0xFFFF;
	s2 =	simm.s32 @!p0 $0x1C03  }
0x156: {  	[timem:s3], [sflag:s2] =	dma.local @!p0 [hbm:s0], s1  }
0x157: {  	s0 =	simm.s32 @!p0 $0x3  }
0x158: {  	_ =	swait.ge @!p0 [sflag:s0], s1  }
0x159: {  	s1 =	ssub.s32 @!p0 $0x0, s1;
	[sflag:s0] =	ssyncset.done @!p0 $0x0  }
0x15a: {  	[sflag:s0] =	ssyncadd.s32 @!p0 s1  }
0x15b: {  	[bflag:$0x3] =	sbarrier.arrive $0xFFFF  }
0x15c: {  	_ =	shalt  }

// kernel: kernel.7.cloned.1.call-start
scs
__scs_entry_jumppad:
0x0: {  	(pc) =	sbr.rel $0x88, $3  }
0x1: {  	(tag) =	ssettag $0x0;
	lr =	simm.s32 $0x1  }
0x2: {  	[smem:$0x3F9E] =	sst lr;
	_ =	strace $0xD0000000  }
0x3: {  	_ = 	snop  }
0x4: {  	_ = 	snop  }
0x5: {  	_ = 	snop  }
0x6: {  	_ = 	snop  }
0x7: {  	_ = 	snop  }
__scs_overlays_trampoline_lowered:
0x8: {  	[smem:$0x3FAD] =	sst s0  }
0x9: {  	[smem:$0x3FAE] =	sst s1  }
0xa: {  	[smem:$0x3FAF] =	sst s2  }
0xb: {  	[smem:$0x3FB0] =	sst s3  }
0xc: {  	[smem:$0x3FB1] =	sst s4  }
0xd: {  	[smem:$0x3FB2] =	sst s5  }
0xe: {  	[smem:$0x3FB3] =	sst s6  }
0xf: {  	[smem:$0x3FB4] =	sst s7  }
0x10: {  	[smem:$0x3FB5] =	sst s8  }
0x11: {  	[smem:$0x3FB6] =	sst s9;
	s0 =	simm.s32 @!p0 $0x0  }
0x12: {  	s1 =	sld [smem:$0x3F9C];
	s0 =	simm.s32 @p0 $0x1  }
0x13: {  	[smem:$0x3FB7] =	sst s0;
	s0 =	simm.s32 @!p1 $0x0  }
0x14: {  	s2 =	sld [smem:$0x3F9B];
	s0 =	simm.s32 @p1 $0x1  }
0x15: {  	[smem:$0x3FB8] =	sst s0;
	s0 =	simm.s32 @!p2 $0x0  }
0x16: {  	s3 =	sld [smem:$0x3FDB];
	s0 =	simm.s32 @p2 $0x1  }
0x17: {  	s4 =	simm.s32 $0x1BF5;
	[smem:$0x3FBA] =	sst s0  }
0x18: {  	s0 =	sld [smem:$0x3F9D];
	_ =	swait.ge [sflag:s4], $0x0  }
0x19: {  	s7 =	sld [smem:$0x3F9E]  }
0x1a: {  	s8 =	sadd.s32 $0xFFFFE003, lr  }
0x1b: {  	s9 =	sadd.s32 $0xFFFFFEF7, lr;
	s5 =	simm.s32 $0xFFFFFFFF;
	p2 =	slt.u32 s8, $0xFFFFF086  }
0x1c: {  	p1 =	slt.u32 s9, $0xF7A;
	s5 =	simm.s32 @!p2 $0x0  }
0x1d: {  	s5 =	simm.s32 @p1 $0x1;
	p0 =	seq.s32 s7, s2  }
0x1e: {  	s7 =	smul.u32 @!p0 $0xF7A, s2;
	p2 =	seq.s32 @!p0 s5, $0x0  }
0x1f: {  	s9 =	smul.u32 $0xF7A, s1;
	s8 =	simm.s32 @!p0 $0x1BF5;
	p2 =	por !p2, p0  }
0x20: {  	[sflag:s8] =	ssyncset.s32 @!p0 $0xFFFFF086;
	s6 =	sadd.s32 @!p0 s3, s7;
	s7 =	simm.s32 @!p0 $0x108  }
0x21: {  	s3 =	sadd.s32 s3, s9;
	s6 =	sadd.s32 @!p0 $0x88, s6;
	s7 =	simm.s32 @p2 $0x1082  }
0x22: {  	[simem:s7], [sflag:s8] =	dma.local @!p0 [hbm:s6], $0xF7A  }
0x23: {  	s9 =	sor.u32 $0xD0000000, s2;
	s6 =	simm.s32 $0x108;
	_ =	swait.ge @!p0 [sflag:s8], $0x0  }
0x24: {  	s3 =	sadd.s32 $0x88, s3;
	s6 =	simm.s32 @!p1 $0x1082;
	[sflag:s4] =	ssyncset.s32 $0xFFFFF086  }
0x25: {  	[simem:s6], [sflag:s4] =	dma.local [hbm:s3], $0xF7A  }
0x26: {  	[smem:$0x3F9E] =	sst s1;
	(tag) =	ssettag s2;
	_ =	strace s9  }
0x27: {  	s1 =	sld [smem:$0x3FAE]  }
0x28: {  	s2 =	sld [smem:$0x3FAF]  }
0x29: {  	s4 =	sld [smem:$0x3FB1]  }
0x2a: {  	p0 =	seq.s32 s5, $0x0;
	s5 =	sld [smem:$0x3FB2]  }
0x2b: {  	s6 =	sld [smem:$0x3FB3]  }
0x2c: {  	s7 =	sld [smem:$0x3FB4]  }
0x2d: {  	s3 =	simm.s32 $0x108;
	s8 =	sld [smem:$0x3FB5]  }
0x2e: {  	s3 =	simm.s32 @!p0 $0x1082;
	s9 =	sld [smem:$0x3FB6]  }
0x2f: {  	lr =	sadd.s32 s0, s3;
	s0 =	sld [smem:$0x3FAD]  }
0x30: {  	s3 =	sld [smem:$0x3FB0]  }
0x31: {  	[smem:$0x3FB9] =	sst s10  }
0x32: {  	s10 =	sld [smem:$0x3FB7];
	_ =	sdelay $0x3  }
0x33: {  	p0 =	seq.s32 s10, $0x1;
	s10 =	sld [smem:$0x3FB9];
	_ =	sdelay $0x3  }
0x34: {  	[smem:$0x3FB9] =	sst s10  }
0x35: {  	s10 =	sld [smem:$0x3FB8];
	_ =	sdelay $0x3  }
0x36: {  	p1 =	seq.s32 s10, $0x1;
	s10 =	sld [smem:$0x3FB9];
	_ =	sdelay $0x3  }
0x37: {  	[smem:$0x3FB9] =	sst s10  }
0x38: {  	s10 =	sld [smem:$0x3FBA]  }
0x39: {  	_ = 	snop;
	(pc) =	sbr.ind lr, $3  }
0x3a: {  	_ = 	snop  }
0x3b: {  	_ = 	snop  }
0x3c: {  	p2 =	seq.s32 s10, $0x1;
	s10 =	sld [smem:$0x3FB9]  }
0x3d: {  	_ =	shalt  }
0x3e: {  	_ =	shalt  }
0x3f: {  	_ =	shalt  }
0x40: {  	_ =	shalt  }
0x41: {  	_ =	shalt  }
0x42: {  	_ =	shalt  }
0x43: {  	_ =	shalt  }
0x44: {  	_ =	shalt  }
0x45: {  	_ =	shalt  }
0x46: {  	_ =	shalt  }
0x47: {  	_ =	shalt  }
0x48: {  	_ =	shalt  }
0x49: {  	_ =	shalt  }
0x4a: {  	_ =	shalt  }
0x4b: {  	_ =	shalt  }
0x4c: {  	_ =	shalt  }
0x4d: {  	_ =	shalt  }
0x4e: {  	_ =	shalt  }
0x4f: {  	_ =	shalt  }
0x50: {  	_ =	shalt  }
0x51: {  	_ =	shalt  }
0x52: {  	_ =	shalt  }
0x53: {  	_ =	shalt  }
0x54: {  	_ =	shalt  }
0x55: {  	_ =	shalt  }
0x56: {  	_ =	shalt  }
0x57: {  	_ =	shalt  }
0x58: {  	_ =	shalt  }
0x59: {  	_ =	shalt  }
0x5a: {  	_ =	shalt  }
0x5b: {  	_ =	shalt  }
0x5c: {  	_ =	shalt  }
0x5d: {  	_ =	shalt  }
0x5e: {  	_ =	shalt  }
0x5f: {  	_ =	shalt  }
0x60: {  	_ =	shalt  }
0x61: {  	_ =	shalt  }
0x62: {  	_ =	shalt  }
0x63: {  	_ =	shalt  }
0x64: {  	_ =	shalt  }
0x65: {  	_ =	shalt  }
0x66: {  	_ =	shalt  }
0x67: {  	_ =	shalt  }
0x68: {  	_ =	shalt  }
0x69: {  	_ =	shalt  }
0x6a: {  	_ =	shalt  }
0x6b: {  	_ =	shalt  }
0x6c: {  	_ =	shalt  }
0x6d: {  	_ =	shalt  }
0x6e: {  	_ =	shalt  }
0x6f: {  	_ =	shalt  }
0x70: {  	_ =	shalt  }
0x71: {  	_ =	shalt  }
0x72: {  	_ =	shalt  }
0x73: {  	_ =	shalt  }
0x74: {  	_ =	shalt  }
0x75: {  	_ =	shalt  }
0x76: {  	_ =	shalt  }
0x77: {  	_ =	shalt  }
0x78: {  	_ =	shalt  }
0x79: {  	_ =	shalt  }
0x7a: {  	_ =	shalt  }
0x7b: {  	_ =	shalt  }
0x7c: {  	_ =	shalt  }
0x7d: {  	_ =	shalt  }
0x7e: {  	_ =	shalt  }
0x7f: {  	_ =	shalt  }
0x80: {  	_ =	shalt  }
0x81: {  	_ =	shalt  }
0x82: {  	_ =	shalt  }
0x83: {  	_ =	shalt  }
0x84: {  	_ =	shalt  }
0x85: {  	_ =	shalt  }
0x86: {  	_ =	shalt  }
0x87: {  	_ =	shalt  }
.Lfunc_end0:
.L_simem_size_0:
called_computation.1_lowered:
.L_overlay_start_0:
0x88: {  	s2 =	sld [smem:$0x3FD9]  }
0x89: {  	s3 =	sld [smem:$0x3FFE];
	_ =	sdelay $0x1  }
0x8a: {  	s1 =	srdreg.scid  }
0x8b: {  	s0 =	sand.u32 $0x1, s1  }
0x8c: {  	s14 =	sshll.u32 s0, $0xA;
	s2 =	sadd.s32 s3, s2  }
0x8d: {  	s2 =	sadd.s32 s2, s14  }
0x8e: {  	[smem:$0x3FC5] =	sst s2  }
0x8f: {  	_ = 	snop  }
0x90: {  	s2 =	sld [smem:$0x3FD0];
	_ =	sdelay $0x2  }
0x91: {  	s4 =	simm.s32 $0xB;
	s5 =	simm.s32 $0x10;
	s15 =	sld [smem:$0x3FC9]  }
0x92: {  	[smem:s5], [sflag:s4] =	dma.local [hbm:s2], $0x1  }
0x93: {  	_ =	swait.eq [sflag:s4], $0x1  }
0x94: {  	[sflag:s4] =	ssyncset.done $0x0  }
0x95: {  	[sflag:s4] =	ssyncadd.s32 $0xFFFFFFFF  }
0x96: {  	s16 =	sld [smem:$0x11];
	(tm) =	ssettm $0x1  }
0x97: {  	s17 =	sld [smem:$0x3FFB];
	_ =	sdelay $0x3  }
0x98: {  	_ =	strace s17  }
0x99: {  	s4 =	sld [smem:$0x3FFC];
	_ =	sdelay $0x3  }
0x9a: {  	_ =	strace s4  }
0x9b: {  	s4 =	sld [smem:$0x3FFD];
	_ =	sdelay $0x3  }
0x9c: {  	_ =	strace s4  }
0x9d: {  	_ =	strace $0x8FFFFFFF  }
0x9e: {  	s18 =	sld [smem:$0x3FDB];
	_ =	sdelay $0x1  }
0x9f: {  	s19 =	simm.s32 $_scs_section_size  }
0xa0: {  	s6 =	simm.s32 $_size__tile_overlayer_lowered;
	s7 =	simm.s32 $_tile_overlayer_lowered  }
0xa1: {  	s22 =	simm.s32 $0x1BFF;
	s21 =	sshll.u32 s7, $0x1;
	s4 =	sadd.s32 s19, s18  }
0xa2: {  	s8 =	simm.s32 $0x0;
	s20 =	sshll.u32 s6, $0x1;
	s6 =	sadd.s32 s21, s4  }
0xa3: {  	[timem:s8], [sflag:s22] =	dma.local [hbm:s6], s20  }
0xa4: {  	_ =	swait.ge [sflag:s22], s20  }
0xa5: {  	s5 =	ssub.s32 $0x0, s20;
	[sflag:s22] =	ssyncset.done $0x0  }
0xa6: {  	[sflag:s22] =	ssyncadd.s32 s5;
	_ =	sdelay $0x1  }
0xa7: {  	s23 =	simm.s32 $0x1B8B  }
0xa8: {  	_ =	swait.ge [sflag:s23], $0x1  }
0xa9: {  	[sflag:s23] =	ssyncset.done $0x0  }
0xaa: {  	s25 =	simm.s32 $0x1B8E;
	s24 =	sld [smem:$0x3FFE];
	[sflag:s23] =	ssyncadd.s32 $0xFFFFFFFF  }
0xab: {  	s26 =	simm.s32 $execute0_lowered;
	[smem:$0x3FD2] =	sst s25  }
0xac: {  	s6 =	sshll.u32 s26, $0x1;
	_ =	strace $0x80000046;
	[dreg:$0x1] =	wrdreg $0xFFFFFFFF  }
0xad: {  	s28 =	simm.s32 $_size_execute0_lowered;
	s4 =	sadd.s32 s4, s6;
	[dreg:$0x0] =	wrdreg $0x0  }
0xae: {  	s6 =	sshll.u32 s28, $0x1;
	[dreg:$0x2] =	wrdreg s4  }
0xaf: {  	[dreg:$0x3] =	wrdreg s6  }
0xb0: {  	[dreg:$0x4] =	wrdreg $0xC0  }
0xb1: {  	_ =	task [dreg:s8], $0x5FFFF  }
0xb2: {  	[dreg:$0x1] =	wrdreg $0xFFFFFFFF  }
0xb3: {  	[dreg:$0x0] =	wrdreg $0x60  }
0xb4: {  	[dreg:$0x2] =	wrdreg s15  }
0xb5: {  	[dreg:$0x3] =	wrdreg s24  }
0xb6: {  	[dreg:$0x4] =	wrdreg s16  }
0xb7: {  	[dreg:$0x5] =	wrdreg $0xA  }
0xb8: {  	_ =	task.clear_ibuf [dreg:s8], $0x6FFFF;
	_ =	strace $0x90000046  }
0xb9: {  	s29 =	simm.s32 $0xA;
	_ =	strace $0x80000048  }
0xba: {  	_ =	swait.ge [sflag:s29], $0x1  }
0xbb: {  	[sflag:s29] =	ssyncadd.s32 $0xFFFFFFFF  }
0xbc: {  	_ =	strace $0x90000048  }
0xbd: {  	_ =	sfence  }
0xbe: {  	s30 =	sld [smem:$0x0];
	_ =	sdelay $0x2  }
0xbf: {  	s31 =	sshll.u32 s1, $0xD;
	s1 =	sshrl.u32 s1, $0x2  }
0xc0: {  	s3 =	sand.u32 $0x4000, s31;
	s1 =	sadd.s32 s1, s30  }
0xc1: {  	s0 =	sor.u32 s3, s0;
	s1 =	sshll.u32 s1, $0x11  }
0xc2: {  	s0 =	sor.u32 s1, s0  }
0xc3: {  	s0 =	sadd.s32 $0x8F2B, s0  }
0xc4: {  	[sflag:s0] =	ssyncadd.remote.s32 $0x1  }
0xc5: {  	_ =	sfence.sel $0xFFFF  }
0xc6: {  	[dreg:$0x0] =	wrdreg $0xFFFFFFFF;
	(pc) =	sbr.abs _section_cstart, $3  }
0xc7: {  	[dreg:$0x1] =	wrdreg $0xFFFFFFFF  }
0xc8: {  	_ =	task.clear_ibuf [dreg:s8], $0x2FFFF;
	_ =	strace $0x9FFFFFFF  }
0xc9: {  	(tm) =	ssettm $0x7FFFFFFF  }
tec
execute0_lowered:
.L_overlay_start_1:
0x0: {  	(tag) =	ssettag $0x1  }
0x1: {  	s0 =	rddreg [dreg:$0x1]  }
0x2: {  	s31 =	rddreg [dreg:$0x2]  }
0x3: {  	s1 =	srdreg.scid;
	s4 =	simm.s32 $0x0;
	s2 =	stileid.u32  }
0x4: {  	s1 =	sand.u32 $0x1, s1;
	[smem:$0x7FF] =	sst s4;
	s6 =	sshll.u32 s2, $0x1  }
.Ltmp0:
0x5: {  	s3 =	ssub.s32 $0x2, s1;
	s1 =	sor.u32 s1, s6;
	(pc) =	sbr.rel .LBB2_1-.Ltmp0, $4  }
0x6: {  	s0 =	sadd.s32 $0xA00, s0;
	s5 =	sshrl.u32 s3, $0x1;
	s6 =	smul.u32 $0x64, s1  }
0x7: {  	_ =	strace $0x80000047;
	[dreg:$0x4] =	wrdreg s0;
	s3 =	ssub.s32 s3, s5  }
0x8: {  	v0 =	vimm.s32 $0x0;
	vm0 =	vcmask $0x300;
	s30 =	smax.u32 s3, $0x1;
	[dreg:$0x5] =	wrdreg s6  }
0x9: {  	v0 =	vsel vm0, $0xD, v0;
	s2 =	simm.s32 $0x0;
	[dreg:$0x6] =	wrdreg s30  }
.LBB2_10:
0xa: {  	s0 =	simm.s32 $0x1  }
0xb: {  	_ =	swait.ge [sflag:s0], $0x4000  }
0xc: {  	[sflag:s0] =	ssyncset.done $0x0  }
0xd: {  	s1 =	simm.s32 $0x2;
	[sflag:s0] =	ssyncadd.s32 $0xFFFFC000  }
0xe: {  	_ =	swait.ge [sflag:s1], $0x4000  }
0xf: {  	s2 =	rddreg [dreg:$0x7]  }
0x10: {  	s30 =	rddreg [dreg:$0x6];
	s2 =	sadd.s32 $0x1, s2  }
0x11: {  	p0 =	sne.s32 s2, s30  }
.Ltmp1:
0x12: {  	_ = 	snop;
	(pc) =	sbr.rel @!p0 .LBB2_11-.Ltmp1, $3  }
0x13: {  	_ =	sdelay $0x1  }
0x14: {  	[sflag:s1] =	ssyncset.done $0x0  }
0x15: {  	[sflag:s1] =	ssyncadd.s32 $0xFFFFC000  }
.LBB2_1:
0x16: {  	[dreg:$0x7] =	wrdreg s2  }
.Ltmp2:
0x17: {  	s0 =	rddreg [dreg:$0x4];
	s30 =	simm.s32 $0x3;
	(pc) =	sbr.rel .LBB2_2-.Ltmp2, $4  }
0x18: {  	[tilespmem:s4], [sflag:$0x3] =	stream.linear.gather [hbm4b:s0+s4], $0x10000, $0x38;
	[tilespmem:$0x19000] =	vst v63  }
0x19: {  	_ =	swait.ge [sflag:s30], $0x10000  }
0x1a: {  	[sflag:s30] =	ssyncset.done $0x0  }
0x1b: {  	s17 =	simm.s32 $0x0;
	[sflag:s30] =	ssyncadd.s32 $0xFFFF0000  }
.LBB2_9:
0x1c: {  	s17 =	sadd.s32 $0x1, s17  }
0x1d: {  	p0 =	sne.s32 s17, $0x64  }
.Ltmp3:
0x1e: {  	_ = 	snop;
	(pc) =	sbr.rel @!p0 .LBB2_10-.Ltmp3, $1  }
0x1f: {  	_ =	sdelay $0x3  }
.LBB2_2:
0x20: {  	s0 =	sadd.s32 s6, s17  }
0x21: {  	p0 =	seq.s32 s17, $0x0;
	s1 =	sand.u32 $0xF, s0  }
0x22: {  	p1 =	sne.s32 @!p0 s1, $0x0  }
0x23: {  	s18 =	sshrl.u32 s0, $0x4;
	p0 =	por p0, !p1  }
0x24: {  	s3 =	sshll.u32 @p0 s18, $0x9;
	s5 =	sand.u32 @p0 $0x70, s0;
	s2 =	rddreg @p0 [dreg:$0x0]  }
0x25: {  	s7 =	simm.s32 @p0 $0x10000;
	s3 =	sand.u32 @p0 $0xFFFF000, s3;
	s5 =	sadd.s32 @p0 s2, s5  }
0x26: {  	s2 =	simm.s32 @p0 $0x80;
	s3 =	sadd.s32 @p0 s3, s5;
	s5 =	simm.s32 @p0 $0x400  }
0x27: {  	[tilespmem:s7], [sflag:$0x3] =	stream.strided.gather @p0 [hbm4b:s3+s2], $0x1000, s5, s2, $0x38;
	[tilespmem:$0x19000] =	vst v63  }
0x28: {  	s2 =	simm.s32 @p0 $0x3  }
0x29: {  	_ =	swait.ge @p0 [sflag:s2], $0x1000  }
0x2a: {  	s21 =	sand.u32 $0x1, s17;
	[sflag:s2] =	ssyncset.done @p0 $0x0  }
0x2b: {  	[sflag:s2] =	ssyncadd.s32 @p0 $0xFFFFF000;
	p0 =	seq.s32 s21, $0x1  }
.Ltmp4:
0x2c: {  	_ = 	snop;
	(pc) =	sbr.rel @p0 .LBB2_6-.Ltmp4, $3  }
0x2d: {  	_ =	sdelay $0x1  }
0x2e: {  	s1 =	sshll.u32 s1, $0x8  }
0x2f: {  	s20 =	sand.u32 $0x7, s0;
	s19 =	sand.u32 $0x800, s1  }
0x30: {  	p0 =	slt.u32 s17, $0x2  }
0x31: {  	s0 =	simm.s32 $0x0;
	s1 =	simm.s32 @!p0 $0x1  }
0x32: {  	s22 =	sor.u32 $0x10000, s19;
	s3 =	sand.u32 $0x780, s0;
	_ =	swait.ge @!p0 [sflag:s1], $0x4000  }
0x33: {  	s7 =	sand.u32 $0x60, s0;
	s3 =	sadd.s32 s3, s22;
	[sflag:s1] =	ssyncset.done @!p0 $0x0  }
0x34: {  	s2 =	sor.u32 $0x10, s7;
	s5 =	sadd.s32 s7, s3;
	[sflag:s1] =	ssyncadd.s32 @!p0 $0xFFFFC000  }
0x35: {  	s3 =	sadd.s32 s2, s3;
	v1 =	vld [tilespmem:s5+$0x0]  }
0x36: {  	s8 =	sshll.u32 s20, $0x3;
	v3 =	vld [tilespmem:s3+$0x0]  }
0x37: {  	v2 =	vmov s8  }
0x38: {  	v2 =	vshrl.u32 v2, $0x3  }
0x39: {  	v7 =	vshll.u32 v2, v0  }
0x3a: {  	v10 =	vbroadcast v7, $0x0;
	v2 =	vshll.u32 v1, $0x3  }
0x3b: {  	v26 =	vand.u32 $0x7F, v1;
	v1 =	vshll.u32 v3, $0x3;
	v27 =	vand.u32 $0xFFFFFC00, v2  }
0x3c: {  	s9 =	simm.s32 $0x20;
	v14 =	vand.u32 $0x7F, v3;
	v12 =	vand.u32 $0xFFFFFC00, v1;
	v2 =	vadd.s32 v10, v27  }
0x3d: {  	s10 =	sand.u32 $0x780, s9;
	v1 =	vor.u32 $0x80, v7;
	v3 =	vadd.s32 v10, v12;
	v2 =	vor.u32 v26, v2  }
0x3e: {  	s9 =	sand.u32 $0x60, s9;
	s11 =	sadd.s32 s10, s22;
	v11 =	vbroadcast v1, $0x0;
	v1 =	vor.u32 $0x100, v7;
	v8 =	vor.u32 v14, v3  }
0x3f: {  	s12 =	sor.u32 $0x10, s9;
	s5 =	sadd.s32 s9, s11;
	v6 =	vbroadcast v1, $0x0;
	v1 =	vor.u32 $0x180, v7;
	v3 =	vor.u32 $0x200, v7  }
0x40: {  	s3 =	sadd.s32 s12, s11;
	v9 =	vld [tilespmem:s5+$0x0];
	v5 =	vbroadcast v1, $0x0;
	v4 =	vbroadcast v3, $0x0;
	v1 =	vor.u32 $0x280, v7  }
0x41: {  	v18 =	vld [tilespmem:s3+$0x0];
	v3 =	vor.u32 $0x300, v7;
	v13 =	vadd.s32 v11, v27;
	v7 =	vor.u32 $0x380, v7  }
0x42: {  	v16 =	vor.u32 v26, v13;
	v15 =	vld.idx.msk [tilespmem:v2+s4+$0x0], $0xffff;
	v2 =	vbroadcast v3, $0x0;
	v3 =	vbroadcast v1, $0x0  }
0x43: {  	v1 =	vbroadcast v7, $0x0;
	v7 =	vadd.s32 v11, v12;
	v17 =	vld.idx.msk [tilespmem:v8+s4+$0x0], $0xffff;
	v8 =	vadd.s32 v6, v12  }
0x44: {  	s10 =	sand.u32 $0x3C00, s0;
	v7 =	vor.u32 v14, v7;
	v20 =	vor.u32 v14, v8;
	v8 =	vadd.s32 v5, v12  }
0x45: {  	s10 =	sadd.s32 $0x11000, s10;
	v23 =	vor.u32 v14, v8;
	v8 =	vshll.u32 v9, $0x3  }
0x46: {  	s14 =	simm.s32 $0x40;
	s7 =	sor.u32 s7, s10;
	v22 =	vshll.u32 v18, $0x3;
	v19 =	vadd.s32 v4, v12;
	v8 =	vand.u32 $0xFFFFFC00, v8  }
0x47: {  	s15 =	sand.u32 $0x780, s14;
	s13 =	sor.u32 s2, s10;
	v24 =	vor.u32 v14, v19;
	v19 =	vadd.s32 v6, v27;
	v21 =	vadd.s32 v10, v8;
	[tilespmem:s7+$0x0] =	vst v15  }
0x48: {  	s16 =	sand.u32 $0x60, s14;
	s10 =	sadd.s32 s15, s22;
	v9 =	vand.u32 $0x7F, v9;
	v15 =	vadd.s32 v3, v12;
	[tilespmem:s13+$0x0] =	vst v17;
	v17 =	vor.u32 v26, v19;
	v16 =	vld.idx.msk [tilespmem:v16+s4+$0x0], $0xffff  }
0x49: {  	s1 =	sadd.s32 s16, s10;
	v19 =	vor.u32 v14, v15;
	v15 =	vadd.s32 v2, v12;
	v7 =	vld.idx.msk [tilespmem:v7+s4+$0x0], $0xffff;
	v12 =	vadd.s32 v1, v12  }
0x4a: {  	v21 =	vor.u32 v9, v21;
	v28 =	vor.u32 v14, v15;
	v36 =	vor.u32 v14, v12;
	v14 =	vld [tilespmem:s1+$0x0];
	s1 =	sor.u32 $0x10, s16  }
0x4b: {  	v18 =	vand.u32 $0x7F, v18;
	v12 =	vand.u32 $0xFFFFFC00, v22;
	s10 =	sadd.s32 s1, s10  }
0x4c: {  	s24 =	simm.s32 $0x60;
	v13 =	vadd.s32 v2, v27;
	v22 =	vadd.s32 v10, v12;
	v25 =	vadd.s32 v11, v12;
	v34 =	vld [tilespmem:s10+$0x0]  }
0x4d: {  	s25 =	sand.u32 $0x780, s24;
	v29 =	vadd.s32 v6, v12;
	v37 =	vadd.s32 v1, v12;
	v30 =	vor.u32 v18, v22;
	[tilespmem:s7+$0x80] =	vst v16  }
0x4e: {  	s14 =	sand.u32 $0x60, s24;
	s26 =	sadd.s32 s25, s22;
	s11 =	simm.s32 $0x100;
	v22 =	vadd.s32 v5, v27;
	v25 =	vor.u32 v18, v25;
	v32 =	vor.u32 v18, v29;
	v17 =	vld.idx.msk [tilespmem:v17+s4+$0x0], $0xffff  }
0x4f: {  	s30 =	sor.u32 $0x10, s14;
	s2 =	simm.s32 $0x200;
	s23 =	sand.u32 $0x3C00, s11;
	v21 =	vld.idx.msk [tilespmem:v21+s4+$0x0], $0xffff;
	v31 =	vor.u32 v26, v22;
	v16 =	vadd.s32 v11, v8;
	[tilespmem:s13+$0x80] =	vst v7  }
0x50: {  	s11 =	sadd.s32 s14, s26;
	s5 =	sand.u32 $0x3C00, s2;
	s10 =	sadd.s32 $0x11000, s23;
	v22 =	vadd.s32 v3, v12;
	v7 =	vadd.s32 v5, v12;
	v16 =	vor.u32 v9, v16;
	v33 =	vld.idx.msk [tilespmem:v20+s4+$0x0], $0xffff  }
0x51: {  	v51 =	vld [tilespmem:s11+$0x0];
	s8 =	sadd.s32 $0x11000, s5;
	s29 =	sor.u32 s12, s10;
	s12 =	simm.s32 $0x80;
	v20 =	vadd.s32 v4, v12;
	v35 =	vor.u32 v18, v7;
	v38 =	vshll.u32 v34, $0x3  }
0x52: {  	s28 =	sor.u32 s9, s10;
	s9 =	sadd.s32 s30, s26;
	s15 =	sand.u32 $0x780, s12;
	v7 =	vshll.u32 v14, $0x3;
	v29 =	vor.u32 v18, v20;
	v30 =	vld.idx.msk [tilespmem:v30+s4+$0x0], $0xffff;
	v38 =	vand.u32 $0xFFFFFC00, v38  }
0x53: {  	s23 =	sor.u32 s16, s8;
	v39 =	vld [tilespmem:s9+$0x0];
	s3 =	sand.u32 $0x60, s12;
	s16 =	sadd.s32 s15, s22;
	v20 =	vadd.s32 v2, v12;
	v34 =	vand.u32 $0x7F, v34;
	v40 =	vadd.s32 v10, v38;
	[tilespmem:s7+$0x100] =	vst v17  }
0x54: {  	v7 =	vand.u32 $0xFFFFFC00, v7;
	s24 =	sadd.s32 s3, s16;
	[tilespmem:s28+$0x0] =	vst v21;
	v21 =	vadd.s32 v4, v27;
	v40 =	vor.u32 v34, v40;
	v17 =	vld.idx.msk [tilespmem:v31+s4+$0x0], $0xffff  }
0x55: {  	v12 =	vand.u32 $0x7F, v14;
	v47 =	vld [tilespmem:s24+$0x0];
	v50 =	vor.u32 v26, v21;
	[tilespmem:s13+$0x100] =	vst v33;
	v31 =	vadd.s32 v10, v7  }
0x56: {  	v22 =	vor.u32 v18, v22;
	v20 =	vor.u32 v18, v20;
	v23 =	vld.idx.msk [tilespmem:v23+s4+$0x0], $0xffff;
	v31 =	vor.u32 v12, v31  }
0x57: {  	v14 =	vld.idx.msk [tilespmem:v16+s4+$0x0], $0xffff;
	v16 =	vor.u32 v18, v37;
	v18 =	vadd.s32 v6, v8;
	[tilespmem:s29+$0x0] =	vst v30  }
0x58: {  	v54 =	vor.u32 v26, v13;
	v56 =	vadd.s32 v4, v8;
	v18 =	vor.u32 v9, v18;
	v41 =	vld.idx.msk [tilespmem:v25+s4+$0x0], $0xffff  }
0x59: {  	v15 =	vadd.s32 v2, v8;
	v40 =	vld.idx.msk [tilespmem:v40+s4+$0x0], $0xffff;
	[tilespmem:s7+$0x180] =	vst v17;
	v17 =	vadd.s32 v11, v38  }
0x5a: {  	v21 =	vadd.s32 v2, v7;
	v25 =	vadd.s32 v3, v27;
	v33 =	vld.idx.msk [tilespmem:v50+s4+$0x0], $0xffff;
	v42 =	vor.u32 v34, v17  }
0x5b: {  	v30 =	vadd.s32 v11, v7;
	[tilespmem:s13+$0x180] =	vst v23;
	v17 =	vld.idx.msk [tilespmem:v31+s4+$0x0], $0xffff;
	v31 =	vor.u32 v26, v25  }
0x5c: {  	v53 =	vadd.s32 v2, v38;
	v30 =	vor.u32 v12, v30;
	[tilespmem:s28+$0x80] =	vst v14;
	v24 =	vld.idx.msk [tilespmem:v24+s4+$0x0], $0xffff  }
0x5d: {  	s24 =	sor.u32 s1, s8;
	v14 =	vadd.s32 v5, v8;
	v23 =	vadd.s32 v6, v38;
	v44 =	vld.idx.msk [tilespmem:v18+s4+$0x0], $0xffff;
	[tilespmem:s29+$0x80] =	vst v41  }
0x5e: {  	v18 =	vadd.s32 v4, v38;
	v52 =	vor.u32 v9, v14;
	v32 =	vld.idx.msk [tilespmem:v32+s4+$0x0], $0xffff;
	[tilespmem:s24+$0x0] =	vst v40  }
0x5f: {  	v14 =	vadd.s32 v3, v38;
	v43 =	vor.u32 v34, v23;
	[tilespmem:s7+$0x200] =	vst v33;
	v42 =	vld.idx.msk [tilespmem:v42+s4+$0x0], $0xffff  }
0x60: {  	v23 =	vor.u32 v34, v18;
	v18 =	vor.u32 v34, v14;
	v14 =	vshll.u32 v51, $0x3;
	[tilespmem:s23+$0x0] =	vst v17;
	v31 =	vld.idx.msk [tilespmem:v31+s4+$0x0], $0xffff  }
0x61: {  	v27 =	vadd.s32 v1, v27;
	v25 =	vadd.s32 v5, v38;
	v14 =	vand.u32 $0xFFFFFC00, v14;
	[tilespmem:s13+$0x200] =	vst v24;
	v45 =	vld.idx.msk [tilespmem:v30+s4+$0x0], $0xffff  }
0x62: {  	v38 =	vadd.s32 v1, v38;
	v30 =	vadd.s32 v10, v14;
	v46 =	vld.idx.msk [tilespmem:v19+s4+$0x0], $0xffff;
	v19 =	vand.u32 $0x7F, v51  }
0x63: {  	v26 =	vor.u32 v26, v27;
	[tilespmem:s28+$0x100] =	vst v44;
	v37 =	vor.u32 v19, v30;
	v30 =	vshll.u32 v39, $0x3  }
0x64: {  	v25 =	vor.u32 v34, v25;
	v13 =	vor.u32 v34, v38;
	v55 =	vld.idx.msk [tilespmem:v52+s4+$0x0], $0xffff;
	[tilespmem:s29+$0x100] =	vst v32;
	v48 =	vand.u32 $0xFFFFFC00, v30  }
0x65: {  	v39 =	vand.u32 $0x7F, v39;
	v30 =	vor.u32 v9, v56;
	v35 =	vld.idx.msk [tilespmem:v35+s4+$0x0], $0xffff;
	v27 =	vadd.s32 v10, v48;
	[tilespmem:s24+$0x80] =	vst v42  }
0x66: {  	v59 =	vadd.s32 v11, v14;
	v27 =	vor.u32 v39, v27;
	[tilespmem:s7+$0x280] =	vst v31;
	v43 =	vld.idx.msk [tilespmem:v43+s4+$0x0], $0xffff  }
0x67: {  	s6 =	smov.u32 s31;
	s0 =	sand.u32 $0x3, s0;
	v17 =	vor.u32 v34, v53;
	v24 =	vadd.s32 v2, v14;
	[tilespmem:s13+$0x280] =	vst v46;
	v57 =	vld.idx.msk [tilespmem:v54+s4+$0x0], $0xffff  }
0x68: {  	s31 =	simm.s32 $0x400;
	s25 =	simm.s32 $0x1;
	s0 =	sshll.u32 s0, $0x5;
	v38 =	vor.u32 v19, v59;
	v58 =	vadd.s32 v11, v48;
	v31 =	vadd.s32 v6, v7;
	v46 =	vld.idx.msk [tilespmem:v28+s4+$0x0], $0xffff  }
0x69: {  	s26 =	simm.s32 $0x2;
	s9 =	sadd.s32 $0x0, s0;
	s5 =	sor.u32 $0x10, s3;
	v61 =	vadd.s32 v3, v48;
	[tilespmem:s28+$0x180] =	vst v55;
	v60 =	vor.u32 v12, v31;
	v50 =	vld.idx.msk [tilespmem:v37+s4+$0x0], $0xffff  }
0x6a: {  	s12 =	simm.s32 $0x300;
	s10 =	sadd.s32 s5, s16;
	s16 =	sadd.s32 $0x10, s9;
	v62 =	vadd.s32 v1, v48;
	v32 =	vor.u32 v39, v58;
	[tilespmem:s23+$0x80] =	vst v45;
	v49 =	vld.idx.msk [tilespmem:v30+s4+$0x0], $0xffff  }
0x6b: {  	s1 =	sand.u32 $0x3, s25;
	s8 =	sand.u32 $0x3, s26;
	s15 =	sor.u32 $0x300, s16;
	v28 =	vadd.s32 v6, v48;
	v31 =	vadd.s32 v5, v48;
	v37 =	vld.idx.msk [tilespmem:v27+s4+$0x0], $0xffff;
	v27 =	vadd.s32 v3, v8  }
0x6c: {  	v33 =	vld [tilespmem:s10+$0x0];
	s10 =	simm.s32 $0x3;
	s13 =	sor.u32 $0x300, s9;
	s7 =	sand.u32 $0x3C00, s12;
	v30 =	vor.u32 v39, v28;
	v31 =	vor.u32 v39, v31;
	[tilespmem:s29+$0x180] =	vst v35;
	v51 =	vor.u32 v9, v27  }
0x6d: {  	s16 =	sor.u32 $0x380, s16;
	s11 =	sand.u32 $0x3, s10;
	s10 =	sadd.s32 $0x11000, s7;
	v28 =	vadd.s32 v4, v48;
	v41 =	vld.idx.msk [tilespmem:v29+s4+$0x0], $0xffff;
	v29 =	vadd.s32 v2, v48;
	v27 =	vshll.u32 v47, $0x3;
	[tilespmem:s13+$0x11000] =	vst v57  }
0x6e: {  	s2 =	sshll.u32 s1, $0x5;
	s1 =	sshll.u32 s8, $0x5;
	s7 =	sor.u32 s14, s10;
	v42 =	vld.idx.msk [tilespmem:v60+s4+$0x0], $0xffff;
	v34 =	vand.u32 $0xFFFFFC00, v27;
	v27 =	vor.u32 v39, v29;
	v29 =	vadd.s32 v5, v7;
	[tilespmem:s15+$0x11000] =	vst v46  }
0x6f: {  	s0 =	sadd.s32 $0x100, s2;
	s25 =	sadd.s32 $0x200, s1;
	s1 =	sshll.u32 s11, $0x5;
	v35 =	vor.u32 v39, v61;
	[tilespmem:s7+$0x0] =	vst v50;
	v44 =	vld.idx.msk [tilespmem:v26+s4+$0x0], $0xffff;
	v45 =	vor.u32 v12, v29  }
0x70: {  	s11 =	sor.u32 $0x380, s9;
	s26 =	sadd.s32 $0x300, s1;
	s1 =	simm.s32 $0x4;
	v28 =	vor.u32 v39, v28;
	v63 =	vadd.s32 v10, v34;
	[tilespmem:s28+$0x200] =	vst v49;
	v29 =	vand.u32 $0x7F, v47;
	v46 =	vld.idx.msk [tilespmem:v36+s4+$0x0], $0xffff  }
0x71: {  	s9 =	simm.s32 $0xA0;
	s14 =	sand.u32 $0x3, s1;
	s13 =	simm.s32 $0x8;
	v26 =	vadd.s32 v2, v34;
	v36 =	vor.u32 v39, v62;
	v40 =	vor.u32 v29, v63;
	v47 =	vld.idx.msk [tilespmem:v51+s4+$0x0], $0xffff  }
.LBB2_4:
0x72: {  	s15 =	sand.u32 $0x780, s9;
	s12 =	sand.u32 $0x60, s9;
	s14 =	sshll.u32 s14, $0x5;
	v48 =	vld.idx.msk [tilespmem:v38+s4+$0x0], $0xffff;
	[tilespmem:s29+$0x200] =	vst v41;
	v39 =	vmov v13;
	v13 =	vmov v36  }
0x73: {  	v36 =	vor.u32 v9, v15;
	v15 =	vmovc v21;
	s15 =	sadd.s32 s15, s22;
	s8 =	sor.u32 $0x10, s12;
	s2 =	sadd.s32 s14, s31;
	[tilespmem:s23+$0x100] =	vst v42;
	v41 =	vld.idx.msk [tilespmem:v22+s4+$0x0], $0xffff;
	v22 =	vmov v18;
	v18 =	vmov v35  }
0x74: {  	s13 =	sadd.s32 $0x2, s13;
	v35 =	vadd.s32 v1, v8;
	v8 =	vmovc v7;
	v7 =	vmov v14;
	v14 =	vmov v34;
	s14 =	sadd.s32 s12, s15;
	s15 =	sadd.s32 s8, s15;
	v21 =	vld.idx.msk [tilespmem:v45+s4+$0x0], $0xffff;
	[tilespmem:s24+$0x100] =	vst v43  }
0x75: {  	p0 =	slt.u32 s13, $0x7E;
	v34 =	vshll.u32 v33, $0x3;
	v38 =	vadd.s32 v4, v8;
	v50 =	vor.u32 v9, v35;
	v9 =	vmovc v12;
	v49 =	vld [tilespmem:s14+$0x0];
	[tilespmem:s11+$0x11000] =	vst v44;
	s14 =	smov.u32 s3;
	s3 =	smov.u32 s12  }
0x76: {  	v34 =	vand.u32 $0xFFFFFC00, v34;
	v35 =	vadd.s32 v6, v7;
	v42 =	vor.u32 v9, v38;
	v43 =	vld.idx.msk [tilespmem:v25+s4+$0x0], $0xffff;
	[tilespmem:s16+$0x11000] =	vst v46;
	s16 =	smov.u32 s25;
	s25 =	smov.u32 s26;
	s26 =	smov.u32 s2  }
0x77: {  	v38 =	vadd.s32 v10, v34;
	v44 =	vadd.s32 v11, v34;
	v46 =	vand.u32 $0x7F, v33;
	s2 =	sor.u32 s30, s10;
	v25 =	vmovc v31;
	s30 =	smov.u32 s5;
	s5 =	smov.u32 s8;
	v33 =	vld [tilespmem:s15+$0x0];
	[tilespmem:s28+$0x280] =	vst v47  }
0x78: {  	v12 =	vmov v19;
	v31 =	vadd.s32 v11, v14;
	v45 =	vor.u32 v46, v38;
	s28 =	smov.u32 s23;
	s23 =	smov.u32 s7;
	[tilespmem:s2+$0x0] =	vst v37;
	v36 =	vld.idx.msk [tilespmem:v36+s4+$0x0], $0xffff  }
0x79: {  	v19 =	vmov v29;
	v38 =	vor.u32 v29, v31;
	v47 =	vld.idx.msk [tilespmem:v32+s4+$0x0], $0xffff;
	v32 =	vor.u32 v46, v44;
	[tilespmem:s29+$0x280] =	vst v41;
	s29 =	smov.u32 s24;
	s24 =	smov.u32 s2  }
0x7a: {  	v29 =	vadd.s32 v6, v34;
	v44 =	vor.u32 v12, v35;
	[tilespmem:s28+$0x180] =	vst v21;
	v51 =	vld.idx.msk [tilespmem:v20+s4+$0x0], $0xffff;
	v20 =	vmov v17  }
0x7b: {  	v29 =	vor.u32 v46, v29;
	v35 =	vadd.s32 v5, v34;
	v17 =	vmov v27;
	[tilespmem:s23+$0x80] =	vst v48;
	v48 =	vld.idx.msk [tilespmem:v42+s4+$0x0], $0xffff  }
0x7c: {  	v31 =	vor.u32 v46, v35;
	v27 =	vadd.s32 v4, v34;
	v21 =	vmov v24;
	v52 =	vld.idx.msk [tilespmem:v40+s4+$0x0], $0xffff;
	[tilespmem:s29+$0x180] =	vst v43  }
0x7d: {  	s8 =	sadd.s32 $0x10, s0;
	s2 =	sor.u32 $0x300, s0;
	v24 =	vor.u32 v46, v27;
	v27 =	vadd.s32 v3, v34;
	v40 =	vadd.s32 v3, v8;
	v37 =	vld.idx.msk [tilespmem:v45+s4+$0x0], $0xffff  }
0x7e: {  	v35 =	vor.u32 v46, v27;
	v53 =	vor.u32 v9, v40;
	v41 =	vld.idx.msk [tilespmem:v23+s4+$0x0], $0xffff;
	[tilespmem:s2+$0x11000] =	vst v36;
	s2 =	sor.u32 $0x300, s8;
	v23 =	vmov v28  }
.Ltmp5:
0x7f: {  	v27 =	vshll.u32 v49, $0x3;
	v28 =	vadd.s32 v2, v34;
	v36 =	vadd.s32 v1, v34;
	v42 =	vld.idx.msk [tilespmem:v44+s4+$0x0], $0xffff;
	[tilespmem:s24+$0x80] =	vst v47;
	(pc) =	sbr.rel @p0 .LBB2_4-.Ltmp5, $4  }
0x80: {  	s7 =	sand.u32 $0x3C00, s31;
	v34 =	vand.u32 $0xFFFFFC00, v27;
	v27 =	vor.u32 v46, v28;
	v47 =	vadd.s32 v5, v7;
	v43 =	vld.idx.msk [tilespmem:v30+s4+$0x0], $0xffff;
	[tilespmem:s2+$0x11000] =	vst v51  }
0x81: {  	s11 =	sor.u32 $0x380, s0;
	s10 =	sadd.s32 $0x11000, s7;
	s0 =	smov.u32 s16;
	v40 =	vadd.s32 v10, v34;
	v45 =	vor.u32 v12, v47;
	v30 =	vmov v29;
	[tilespmem:s28+$0x200] =	vst v48;
	v44 =	vld.idx.msk [tilespmem:v50+s4+$0x0], $0xffff  }
0x82: {  	s1 =	sadd.s32 $0x1, s1;
	s7 =	sor.u32 s14, s10;
	s16 =	sor.u32 $0x380, s8;
	v36 =	vor.u32 v46, v36;
	v29 =	vand.u32 $0x7F, v49;
	v48 =	vadd.s32 v2, v34;
	v28 =	vmovc v24;
	v46 =	vld.idx.msk [tilespmem:v16+s4+$0x0], $0xffff  }
0x83: {  	s9 =	sadd.s32 $0x20, s9;
	s31 =	sadd.s32 $0x100, s31;
	s14 =	sand.u32 $0x3, s1;
	v40 =	vor.u32 v29, v40;
	v24 =	vmovc v26;
	v26 =	vmov v48;
	v16 =	vmov v39;
	[tilespmem:s7+$0x0] =	vst v52;
	v47 =	vld.idx.msk [tilespmem:v53+s4+$0x0], $0xffff  }
0x84: {  	v39 =	vshll.u32 v33, $0x3  }
0x85: {  	v39 =	vand.u32 $0xFFFFFC00, v39  }
0x86: {  	v33 =	vand.u32 $0x7F, v33;
	v10 =	vadd.s32 v10, v39  }
0x87: {  	v10 =	vor.u32 v33, v10  }
0x88: {  	[tilespmem:s29+$0x200] =	vst v41  }
0x89: {  	[tilespmem:s23+$0x100] =	vst v42;
	v40 =	vld.idx.msk [tilespmem:v40+s4+$0x0], $0xffff  }
0x8a: {  	v38 =	vld.idx.msk [tilespmem:v38+s4+$0x0], $0xffff;
	[tilespmem:s24+$0x100] =	vst v43  }
0x8b: {  	s1 =	sor.u32 s30, s10;
	v15 =	vor.u32 v9, v15;
	v22 =	vld.idx.msk [tilespmem:v22+s4+$0x0], $0xffff;
	[tilespmem:s11+$0x11000] =	vst v44;
	v44 =	vadd.s32 v11, v34  }
0x8c: {  	s2 =	sand.u32 $0x3C00, s31;
	[tilespmem:s1+$0x0] =	vst v37;
	v48 =	vadd.s32 v11, v39;
	v41 =	vor.u32 v29, v44;
	v10 =	vld.idx.msk [tilespmem:v10+s4+$0x0], $0xffff  }
0x8d: {  	v49 =	vadd.s32 v6, v14;
	v42 =	vld.idx.msk [tilespmem:v45+s4+$0x0], $0xffff;
	s2 =	sadd.s32 $0x11000, s2;
	[tilespmem:s16+$0x11000] =	vst v46;
	v11 =	vor.u32 v33, v48  }
0x8e: {  	v51 =	vor.u32 v19, v49;
	v25 =	vld.idx.msk [tilespmem:v25+s4+$0x0], $0xffff;
	s9 =	sor.u32 s3, s2;
	[tilespmem:s28+$0x280] =	vst v47  }
0x8f: {  	v50 =	vld.idx.msk [tilespmem:v32+s4+$0x0], $0xffff;
	[tilespmem:s9+$0x0] =	vst v40  }
0x90: {  	v56 =	vadd.s32 v4, v7;
	s15 =	sor.u32 s5, s2;
	v15 =	vld.idx.msk [tilespmem:v15+s4+$0x0], $0xffff;
	[tilespmem:s7+$0x80] =	vst v38  }
0x91: {  	v53 =	vadd.s32 v6, v34;
	v57 =	vor.u32 v12, v56;
	v52 =	vld.idx.msk [tilespmem:v41+s4+$0x0], $0xffff;
	[tilespmem:s15+$0x0] =	vst v10  }
0x92: {  	v55 =	vor.u32 v29, v53;
	v54 =	vadd.s32 v6, v39;
	[tilespmem:s29+$0x280] =	vst v22;
	v10 =	vld.idx.msk [tilespmem:v11+s4+$0x0], $0xffff  }
0x93: {  	v6 =	vor.u32 v33, v54;
	[tilespmem:s23+$0x180] =	vst v42;
	v58 =	vld.idx.msk [tilespmem:v51+s4+$0x0], $0xffff  }
0x94: {  	v59 =	vadd.s32 v5, v14;
	v20 =	vld.idx.msk [tilespmem:v20+s4+$0x0], $0xffff;
	[tilespmem:s1+$0x80] =	vst v50  }
0x95: {  	v22 =	vor.u32 v19, v59;
	[tilespmem:s24+$0x180] =	vst v25;
	v30 =	vld.idx.msk [tilespmem:v30+s4+$0x0], $0xffff  }
0x96: {  	v8 =	vadd.s32 v1, v8;
	v62 =	vld.idx.msk [tilespmem:v57+s4+$0x0], $0xffff;
	[tilespmem:s9+$0x80] =	vst v52  }
0x97: {  	v60 =	vadd.s32 v5, v34;
	v8 =	vor.u32 v9, v8;
	s16 =	sor.u32 $0x300, s0;
	v11 =	vld.idx.msk [tilespmem:v55+s4+$0x0], $0xffff;
	[tilespmem:s15+$0x80] =	vst v10  }
0x98: {  	v61 =	vadd.s32 v5, v39;
	[tilespmem:s16+$0x11000] =	vst v15;
	v10 =	vor.u32 v29, v60;
	v6 =	vld.idx.msk [tilespmem:v6+s4+$0x0], $0xffff  }
0x99: {  	s22 =	sadd.s32 $0x10, s0;
	v5 =	vor.u32 v33, v61;
	v63 =	vld.idx.msk [tilespmem:v23+s4+$0x0], $0xffff;
	[tilespmem:s7+$0x100] =	vst v58  }
0x9a: {  	s28 =	sor.u32 $0x300, s22;
	v25 =	vld.idx.msk [tilespmem:v22+s4+$0x0], $0xffff;
	[tilespmem:s1+$0x100] =	vst v30;
	v30 =	vadd.s32 v4, v14  }
0x9b: {  	[tilespmem:s28+$0x11000] =	vst v20;
	v22 =	vor.u32 v19, v30;
	v31 =	vld.idx.msk [tilespmem:v31+s4+$0x0], $0xffff  }
0x9c: {  	v8 =	vld.idx.msk [tilespmem:v8+s4+$0x0], $0xffff;
	[tilespmem:s9+$0x100] =	vst v11  }
0x9d: {  	v32 =	vadd.s32 v4, v34;
	v10 =	vld.idx.msk [tilespmem:v10+s4+$0x0], $0xffff;
	[tilespmem:s15+$0x100] =	vst v6  }
0x9e: {  	v37 =	vadd.s32 v4, v39;
	[tilespmem:s23+$0x200] =	vst v62;
	v6 =	vor.u32 v29, v32;
	v5 =	vld.idx.msk [tilespmem:v5+s4+$0x0], $0xffff  }
0x9f: {  	v4 =	vor.u32 v33, v37;
	v41 =	vld.idx.msk [tilespmem:v16+s4+$0x0], $0xffff;
	[tilespmem:s7+$0x180] =	vst v25  }
0xa0: {  	v43 =	vadd.s32 v3, v14;
	v42 =	vld.idx.msk [tilespmem:v22+s4+$0x0], $0xffff;
	[tilespmem:s1+$0x180] =	vst v31  }
0xa1: {  	[tilespmem:s24+$0x200] =	vst v63;
	v16 =	vor.u32 v19, v43;
	v44 =	vld.idx.msk [tilespmem:v28+s4+$0x0], $0xffff  }
0xa2: {  	v38 =	vadd.s32 v3, v7;
	[tilespmem:s9+$0x180] =	vst v10  }
0xa3: {  	v45 =	vadd.s32 v3, v34;
	v40 =	vor.u32 v12, v38;
	s29 =	sor.u32 $0x380, s0;
	v6 =	vld.idx.msk [tilespmem:v6+s4+$0x0], $0xffff;
	[tilespmem:s15+$0x180] =	vst v5  }
0xa4: {  	v3 =	vadd.s32 v3, v39;
	[tilespmem:s29+$0x11000] =	vst v8;
	v5 =	vor.u32 v29, v45;
	v4 =	vld.idx.msk [tilespmem:v4+s4+$0x0], $0xffff  }
0xa5: {  	v3 =	vor.u32 v33, v3;
	v48 =	vld.idx.msk [tilespmem:v18+s4+$0x0], $0xffff;
	[tilespmem:s7+$0x200] =	vst v42  }
0xa6: {  	s30 =	sor.u32 $0x380, s22;
	v49 =	vld.idx.msk [tilespmem:v16+s4+$0x0], $0xffff;
	[tilespmem:s1+$0x200] =	vst v44  }
0xa7: {  	v50 =	vor.u32 v19, v24;
	[tilespmem:s30+$0x11000] =	vst v41;
	v51 =	vld.idx.msk [tilespmem:v35+s4+$0x0], $0xffff  }
0xa8: {  	v46 =	vld.idx.msk [tilespmem:v40+s4+$0x0], $0xffff;
	[tilespmem:s9+$0x200] =	vst v6  }
0xa9: {  	v47 =	vor.u32 v12, v21;
	v5 =	vld.idx.msk [tilespmem:v5+s4+$0x0], $0xffff;
	[tilespmem:s15+$0x200] =	vst v4  }
0xaa: {  	v2 =	vadd.s32 v2, v39;
	v52 =	vor.u32 v29, v26;
	[tilespmem:s24+$0x280] =	vst v48;
	v3 =	vld.idx.msk [tilespmem:v3+s4+$0x0], $0xffff  }
0xab: {  	v2 =	vor.u32 v33, v2;
	v55 =	vld.idx.msk [tilespmem:v17+s4+$0x0], $0xffff;
	[tilespmem:s7+$0x280] =	vst v49  }
0xac: {  	v56 =	vadd.s32 v1, v14;
	v57 =	vld.idx.msk [tilespmem:v50+s4+$0x0], $0xffff;
	[tilespmem:s1+$0x280] =	vst v51  }
0xad: {  	v9 =	vor.u32 v19, v56;
	[tilespmem:s23+$0x280] =	vst v46;
	v58 =	vld.idx.msk [tilespmem:v27+s4+$0x0], $0xffff  }
0xae: {  	v53 =	vadd.s32 v1, v7;
	v54 =	vld.idx.msk [tilespmem:v47+s4+$0x0], $0xffff;
	s7 =	sadd.s32 $0x10, s25;
	[tilespmem:s9+$0x280] =	vst v5  }
0xaf: {  	v59 =	vadd.s32 v1, v34;
	s8 =	sor.u32 $0x300, s7;
	v6 =	vor.u32 v12, v53;
	v4 =	vld.idx.msk [tilespmem:v52+s4+$0x0], $0xffff;
	[tilespmem:s15+$0x280] =	vst v3  }
0xb0: {  	s10 =	sor.u32 $0x300, s26;
	s11 =	sadd.s32 $0x10, s26;
	v1 =	vadd.s32 v1, v39;
	[tilespmem:s8+$0x11000] =	vst v55;
	v3 =	vor.u32 v29, v59;
	v2 =	vld.idx.msk [tilespmem:v2+s4+$0x0], $0xffff  }
0xb1: {  	s12 =	sor.u32 $0x300, s11;
	v1 =	vor.u32 v33, v1;
	v61 =	vld.idx.msk [tilespmem:v13+s4+$0x0], $0xffff;
	[tilespmem:s10+$0x11000] =	vst v57;
	s9 =	sshll.u32 s14, $0x5  }
0xb2: {  	s5 =	sor.u32 $0x300, s25;
	[tilespmem:s12+$0x11000] =	vst v58;
	v62 =	vld.idx.msk [tilespmem:v9+s4+$0x0], $0xffff;
	s2 =	sadd.s32 s9, s31  }
0xb3: {  	[tilespmem:s5+$0x11000] =	vst v54;
	v63 =	vld.idx.msk [tilespmem:v36+s4+$0x0], $0xffff;
	s13 =	sor.u32 $0x300, s2;
	s14 =	sadd.s32 $0x10, s2  }
0xb4: {  	v60 =	vld.idx.msk [tilespmem:v6+s4+$0x0], $0xffff;
	s15 =	sor.u32 $0x300, s14;
	[tilespmem:s13+$0x11000] =	vst v4  }
0xb5: {  	s22 =	sor.u32 $0x380, s7;
	[tilespmem:s15+$0x11000] =	vst v2;
	v2 =	vld.idx.msk [tilespmem:v3+s4+$0x0], $0xffff  }
0xb6: {  	s23 =	sor.u32 $0x380, s26;
	[tilespmem:s22+$0x11000] =	vst v61;
	v1 =	vld.idx.msk [tilespmem:v1+s4+$0x0], $0xffff  }
0xb7: {  	p0 =	seq.s32 s21, $0x0;
	s24 =	sor.u32 $0x380, s11;
	[tilespmem:s23+$0x11000] =	vst v62  }
0xb8: {  	s16 =	sor.u32 $0x380, s25;
	s28 =	sshll.u32 s18, $0xF;
	s25 =	sshll.u32 s20, $0xC;
	[tilespmem:s24+$0x11000] =	vst v63  }
.Ltmp6:
0xb9: {  	s0 =	sadd.s32 s6, s25;
	s26 =	sor.u32 $0x380, s2;
	[tilespmem:s16+$0x11000] =	vst v60;
	(pc) =	sbr.rel @p0 .LBB2_9-.Ltmp6, $4  }
0xba: {  	s0 =	sadd.s32 s28, s0;
	s29 =	sor.u32 $0x380, s14;
	[tilespmem:s26+$0x11000] =	vst v2  }
0xbb: {  	s30 =	simm.s32 $0x11000;
	s0 =	sadd.s32 s19, s0;
	[tilespmem:s29+$0x11000] =	vst v1  }
0xbc: {  	[hbm4b:s0+s4] =	stream.linear.scatter [tilespmem:s30], [sflag:$0x1], $0x4000, $0x38;
	[tilespmem:$0x19000] =	vst v63  }
0xbd: {  	s31 =	smov.u32 s6;
	s6 =	rddreg [dreg:$0x5]  }
.LBB2_6:
0xbe: {  	p0 =	slt.u32 s17, $0x2  }
0xbf: {  	s0 =	simm.s32 $0x0;
	s1 =	simm.s32 @!p0 $0x2  }
0xc0: {  	s21 =	sor.u32 $0x10000, s19;
	s2 =	sand.u32 $0x780, s0;
	_ =	swait.ge @!p0 [sflag:s1], $0x4000  }
0xc1: {  	s3 =	sand.u32 $0x60, s0;
	s2 =	sadd.s32 s2, s21;
	[sflag:s1] =	ssyncset.done @!p0 $0x0  }
0xc2: {  	s26 =	sor.u32 $0x10, s3;
	s5 =	sadd.s32 s3, s2;
	[sflag:s1] =	ssyncadd.s32 @!p0 $0xFFFFC000  }
0xc3: {  	s2 =	sadd.s32 s26, s2;
	v1 =	vld [tilespmem:s5+$0x0]  }
0xc4: {  	s8 =	sshll.u32 s20, $0x3;
	v3 =	vld [tilespmem:s2+$0x0]  }
0xc5: {  	v2 =	vmov s8  }
0xc6: {  	v2 =	vshrl.u32 v2, $0x3  }
0xc7: {  	v7 =	vshll.u32 v2, v0  }
0xc8: {  	v10 =	vbroadcast v7, $0x0;
	v2 =	vshll.u32 v1, $0x3  }
0xc9: {  	v26 =	vand.u32 $0x7F, v1;
	v1 =	vshll.u32 v3, $0x3;
	v27 =	vand.u32 $0xFFFFFC00, v2  }
0xca: {  	s9 =	simm.s32 $0x20;
	v14 =	vand.u32 $0x7F, v3;
	v12 =	vand.u32 $0xFFFFFC00, v1;
	v2 =	vadd.s32 v10, v27  }
0xcb: {  	s10 =	sand.u32 $0x780, s9;
	v1 =	vor.u32 $0x80, v7;
	v3 =	vadd.s32 v10, v12;
	v2 =	vor.u32 v26, v2  }
0xcc: {  	s9 =	sand.u32 $0x60, s9;
	s11 =	sadd.s32 s10, s21;
	v11 =	vbroadcast v1, $0x0;
	v1 =	vor.u32 $0x100, v7;
	v8 =	vor.u32 v14, v3  }
0xcd: {  	s12 =	sor.u32 $0x10, s9;
	s5 =	sadd.s32 s9, s11;
	v6 =	vbroadcast v1, $0x0;
	v1 =	vor.u32 $0x180, v7;
	v3 =	vor.u32 $0x200, v7  }
0xce: {  	s2 =	sadd.s32 s12, s11;
	v9 =	vld [tilespmem:s5+$0x0];
	v5 =	vbroadcast v1, $0x0;
	v4 =	vbroadcast v3, $0x0;
	v1 =	vor.u32 $0x280, v7  }
0xcf: {  	v18 =	vld [tilespmem:s2+$0x0];
	v3 =	vor.u32 $0x300, v7;
	v13 =	vadd.s32 v11, v27;
	v7 =	vor.u32 $0x380, v7  }
0xd0: {  	v16 =	vor.u32 v26, v13;
	v15 =	vld.idx.msk [tilespmem:v2+s4+$0x0], $0xffff;
	v2 =	vbroadcast v3, $0x0;
	v3 =	vbroadcast v1, $0x0  }
0xd1: {  	v1 =	vbroadcast v7, $0x0;
	v7 =	vadd.s32 v11, v12;
	v17 =	vld.idx.msk [tilespmem:v8+s4+$0x0], $0xffff;
	v8 =	vadd.s32 v6, v12  }
0xd2: {  	s7 =	sand.u32 $0x3C00, s0;
	v7 =	vor.u32 v14, v7;
	v20 =	vor.u32 v14, v8;
	v8 =	vadd.s32 v5, v12  }
0xd3: {  	s8 =	sadd.s32 $0x15000, s7;
	v23 =	vor.u32 v14, v8;
	v8 =	vshll.u32 v9, $0x3  }
0xd4: {  	s14 =	simm.s32 $0x40;
	s7 =	sor.u32 s3, s8;
	v22 =	vshll.u32 v18, $0x3;
	v19 =	vadd.s32 v4, v12;
	v8 =	vand.u32 $0xFFFFFC00, v8  }
0xd5: {  	s15 =	sand.u32 $0x780, s14;
	s13 =	sor.u32 s26, s8;
	v24 =	vor.u32 v14, v19;
	v19 =	vadd.s32 v6, v27;
	v21 =	vadd.s32 v10, v8;
	[tilespmem:s7+$0x0] =	vst v15  }
0xd6: {  	s16 =	sand.u32 $0x60, s14;
	s2 =	sadd.s32 s15, s21;
	v9 =	vand.u32 $0x7F, v9;
	v15 =	vadd.s32 v3, v12;
	[tilespmem:s13+$0x0] =	vst v17;
	v17 =	vor.u32 v26, v19;
	v16 =	vld.idx.msk [tilespmem:v16+s4+$0x0], $0xffff  }
0xd7: {  	s1 =	sadd.s32 s16, s2;
	v19 =	vor.u32 v14, v15;
	v15 =	vadd.s32 v2, v12;
	v7 =	vld.idx.msk [tilespmem:v7+s4+$0x0], $0xffff;
	v12 =	vadd.s32 v1, v12  }
0xd8: {  	v21 =	vor.u32 v9, v21;
	v28 =	vor.u32 v14, v15;
	v36 =	vor.u32 v14, v12;
	v14 =	vld [tilespmem:s1+$0x0];
	s1 =	sor.u32 $0x10, s16  }
0xd9: {  	v18 =	vand.u32 $0x7F, v18;
	v12 =	vand.u32 $0xFFFFFC00, v22;
	s2 =	sadd.s32 s1, s2  }
0xda: {  	v13 =	vadd.s32 v2, v27;
	v22 =	vadd.s32 v10, v12;
	v25 =	vadd.s32 v11, v12;
	v34 =	vld [tilespmem:s2+$0x0]  }
0xdb: {  	s22 =	simm.s32 $0x100;
	s24 =	simm.s32 $0x60;
	v29 =	vadd.s32 v6, v12;
	v37 =	vadd.s32 v1, v12;
	v30 =	vor.u32 v18, v22;
	[tilespmem:s7+$0x80] =	vst v16  }
0xdc: {  	s23 =	sand.u32 $0x3C00, s22;
	s25 =	sand.u32 $0x780, s24;
	s14 =	sand.u32 $0x60, s24;
	v22 =	vadd.s32 v5, v27;
	v25 =	vor.u32 v18, v25;
	v32 =	vor.u32 v18, v29;
	v17 =	vld.idx.msk [tilespmem:v17+s4+$0x0], $0xffff  }
0xdd: {  	s10 =	sadd.s32 s25, s21;
	s29 =	sor.u32 $0x10, s14;
	s2 =	sadd.s32 $0x15000, s23;
	v21 =	vld.idx.msk [tilespmem:v21+s4+$0x0], $0xffff;
	v31 =	vor.u32 v26, v22;
	v16 =	vadd.s32 v11, v8;
	[tilespmem:s13+$0x80] =	vst v7  }
0xde: {  	s8 =	sadd.s32 s29, s10;
	s11 =	simm.s32 $0x200;
	v22 =	vadd.s32 v3, v12;
	s26 =	sor.u32 s9, s2;
	v7 =	vadd.s32 v5, v12;
	v16 =	vor.u32 v9, v16;
	v33 =	vld.idx.msk [tilespmem:v20+s4+$0x0], $0xffff  }
0xdf: {  	v39 =	vld [tilespmem:s8+$0x0];
	s28 =	sor.u32 s12, s2;
	s2 =	sand.u32 $0x3C00, s11;
	s12 =	simm.s32 $0x80;
	v20 =	vadd.s32 v4, v12;
	v35 =	vor.u32 v18, v7;
	v38 =	vshll.u32 v34, $0x3  }
0xe0: {  	s9 =	sadd.s32 s14, s10;
	s2 =	sadd.s32 $0x15000, s2;
	s15 =	sand.u32 $0x780, s12;
	v7 =	vshll.u32 v14, $0x3;
	v29 =	vor.u32 v18, v20;
	v30 =	vld.idx.msk [tilespmem:v30+s4+$0x0], $0xffff;
	v38 =	vand.u32 $0xFFFFFC00, v38  }
0xe1: {  	v51 =	vld [tilespmem:s9+$0x0];
	s3 =	sand.u32 $0x60, s12;
	s22 =	sor.u32 s16, s2;
	s16 =	sadd.s32 s15, s21;
	v20 =	vadd.s32 v2, v12;
	v34 =	vand.u32 $0x7F, v34;
	v40 =	vadd.s32 v10, v38;
	[tilespmem:s7+$0x100] =	vst v17  }
0xe2: {  	v7 =	vand.u32 $0xFFFFFC00, v7;
	s23 =	sadd.s32 s3, s16;
	[tilespmem:s26+$0x0] =	vst v21;
	v21 =	vadd.s32 v4, v27;
	v40 =	vor.u32 v34, v40;
	v17 =	vld.idx.msk [tilespmem:v31+s4+$0x0], $0xffff  }
0xe3: {  	v12 =	vand.u32 $0x7F, v14;
	v47 =	vld [tilespmem:s23+$0x0];
	v50 =	vor.u32 v26, v21;
	[tilespmem:s13+$0x100] =	vst v33;
	v31 =	vadd.s32 v10, v7  }
0xe4: {  	v22 =	vor.u32 v18, v22;
	v20 =	vor.u32 v18, v20;
	v23 =	vld.idx.msk [tilespmem:v23+s4+$0x0], $0xffff;
	v31 =	vor.u32 v12, v31  }
0xe5: {  	v14 =	vld.idx.msk [tilespmem:v16+s4+$0x0], $0xffff;
	v16 =	vor.u32 v18, v37;
	v18 =	vadd.s32 v6, v8;
	[tilespmem:s28+$0x0] =	vst v30  }
0xe6: {  	v54 =	vor.u32 v26, v13;
	v56 =	vadd.s32 v4, v8;
	v18 =	vor.u32 v9, v18;
	v41 =	vld.idx.msk [tilespmem:v25+s4+$0x0], $0xffff  }
0xe7: {  	v15 =	vadd.s32 v2, v8;
	v40 =	vld.idx.msk [tilespmem:v40+s4+$0x0], $0xffff;
	[tilespmem:s7+$0x180] =	vst v17;
	v17 =	vadd.s32 v11, v38  }
0xe8: {  	v21 =	vadd.s32 v2, v7;
	v25 =	vadd.s32 v3, v27;
	v33 =	vld.idx.msk [tilespmem:v50+s4+$0x0], $0xffff;
	v42 =	vor.u32 v34, v17  }
0xe9: {  	v30 =	vadd.s32 v11, v7;
	[tilespmem:s13+$0x180] =	vst v23;
	v17 =	vld.idx.msk [tilespmem:v31+s4+$0x0], $0xffff;
	v31 =	vor.u32 v26, v25  }
0xea: {  	v53 =	vadd.s32 v2, v38;
	v30 =	vor.u32 v12, v30;
	[tilespmem:s26+$0x80] =	vst v14;
	v24 =	vld.idx.msk [tilespmem:v24+s4+$0x0], $0xffff  }
0xeb: {  	s23 =	sor.u32 s1, s2;
	v14 =	vadd.s32 v5, v8;
	v23 =	vadd.s32 v6, v38;
	v44 =	vld.idx.msk [tilespmem:v18+s4+$0x0], $0xffff;
	[tilespmem:s28+$0x80] =	vst v41  }
0xec: {  	v18 =	vadd.s32 v4, v38;
	v52 =	vor.u32 v9, v14;
	v32 =	vld.idx.msk [tilespmem:v32+s4+$0x0], $0xffff;
	[tilespmem:s23+$0x0] =	vst v40  }
0xed: {  	v14 =	vadd.s32 v3, v38;
	v43 =	vor.u32 v34, v23;
	[tilespmem:s7+$0x200] =	vst v33;
	v42 =	vld.idx.msk [tilespmem:v42+s4+$0x0], $0xffff  }
0xee: {  	v23 =	vor.u32 v34, v18;
	v18 =	vor.u32 v34, v14;
	v14 =	vshll.u32 v51, $0x3;
	[tilespmem:s22+$0x0] =	vst v17;
	v31 =	vld.idx.msk [tilespmem:v31+s4+$0x0], $0xffff  }
0xef: {  	v27 =	vadd.s32 v1, v27;
	v25 =	vadd.s32 v5, v38;
	v14 =	vand.u32 $0xFFFFFC00, v14;
	[tilespmem:s13+$0x200] =	vst v24;
	v45 =	vld.idx.msk [tilespmem:v30+s4+$0x0], $0xffff  }
0xf0: {  	s5 =	sor.u32 $0x10, s3;
	v38 =	vadd.s32 v1, v38;
	[tilespmem:s26+$0x100] =	vst v44;
	v30 =	vadd.s32 v10, v14;
	v46 =	vld.idx.msk [tilespmem:v19+s4+$0x0], $0xffff;
	v19 =	vand.u32 $0x7F, v51  }
0xf1: {  	s8 =	sadd.s32 s5, s16;
	v26 =	vor.u32 v26, v27;
	v55 =	vld.idx.msk [tilespmem:v52+s4+$0x0], $0xffff;
	v37 =	vor.u32 v19, v30;
	v30 =	vshll.u32 v39, $0x3  }
0xf2: {  	v25 =	vor.u32 v34, v25;
	v13 =	vor.u32 v34, v38;
	v33 =	vld [tilespmem:s8+$0x0];
	[tilespmem:s28+$0x100] =	vst v32;
	v48 =	vand.u32 $0xFFFFFC00, v30  }
0xf3: {  	v39 =	vand.u32 $0x7F, v39;
	v30 =	vor.u32 v9, v56;
	v35 =	vld.idx.msk [tilespmem:v35+s4+$0x0], $0xffff;
	v27 =	vadd.s32 v10, v48;
	[tilespmem:s23+$0x80] =	vst v42  }
0xf4: {  	v59 =	vadd.s32 v11, v14;
	v27 =	vor.u32 v39, v27;
	[tilespmem:s7+$0x280] =	vst v31;
	v43 =	vld.idx.msk [tilespmem:v43+s4+$0x0], $0xffff  }
0xf5: {  	v17 =	vor.u32 v34, v53;
	v24 =	vadd.s32 v2, v14;
	[tilespmem:s13+$0x280] =	vst v46;
	v57 =	vld.idx.msk [tilespmem:v54+s4+$0x0], $0xffff  }
0xf6: {  	s0 =	sand.u32 $0x3, s0;
	s24 =	simm.s32 $0x1;
	s25 =	simm.s32 $0x2;
	v38 =	vor.u32 v19, v59;
	v58 =	vadd.s32 v11, v48;
	v31 =	vadd.s32 v6, v7;
	v46 =	vld.idx.msk [tilespmem:v28+s4+$0x0], $0xffff  }
0xf7: {  	s0 =	sshll.u32 s0, $0x5;
	s10 =	simm.s32 $0x3;
	s9 =	sand.u32 $0x3, s25;
	v61 =	vadd.s32 v3, v48;
	[tilespmem:s26+$0x180] =	vst v55;
	v60 =	vor.u32 v12, v31;
	v50 =	vld.idx.msk [tilespmem:v37+s4+$0x0], $0xffff  }
0xf8: {  	s11 =	sand.u32 $0x3, s10;
	s12 =	simm.s32 $0x300;
	s1 =	sand.u32 $0x3, s24;
	v62 =	vadd.s32 v1, v48;
	v32 =	vor.u32 v39, v58;
	[tilespmem:s22+$0x80] =	vst v45;
	v49 =	vld.idx.msk [tilespmem:v30+s4+$0x0], $0xffff  }
0xf9: {  	s2 =	sand.u32 $0x3C00, s12;
	s8 =	sshll.u32 s1, $0x5;
	s7 =	sadd.s32 $0x0, s0;
	v28 =	vadd.s32 v6, v48;
	v31 =	vadd.s32 v5, v48;
	v37 =	vld.idx.msk [tilespmem:v27+s4+$0x0], $0xffff;
	v27 =	vadd.s32 v3, v8  }
0xfa: {  	s1 =	sshll.u32 s9, $0x5;
	s13 =	sor.u32 $0x300, s7;
	s15 =	sadd.s32 $0x10, s7;
	v30 =	vor.u32 v39, v28;
	v31 =	vor.u32 v39, v31;
	[tilespmem:s28+$0x180] =	vst v35;
	v51 =	vor.u32 v9, v27  }
0xfb: {  	s10 =	sadd.s32 $0x15000, s2;
	s24 =	sadd.s32 $0x200, s1;
	v28 =	vadd.s32 v4, v48;
	s16 =	sor.u32 $0x300, s15;
	v41 =	vld.idx.msk [tilespmem:v29+s4+$0x0], $0xffff;
	v29 =	vadd.s32 v2, v48;
	v27 =	vshll.u32 v47, $0x3;
	[tilespmem:s13+$0x15000] =	vst v57  }
0xfc: {  	s1 =	sshll.u32 s11, $0x5;
	s11 =	sor.u32 $0x380, s7;
	s7 =	sor.u32 s14, s10;
	v42 =	vld.idx.msk [tilespmem:v60+s4+$0x0], $0xffff;
	v34 =	vand.u32 $0xFFFFFC00, v27;
	v27 =	vor.u32 v39, v29;
	v29 =	vadd.s32 v5, v7;
	[tilespmem:s16+$0x15000] =	vst v46  }
0xfd: {  	s30 =	simm.s32 $0x400;
	s9 =	simm.s32 $0xA0;
	v35 =	vor.u32 v39, v61;
	[tilespmem:s7+$0x0] =	vst v50;
	v44 =	vld.idx.msk [tilespmem:v26+s4+$0x0], $0xffff;
	v45 =	vor.u32 v12, v29  }
0xfe: {  	s25 =	sadd.s32 $0x300, s1;
	s1 =	simm.s32 $0x4;
	s0 =	sadd.s32 $0x100, s8;
	v28 =	vor.u32 v39, v28;
	v63 =	vadd.s32 v10, v34;
	[tilespmem:s26+$0x200] =	vst v49;
	v29 =	vand.u32 $0x7F, v47;
	v46 =	vld.idx.msk [tilespmem:v36+s4+$0x0], $0xffff  }
0xff: {  	s14 =	sand.u32 $0x3, s1;
	s13 =	simm.s32 $0x8;
	s16 =	sor.u32 $0x380, s15;
	v26 =	vadd.s32 v2, v34;
	v36 =	vor.u32 v39, v62;
	v40 =	vor.u32 v29, v63;
	v47 =	vld.idx.msk [tilespmem:v51+s4+$0x0], $0xffff  }
.LBB2_7:
0x100: {  	s2 =	sand.u32 $0x780, s9;
	s8 =	sand.u32 $0x60, s9;
	s12 =	sshll.u32 s14, $0x5;
	v48 =	vld.idx.msk [tilespmem:v38+s4+$0x0], $0xffff;
	[tilespmem:s28+$0x200] =	vst v41;
	v39 =	vmov v13;
	v13 =	vmov v36  }
0x101: {  	v36 =	vor.u32 v9, v15;
	v15 =	vmovc v21;
	s2 =	sadd.s32 s2, s21;
	s15 =	sor.u32 $0x10, s8;
	s12 =	sadd.s32 s12, s30;
	[tilespmem:s22+$0x100] =	vst v42;
	v41 =	vld.idx.msk [tilespmem:v22+s4+$0x0], $0xffff;
	v22 =	vmov v18;
	v18 =	vmov v35  }
0x102: {  	s13 =	sadd.s32 $0x2, s13;
	v35 =	vadd.s32 v1, v8;
	v8 =	vmovc v7;
	v7 =	vmov v14;
	v14 =	vmov v34;
	s14 =	sadd.s32 s8, s2;
	s2 =	sadd.s32 s15, s2;
	v21 =	vld.idx.msk [tilespmem:v45+s4+$0x0], $0xffff;
	[tilespmem:s23+$0x100] =	vst v43  }
0x103: {  	p0 =	slt.u32 s13, $0x7E;
	v34 =	vshll.u32 v33, $0x3;
	v38 =	vadd.s32 v4, v8;
	v50 =	vor.u32 v9, v35;
	v9 =	vmovc v12;
	v49 =	vld [tilespmem:s14+$0x0];
	[tilespmem:s11+$0x15000] =	vst v44;
	s14 =	smov.u32 s3;
	s3 =	smov.u32 s8  }
0x104: {  	v34 =	vand.u32 $0xFFFFFC00, v34;
	v35 =	vadd.s32 v6, v7;
	v42 =	vor.u32 v9, v38;
	v43 =	vld.idx.msk [tilespmem:v25+s4+$0x0], $0xffff;
	[tilespmem:s16+$0x15000] =	vst v46;
	s16 =	smov.u32 s24;
	s24 =	smov.u32 s25;
	s25 =	smov.u32 s12  }
0x105: {  	v38 =	vadd.s32 v10, v34;
	v44 =	vadd.s32 v11, v34;
	v46 =	vand.u32 $0x7F, v33;
	v25 =	vmovc v31;
	v33 =	vld [tilespmem:s2+$0x0];
	s2 =	sor.u32 s29, s10;
	[tilespmem:s26+$0x280] =	vst v47;
	s29 =	smov.u32 s5;
	s5 =	smov.u32 s15  }
0x106: {  	v12 =	vmov v19;
	v31 =	vadd.s32 v11, v14;
	v45 =	vor.u32 v46, v38;
	s26 =	smov.u32 s22;
	s22 =	smov.u32 s7;
	[tilespmem:s2+$0x0] =	vst v37;
	v36 =	vld.idx.msk [tilespmem:v36+s4+$0x0], $0xffff  }
0x107: {  	v19 =	vmov v29;
	v38 =	vor.u32 v29, v31;
	v47 =	vld.idx.msk [tilespmem:v32+s4+$0x0], $0xffff;
	v32 =	vor.u32 v46, v44;
	[tilespmem:s28+$0x280] =	vst v41;
	s28 =	smov.u32 s23;
	s23 =	smov.u32 s2  }
0x108: {  	v29 =	vadd.s32 v6, v34;
	v44 =	vor.u32 v12, v35;
	[tilespmem:s26+$0x180] =	vst v21;
	v51 =	vld.idx.msk [tilespmem:v20+s4+$0x0], $0xffff;
	v20 =	vmov v17  }
0x109: {  	v29 =	vor.u32 v46, v29;
	v35 =	vadd.s32 v5, v34;
	v17 =	vmov v27;
	[tilespmem:s22+$0x80] =	vst v48;
	v48 =	vld.idx.msk [tilespmem:v42+s4+$0x0], $0xffff  }
0x10a: {  	v31 =	vor.u32 v46, v35;
	v27 =	vadd.s32 v4, v34;
	v21 =	vmov v24;
	v52 =	vld.idx.msk [tilespmem:v40+s4+$0x0], $0xffff;
	[tilespmem:s28+$0x180] =	vst v43  }
0x10b: {  	s8 =	sadd.s32 $0x10, s0;
	s2 =	sor.u32 $0x300, s0;
	v24 =	vor.u32 v46, v27;
	v27 =	vadd.s32 v3, v34;
	v40 =	vadd.s32 v3, v8;
	v37 =	vld.idx.msk [tilespmem:v45+s4+$0x0], $0xffff  }
0x10c: {  	v35 =	vor.u32 v46, v27;
	v53 =	vor.u32 v9, v40;
	v41 =	vld.idx.msk [tilespmem:v23+s4+$0x0], $0xffff;
	[tilespmem:s2+$0x15000] =	vst v36;
	s2 =	sor.u32 $0x300, s8;
	v23 =	vmov v28  }
.Ltmp7:
0x10d: {  	v27 =	vshll.u32 v49, $0x3;
	v28 =	vadd.s32 v2, v34;
	v36 =	vadd.s32 v1, v34;
	v42 =	vld.idx.msk [tilespmem:v44+s4+$0x0], $0xffff;
	[tilespmem:s23+$0x80] =	vst v47;
	(pc) =	sbr.rel @p0 .LBB2_7-.Ltmp7, $4  }
0x10e: {  	s7 =	sand.u32 $0x3C00, s30;
	v34 =	vand.u32 $0xFFFFFC00, v27;
	v27 =	vor.u32 v46, v28;
	v47 =	vadd.s32 v5, v7;
	v43 =	vld.idx.msk [tilespmem:v30+s4+$0x0], $0xffff;
	[tilespmem:s2+$0x15000] =	vst v51  }
0x10f: {  	s11 =	sor.u32 $0x380, s0;
	s10 =	sadd.s32 $0x15000, s7;
	s0 =	smov.u32 s16;
	v40 =	vadd.s32 v10, v34;
	v45 =	vor.u32 v12, v47;
	v30 =	vmov v29;
	[tilespmem:s26+$0x200] =	vst v48;
	v44 =	vld.idx.msk [tilespmem:v50+s4+$0x0], $0xffff  }
0x110: {  	s1 =	sadd.s32 $0x1, s1;
	s7 =	sor.u32 s14, s10;
	s16 =	sor.u32 $0x380, s8;
	v36 =	vor.u32 v46, v36;
	v29 =	vand.u32 $0x7F, v49;
	v48 =	vadd.s32 v2, v34;
	v28 =	vmovc v24;
	v46 =	vld.idx.msk [tilespmem:v16+s4+$0x0], $0xffff  }
0x111: {  	s9 =	sadd.s32 $0x20, s9;
	s30 =	sadd.s32 $0x100, s30;
	s14 =	sand.u32 $0x3, s1;
	v40 =	vor.u32 v29, v40;
	v24 =	vmovc v26;
	v26 =	vmov v48;
	v16 =	vmov v39;
	[tilespmem:s7+$0x0] =	vst v52;
	v47 =	vld.idx.msk [tilespmem:v53+s4+$0x0], $0xffff  }
0x112: {  	v39 =	vshll.u32 v33, $0x3  }
0x113: {  	v39 =	vand.u32 $0xFFFFFC00, v39  }
0x114: {  	v33 =	vand.u32 $0x7F, v33;
	v10 =	vadd.s32 v10, v39  }
0x115: {  	v10 =	vor.u32 v33, v10  }
0x116: {  	[tilespmem:s28+$0x200] =	vst v41  }
0x117: {  	[tilespmem:s22+$0x100] =	vst v42;
	v40 =	vld.idx.msk [tilespmem:v40+s4+$0x0], $0xffff  }
0x118: {  	v38 =	vld.idx.msk [tilespmem:v38+s4+$0x0], $0xffff;
	[tilespmem:s23+$0x100] =	vst v43  }
0x119: {  	s1 =	sor.u32 s29, s10;
	v15 =	vor.u32 v9, v15;
	v22 =	vld.idx.msk [tilespmem:v22+s4+$0x0], $0xffff;
	[tilespmem:s11+$0x15000] =	vst v44;
	v44 =	vadd.s32 v11, v34  }
0x11a: {  	s2 =	sand.u32 $0x3C00, s30;
	[tilespmem:s1+$0x0] =	vst v37;
	v48 =	vadd.s32 v11, v39;
	v41 =	vor.u32 v29, v44;
	v10 =	vld.idx.msk [tilespmem:v10+s4+$0x0], $0xffff  }
0x11b: {  	v49 =	vadd.s32 v6, v14;
	v42 =	vld.idx.msk [tilespmem:v45+s4+$0x0], $0xffff;
	s2 =	sadd.s32 $0x15000, s2;
	[tilespmem:s16+$0x15000] =	vst v46;
	v11 =	vor.u32 v33, v48  }
0x11c: {  	v51 =	vor.u32 v19, v49;
	s9 =	sor.u32 s3, s2;
	v50 =	vld.idx.msk [tilespmem:v32+s4+$0x0], $0xffff;
	[tilespmem:s26+$0x280] =	vst v47  }
0x11d: {  	v25 =	vld.idx.msk [tilespmem:v25+s4+$0x0], $0xffff;
	[tilespmem:s9+$0x0] =	vst v40  }
0x11e: {  	v56 =	vadd.s32 v4, v7;
	s21 =	sor.u32 s5, s2;
	v15 =	vld.idx.msk [tilespmem:v15+s4+$0x0], $0xffff;
	[tilespmem:s7+$0x80] =	vst v38  }
0x11f: {  	v53 =	vadd.s32 v6, v34;
	v57 =	vor.u32 v12, v56;
	v52 =	vld.idx.msk [tilespmem:v41+s4+$0x0], $0xffff;
	[tilespmem:s21+$0x0] =	vst v10  }
0x120: {  	v55 =	vor.u32 v29, v53;
	v54 =	vadd.s32 v6, v39;
	[tilespmem:s28+$0x280] =	vst v22;
	v10 =	vld.idx.msk [tilespmem:v11+s4+$0x0], $0xffff  }
0x121: {  	v59 =	vadd.s32 v5, v14;
	v6 =	vor.u32 v33, v54;
	v58 =	vld.idx.msk [tilespmem:v51+s4+$0x0], $0xffff;
	[tilespmem:s1+$0x80] =	vst v50  }
0x122: {  	[tilespmem:s22+$0x180] =	vst v42;
	v22 =	vor.u32 v19, v59;
	v30 =	vld.idx.msk [tilespmem:v30+s4+$0x0], $0xffff  }
0x123: {  	v20 =	vld.idx.msk [tilespmem:v20+s4+$0x0], $0xffff;
	[tilespmem:s23+$0x180] =	vst v25  }
0x124: {  	v62 =	vld.idx.msk [tilespmem:v57+s4+$0x0], $0xffff;
	[tilespmem:s9+$0x80] =	vst v52  }
0x125: {  	v60 =	vadd.s32 v5, v34;
	v11 =	vld.idx.msk [tilespmem:v55+s4+$0x0], $0xffff;
	[tilespmem:s21+$0x80] =	vst v10  }
0x126: {  	v61 =	vadd.s32 v5, v39;
	[tilespmem:s7+$0x100] =	vst v58;
	v10 =	vor.u32 v29, v60;
	v6 =	vld.idx.msk [tilespmem:v6+s4+$0x0], $0xffff  }
0x127: {  	v5 =	vor.u32 v33, v61;
	s26 =	sor.u32 $0x300, s0;
	s28 =	sadd.s32 $0x10, s0;
	v25 =	vld.idx.msk [tilespmem:v22+s4+$0x0], $0xffff;
	[tilespmem:s1+$0x100] =	vst v30;
	v30 =	vadd.s32 v4, v14  }
0x128: {  	s29 =	sor.u32 $0x300, s28;
	[tilespmem:s26+$0x15000] =	vst v15;
	v22 =	vor.u32 v19, v30;
	v31 =	vld.idx.msk [tilespmem:v31+s4+$0x0], $0xffff  }
0x129: {  	v8 =	vadd.s32 v1, v8;
	v63 =	vld.idx.msk [tilespmem:v23+s4+$0x0], $0xffff;
	[tilespmem:s29+$0x15000] =	vst v20  }
0x12a: {  	v8 =	vor.u32 v9, v8;
	v41 =	vld.idx.msk [tilespmem:v16+s4+$0x0], $0xffff;
	[tilespmem:s9+$0x100] =	vst v11  }
0x12b: {  	v32 =	vadd.s32 v4, v34;
	v10 =	vld.idx.msk [tilespmem:v10+s4+$0x0], $0xffff;
	[tilespmem:s21+$0x100] =	vst v6  }
0x12c: {  	v37 =	vadd.s32 v4, v39;
	[tilespmem:s7+$0x180] =	vst v25;
	v6 =	vor.u32 v29, v32;
	v5 =	vld.idx.msk [tilespmem:v5+s4+$0x0], $0xffff  }
0x12d: {  	v43 =	vadd.s32 v3, v14;
	v4 =	vor.u32 v33, v37;
	v42 =	vld.idx.msk [tilespmem:v22+s4+$0x0], $0xffff;
	[tilespmem:s1+$0x180] =	vst v31  }
0x12e: {  	[tilespmem:s22+$0x200] =	vst v62;
	v16 =	vor.u32 v19, v43;
	v44 =	vld.idx.msk [tilespmem:v28+s4+$0x0], $0xffff  }
0x12f: {  	v38 =	vadd.s32 v3, v7;
	v8 =	vld.idx.msk [tilespmem:v8+s4+$0x0], $0xffff;
	[tilespmem:s23+$0x200] =	vst v63  }
0x130: {  	v40 =	vor.u32 v12, v38;
	[tilespmem:s9+$0x180] =	vst v10  }
0x131: {  	v45 =	vadd.s32 v3, v34;
	v6 =	vld.idx.msk [tilespmem:v6+s4+$0x0], $0xffff;
	[tilespmem:s21+$0x180] =	vst v5  }
0x132: {  	v3 =	vadd.s32 v3, v39;
	[tilespmem:s7+$0x200] =	vst v42;
	v5 =	vor.u32 v29, v45;
	v4 =	vld.idx.msk [tilespmem:v4+s4+$0x0], $0xffff  }
0x133: {  	s2 =	sor.u32 $0x380, s0;
	v3 =	vor.u32 v33, v3;
	v49 =	vld.idx.msk [tilespmem:v16+s4+$0x0], $0xffff;
	[tilespmem:s1+$0x200] =	vst v44  }
0x134: {  	s5 =	sor.u32 $0x380, s28;
	v50 =	vor.u32 v19, v24;
	[tilespmem:s2+$0x15000] =	vst v8;
	v51 =	vld.idx.msk [tilespmem:v35+s4+$0x0], $0xffff  }
0x135: {  	v46 =	vld.idx.msk [tilespmem:v40+s4+$0x0], $0xffff;
	[tilespmem:s5+$0x15000] =	vst v41  }
0x136: {  	v47 =	vor.u32 v12, v21;
	v48 =	vld.idx.msk [tilespmem:v18+s4+$0x0], $0xffff;
	[tilespmem:s9+$0x200] =	vst v6  }
0x137: {  	v5 =	vld.idx.msk [tilespmem:v5+s4+$0x0], $0xffff;
	[tilespmem:s21+$0x200] =	vst v4  }
0x138: {  	v2 =	vadd.s32 v2, v39;
	v52 =	vor.u32 v29, v26;
	[tilespmem:s7+$0x280] =	vst v49;
	v3 =	vld.idx.msk [tilespmem:v3+s4+$0x0], $0xffff  }
0x139: {  	v56 =	vadd.s32 v1, v14;
	v2 =	vor.u32 v33, v2;
	v57 =	vld.idx.msk [tilespmem:v50+s4+$0x0], $0xffff;
	[tilespmem:s1+$0x280] =	vst v51  }
0x13a: {  	v9 =	vor.u32 v19, v56;
	[tilespmem:s22+$0x280] =	vst v46;
	v58 =	vld.idx.msk [tilespmem:v27+s4+$0x0], $0xffff  }
0x13b: {  	v53 =	vadd.s32 v1, v7;
	v54 =	vld.idx.msk [tilespmem:v47+s4+$0x0], $0xffff;
	[tilespmem:s23+$0x280] =	vst v48  }
0x13c: {  	v55 =	vld.idx.msk [tilespmem:v17+s4+$0x0], $0xffff;
	v6 =	vor.u32 v12, v53;
	[tilespmem:s9+$0x280] =	vst v5  }
0x13d: {  	s12 =	sadd.s32 $0x10, s25;
	s11 =	sor.u32 $0x300, s25;
	v59 =	vadd.s32 v1, v34;
	v4 =	vld.idx.msk [tilespmem:v52+s4+$0x0], $0xffff;
	[tilespmem:s21+$0x280] =	vst v3  }
0x13e: {  	s13 =	sor.u32 $0x300, s12;
	v1 =	vadd.s32 v1, v39;
	[tilespmem:s11+$0x15000] =	vst v57;
	v3 =	vor.u32 v29, v59;
	v2 =	vld.idx.msk [tilespmem:v2+s4+$0x0], $0xffff  }
0x13f: {  	s8 =	sadd.s32 $0x10, s24;
	s10 =	sshll.u32 s14, $0x5;
	v1 =	vor.u32 v33, v1;
	s7 =	sor.u32 $0x300, s24;
	[tilespmem:s13+$0x15000] =	vst v58;
	v62 =	vld.idx.msk [tilespmem:v9+s4+$0x0], $0xffff  }
0x140: {  	s2 =	sadd.s32 s10, s30;
	[tilespmem:s7+$0x15000] =	vst v54;
	v63 =	vld.idx.msk [tilespmem:v36+s4+$0x0], $0xffff;
	s9 =	sor.u32 $0x300, s8  }
0x141: {  	s14 =	sor.u32 $0x300, s2;
	s15 =	sadd.s32 $0x10, s2;
	v60 =	vld.idx.msk [tilespmem:v6+s4+$0x0], $0xffff;
	[tilespmem:s9+$0x15000] =	vst v55  }
0x142: {  	s16 =	sor.u32 $0x300, s15;
	v61 =	vld.idx.msk [tilespmem:v13+s4+$0x0], $0xffff;
	[tilespmem:s14+$0x15000] =	vst v4  }
0x143: {  	s23 =	sor.u32 $0x380, s25;
	[tilespmem:s16+$0x15000] =	vst v2;
	v2 =	vld.idx.msk [tilespmem:v3+s4+$0x0], $0xffff  }
0x144: {  	[tilespmem:s23+$0x15000] =	vst v62;
	s21 =	sor.u32 $0x380, s24;
	s24 =	sor.u32 $0x380, s12;
	v1 =	vld.idx.msk [tilespmem:v1+s4+$0x0], $0xffff  }
0x145: {  	[tilespmem:s24+$0x15000] =	vst v63  }
.Ltmp8:
0x146: {  	s22 =	sor.u32 $0x380, s8;
	s25 =	sshll.u32 s20, $0xC;
	[tilespmem:s21+$0x15000] =	vst v60;
	(pc) =	sbr.rel .LBB2_9-.Ltmp8, $4  }
0x147: {  	s28 =	sshll.u32 s18, $0xF;
	s26 =	sor.u32 $0x380, s2;
	s0 =	sadd.s32 s31, s25;
	[tilespmem:s22+$0x15000] =	vst v61  }
0x148: {  	s29 =	sor.u32 $0x380, s15;
	s0 =	sadd.s32 s28, s0;
	[tilespmem:s26+$0x15000] =	vst v2  }
0x149: {  	s30 =	simm.s32 $0x15000;
	s0 =	sadd.s32 s19, s0;
	[tilespmem:s29+$0x15000] =	vst v1  }
0x14a: {  	[hbm4b:s0+s4] =	stream.linear.scatter [tilespmem:s30], [sflag:$0x2], $0x4000, $0x38;
	[tilespmem:$0x19000] =	vst v63  }
.LBB2_11:
0x14b: {  	_ =	sfence.sel $0x180000  }
0x14c: {  	[bflag:$0x0] =	sbarrier.arrive $0xFFFF  }
0x14d: {  	_ =	strace $0x90000047  }
0x14e: {  	s0 =	stileid.u32;
	[bflag:$0x2] =	sbarrier.arrive $0xFFFF  }
0x14f: {  	p0 =	sne.s32 s0, $0x0;
	s0 =	rddreg [dreg:$0x3]  }
0x150: {  	s0 =	sadd.s32 @!p0 $0x100000, s0  }
0x151: {  	[sflag:s0] =	ssyncadd.tile.s32 @!p0 $0x1;
	_ =	shalt  }
.Lfunc_end2:
_tile_overlayer_lowered:
.L_overlay_start_2:
0x152: {  	(tag) =	ssettag $0x2  }
0x153: {  	s0 =	rddreg [dreg:$0x0];
	s2 =	stileid.u32  }
0x154: {  	s1 =	rddreg [dreg:$0x1];
	p0 =	sne.s32 s2, $0x0  }
0x155: {  	s3 =	rddreg [dreg:$0x2];
	[bflag:$0x3] =	sbarrier.arrive $0xFFFF;
	s2 =	simm.s32 @!p0 $0x1C03  }
0x156: {  	[timem:s3], [sflag:s2] =	dma.local @!p0 [hbm:s0], s1  }
0x157: {  	s0 =	simm.s32 @!p0 $0x3  }
0x158: {  	_ =	swait.ge @!p0 [sflag:s0], s1  }
0x159: {  	s1 =	ssub.s32 @!p0 $0x0, s1;
	[sflag:s0] =	ssyncset.done @!p0 $0x0  }
0x15a: {  	[sflag:s0] =	ssyncadd.s32 @!p0 s1  }
0x15b: {  	[bflag:$0x3] =	sbarrier.arrive $0xFFFF  }
0x15c: {  	_ =	shalt  }

</sc_bundles>
